<compile_context>
chip_gen: v7x
topology: tpu7x:2x2x1
jax: 0.10.2.dev20260603
libtpu: 0.0.44.dev20260713+nightly
codegen_flags: <defaults>
</compile_context>

<pallas_src>
import functools

import jax
import jax.numpy as jnp
from jax import lax
from jax.experimental import pallas as pl
from jax.experimental.pallas import tpu as pltpu
from jax.experimental.pallas import tpu_sc as plsc

_B, _C, _H, _W, _K = 32, 4, 256, 256, 500
_HW = _H * _W
_KP = 512
_E = _KP * _C
_CHUNK = 128
_GB = _KP // _CHUNK
_ROW = _KP + _E

_mesh = plsc.VectorSubcoreMesh(core_axis_name="c", subcore_axis_name="s")


@functools.partial(
    pl.kernel,
    out_type=jax.ShapeDtypeStruct((_B, 32), jnp.float32),
    mesh=_mesh,
    compiler_params=pltpu.CompilerParams(needs_layout_passes=False),
    scratch_types=[
        pltpu.VMEM((_KP,), jnp.float32),
        pltpu.VMEM((_KP,), jnp.float32),
        pltpu.VMEM((_E,), jnp.float32),
        pltpu.VMEM((_E,), jnp.int32),
        pltpu.VMEM((_E,), jnp.float32),
        pltpu.VMEM((32,), jnp.float32),
        pltpu.SemaphoreType.DMA,
    ],
)
def _sc_gather_loss(out_hbm, prep_hbm, part_hbm,
                    pk_v, mf_v, tgt_v, cidx, pred_v, stage, sem):
    b = lax.axis_index("s") * _mesh.num_cores + lax.axis_index("c")
    pltpu.sync_copy(prep_hbm.at[pl.ds(b * _ROW, _KP)], pk_v)
    pltpu.sync_copy(prep_hbm.at[pl.ds(b * _ROW + _KP, _E)], tgt_v)

    base = b * (_C * _HW)

    def build(j, carry):
        pk = plsc.bitcast(pk_v[pl.ds(j * 16, 16)], jnp.int32)
        p = lax.bitwise_and(pk, 65535)
        mf_v[pl.ds(j * 16, 16)] = lax.shift_right_logical(pk, 16).astype(
            jnp.float32)
        tiled = (lax.shift_right_logical(p, 11) * 2048
                 + lax.bitwise_and(lax.shift_right_logical(p, 7), 1) * 1024
                 + lax.bitwise_and(lax.shift_right_logical(p, 8), 7) * 128
                 + lax.bitwise_and(p, 127))
        addr = base + tiled
        for c in range(_C):
            cidx[pl.ds(c * _KP + j * 16, 16)] = addr + c * _HW
        return carry

    copies = []
    for g in range(_GB):
        lax.fori_loop(g * 8, (g + 1) * 8, build, 0, unroll=4)
        for c in range(_C):
            o = c * _KP + g * _CHUNK
            copies.append(pltpu.async_copy(
                out_hbm.at[cidx.at[pl.ds(o, _CHUNK)]],
                pred_v.at[pl.ds(o, _CHUNK)], sem))

    def acc_body(j, carry):
        a, m = carry
        mf = mf_v[pl.ds(j * 16, 16)]
        for c in range(_C):
            o = c * _KP + j * 16
            a = a + jnp.abs(pred_v[pl.ds(o, 16)] - tgt_v[pl.ds(o, 16)]) * mf
        return a, m + mf

    a = jnp.zeros((16,), jnp.float32)
    m = jnp.zeros((16,), jnp.float32)
    for g in range(_GB):
        for c in range(_C):
            copies[g * _C + c].wait()
        a, m = lax.fori_loop(g * 8, (g + 1) * 8, acc_body, (a, m), unroll=4)

    stage[pl.ds(0, 16)] = a
    stage[pl.ds(16, 16)] = m
    pltpu.sync_copy(stage, part_hbm.at[b])


def _reduce_body(part_ref, o_ref):
    x = part_ref[...]
    loss = jnp.sum(x[:, :16]) / (_C * jnp.sum(x[:, 16:]) + 0.0001)
    o_ref[...] = loss[None, None]


@jax.jit
def kernel(output, mask, ind, target):
    out_flat = (output.reshape(_B, _C, _H // 8, 8, _W // 128, 128)
                .transpose(0, 1, 2, 4, 3, 5).reshape(-1))
    packed = jnp.pad(ind.astype(jnp.int32)
                     | (mask.astype(jnp.int32) << 16), ((0, 0), (0, _KP - _K)))
    tgt_p = jnp.pad(target.transpose(0, 2, 1),
                    ((0, 0), (0, 0), (0, _KP - _K))).reshape(_B, _E)
    prep = jnp.concatenate(
        [jax.lax.bitcast_convert_type(packed, jnp.float32), tgt_p],
        axis=1).reshape(-1)
    part = _sc_gather_loss(out_flat, prep)
    red = pl.pallas_call(
        _reduce_body,
        out_shape=jax.ShapeDtypeStruct((1, 1), jnp.float32),
    )(part)
    return red[0, 0]

# --- scband reference (transcript-rebuilt; emitter-appended) ---
"""Pipeline reference for scband-reg-l1-loss-6837587935258 (READ-ONLY COPY).

The authoritative reference and input builder live on the scoring server;
editing this copy changes nothing except your own understanding.
"""

import jax, jax.numpy as jnp
import numpy as np


def setup_inputs(seed: int = 0) -> dict:
    key = jax.random.key(seed)
    k1, k2, k3, k4 = jax.random.split(key, 4)
    B, C, H, W, K = 32, 4, 256, 256, 500
    output = jax.random.normal(k1, (B, C, H, W), dtype=jnp.float32)
    mask = jax.random.randint(k2, (B, K), 0, 2, dtype=jnp.int32)
    ind = jax.random.randint(k3, (B, K), 0, H * W, dtype=jnp.int64)
    target = jax.random.normal(k4, (B, K, C), dtype=jnp.float32)
    return {"output": output, "mask": mask, "ind": ind, "target": target}


def reference(output, mask, ind, target):
    B, C, H, W = output.shape
    # _transpose_and_gather_feat: permute to [B, H, W, C], flatten to [B, H*W, C], gather along dim 1
    feat = jnp.transpose(output, (0, 2, 3, 1)).reshape(B, H * W, C)
    pred = jnp.take_along_axis(feat, ind[:, :, None].astype(jnp.int32), axis=1)  # [B, K, C]
    m = jnp.broadcast_to(mask.astype(jnp.float32)[:, :, None], pred.shape)
    loss = jnp.sum(jnp.abs(pred * m - target * m))
    loss = loss / (jnp.sum(m) + 0.0001)
    return loss

if __name__ == "__main__":
    import jax
    _d = setup_inputs()
    print(jax.jit(kernel)(*tuple(_d.values())))

</pallas_src>

<mosaic_0001>
#map = affine_map<(d0, d1) -> (0)>
#map1 = affine_map<(d0, d1) -> (0, 0)>
module attributes {stable_mosaic.version = 14 : i64} {
  func.func @_sc_gather_loss(%arg0: i32, %arg1: i32, %arg2: memref<8388608xf32, #tpu.memory_space<hbm>>, %arg3: memref<81920xf32, #tpu.memory_space<hbm>>, %arg4: memref<32x32xf32, #tpu.memory_space<hbm>>, %arg5: memref<512xf32, #tpu.memory_space<vmem>>, %arg6: memref<512xf32, #tpu.memory_space<vmem>>, %arg7: memref<2048xf32, #tpu.memory_space<vmem>>, %arg8: memref<2048xi32, #tpu.memory_space<vmem>>, %arg9: memref<2048xf32, #tpu.memory_space<vmem>>, %arg10: memref<32xf32, #tpu.memory_space<vmem>>, %arg11: memref<!tpu.dma_semaphore, #tpu.memory_space<semaphore_mem>>) attributes {dimension_semantics = [#tpu.dimension_semantics<core_parallel>, #tpu.dimension_semantics<subcore_parallel>], iteration_bounds = array<i64: 2, 16>, scalar_prefetch = 0 : i64, scratch_operands = 7 : i64, tpu.core_type = #tpu.core_type<sc_vector_subcore>, window_params = [{transform_indices = #map}, {transform_indices = #map}, {transform_indices = #map1}]} {
    %mul3A = arith.constant 2 : i32
    %mul3A_0 = arith.muli %arg1, %mul3A : i32
    %add3A = arith.addi %mul3A_0, %arg0 : i32
    %mul3A_1 = arith.constant 2560 : i32
    %mul3A_2 = arith.muli %add3A, %mul3A_1 : i32
    "tpu.region"() ({
      %run_scoped3A = tpu.sem_alloc : memref<!tpu.dma_semaphore, #tpu.memory_space<semaphore_mem>>
      %dma_start3A_252 = tpu.memref_slice %arg3[%mul3A_2] : memref<81920xf32, #tpu.memory_space<hbm>> -> memref<512xf32, #tpu.memory_space<hbm>>
      %dma_start3A_253 = tpu.memref_slice %arg3[%mul3A_2] : memref<81920xf32, #tpu.memory_space<hbm>> -> memref<512xf32, #tpu.memory_space<hbm>>
      tpu.enqueue_dma source(%dma_start3A_253 : memref<512xf32, #tpu.memory_space<hbm>>) target(%arg5 : memref<512xf32, #tpu.memory_space<vmem>>) target_semaphore(%run_scoped3A : memref<!tpu.dma_semaphore, #tpu.memory_space<semaphore_mem>>)
      %dma_wait3A_254 = tpu.memref_slice %arg3[%mul3A_2] : memref<81920xf32, #tpu.memory_space<hbm>> -> memref<512xf32, #tpu.memory_space<hbm>>
      %dma_wait3A_255 = tpu.memref_slice %arg3[%mul3A_2] : memref<81920xf32, #tpu.memory_space<hbm>> -> memref<512xf32, #tpu.memory_space<hbm>>
      tpu.wait_dma2 semaphore(%run_scoped3A : memref<!tpu.dma_semaphore, #tpu.memory_space<semaphore_mem>>) src(%dma_wait3A_255 : memref<512xf32, #tpu.memory_space<hbm>>) dst(%arg5 : memref<512xf32, #tpu.memory_space<vmem>>)
      tpu.yield
    }) : () -> ()
    %mul3A_3 = arith.constant 2560 : i32
    %mul3A_4 = arith.muli %add3A, %mul3A_3 : i32
    %add3A_5 = arith.constant 512 : i32
    %add3A_6 = arith.addi %mul3A_4, %add3A_5 : i32
    "tpu.region"() ({
      %run_scoped3A = tpu.sem_alloc : memref<!tpu.dma_semaphore, #tpu.memory_space<semaphore_mem>>
      %dma_start3A_252 = tpu.memref_slice %arg3[%add3A_6] : memref<81920xf32, #tpu.memory_space<hbm>> -> memref<2048xf32, #tpu.memory_space<hbm>>
      %dma_start3A_253 = tpu.memref_slice %arg3[%add3A_6] : memref<81920xf32, #tpu.memory_space<hbm>> -> memref<2048xf32, #tpu.memory_space<hbm>>
      tpu.enqueue_dma source(%dma_start3A_253 : memref<2048xf32, #tpu.memory_space<hbm>>) target(%arg7 : memref<2048xf32, #tpu.memory_space<vmem>>) target_semaphore(%run_scoped3A : memref<!tpu.dma_semaphore, #tpu.memory_space<semaphore_mem>>)
      %dma_wait3A_254 = tpu.memref_slice %arg3[%add3A_6] : memref<81920xf32, #tpu.memory_space<hbm>> -> memref<2048xf32, #tpu.memory_space<hbm>>
      %dma_wait3A_255 = tpu.memref_slice %arg3[%add3A_6] : memref<81920xf32, #tpu.memory_space<hbm>> -> memref<2048xf32, #tpu.memory_space<hbm>>
      tpu.wait_dma2 semaphore(%run_scoped3A : memref<!tpu.dma_semaphore, #tpu.memory_space<semaphore_mem>>) src(%dma_wait3A_255 : memref<2048xf32, #tpu.memory_space<hbm>>) dst(%arg7 : memref<2048xf32, #tpu.memory_space<vmem>>)
      tpu.yield
    }) : () -> ()
    %mul3A_7 = arith.constant 262144 : i32
    %mul3A_8 = arith.muli %add3A, %mul3A_7 : i32
    %scan3A = arith.constant 0 : i32
    %scan3A_9 = arith.constant 0 : i32
    %scan3A_10 = arith.constant 8 : i32
    %scan3A_11 = arith.addi %scan3A_9, %scan3A_10 : i32
    %scan3A_12 = arith.constant 4 : i32
    scf.for %scan3A_252 = %scan3A_9 to %scan3A_11 step %scan3A_12  : i32 {
      %mul3A_253 = arith.constant 16 : i32
      %mul3A_254 = arith.muli %scan3A_252, %mul3A_253 : i32
      %get3A = arith.index_cast %mul3A_254 : i32 to index
      %get3A_255 = tpu.vector_load %arg5[%get3A] {strides = array<i32>} : memref<512xf32, #tpu.memory_space<vmem>>, vector<16xf32>,
      %bitcast3A = vector.bitcast %get3A_255 : vector<16xf32> to vector<16xi32>
      %and3A = arith.constant 65535 : i32
      %and3A_256 = vector.broadcast %and3A : i32 to vector<16xi32>
      %and3A_257 = arith.andi %bitcast3A, %and3A_256 : vector<16xi32>
      %shift_right_logical3A = arith.constant 16 : i32
      %shift_right_logical3A_258 = vector.broadcast %shift_right_logical3A : i32 to vector<16xi32>
      %shift_right_logical3A_259 = arith.shrui %bitcast3A, %shift_right_logical3A_258 : vector<16xi32>
      %convert_element_type3A = arith.sitofp %shift_right_logical3A_259 : vector<16xi32> to vector<16xf32>
      %mul3A_260 = arith.constant 16 : i32
      %mul3A_261 = arith.muli %scan3A_252, %mul3A_260 : i32
      %swap3A_262 = arith.index_cast %mul3A_261 : i32 to index
      %swap3A_263 = tpu.vector_load %arg6[%swap3A_262] {strides = array<i32>} : memref<512xf32, #tpu.memory_space<vmem>>, vector<16xf32>,
      tpu.vector_store %arg6[%swap3A_262], %convert_element_type3A {strides = array<i32>} : memref<512xf32, #tpu.memory_space<vmem>>, vector<16xf32>,
      %shift_right_logical3A_264 = arith.constant 11 : i32
      %shift_right_logical3A_265 = vector.broadcast %shift_right_logical3A_264 : i32 to vector<16xi32>
      %shift_right_logical3A_266 = arith.shrui %and3A_257, %shift_right_logical3A_265 : vector<16xi32>
      %mul3A_267 = arith.constant 2048 : i32
      %mul3A_268 = vector.broadcast %mul3A_267 : i32 to vector<16xi32>
      %mul3A_269 = arith.muli %shift_right_logical3A_266, %mul3A_268 : vector<16xi32>
      %shift_right_logical3A_270 = arith.constant 7 : i32
      %shift_right_logical3A_271 = vector.broadcast %shift_right_logical3A_270 : i32 to vector<16xi32>
      %shift_right_logical3A_272 = arith.shrui %and3A_257, %shift_right_logical3A_271 : vector<16xi32>
      %and3A_273 = arith.constant 1 : i32
      %and3A_274 = vector.broadcast %and3A_273 : i32 to vector<16xi32>
      %and3A_275 = arith.andi %shift_right_logical3A_272, %and3A_274 : vector<16xi32>
      %mul3A_276 = arith.constant 1024 : i32
      %mul3A_277 = vector.broadcast %mul3A_276 : i32 to vector<16xi32>
      %mul3A_278 = arith.muli %and3A_275, %mul3A_277 : vector<16xi32>
      %add3A_279 = arith.addi %mul3A_269, %mul3A_278 : vector<16xi32>
      %shift_right_logical3A_280 = arith.constant 8 : i32
      %shift_right_logical3A_281 = vector.broadcast %shift_right_logical3A_280 : i32 to vector<16xi32>
      %shift_right_logical3A_282 = arith.shrui %and3A_257, %shift_right_logical3A_281 : vector<16xi32>
      %and3A_283 = arith.constant 7 : i32
      %and3A_284 = vector.broadcast %and3A_283 : i32 to vector<16xi32>
      %and3A_285 = arith.andi %shift_right_logical3A_282, %and3A_284 : vector<16xi32>
      %mul3A_286 = arith.constant 128 : i32
      %mul3A_287 = vector.broadcast %mul3A_286 : i32 to vector<16xi32>
      %mul3A_288 = arith.muli %and3A_285, %mul3A_287 : vector<16xi32>
      %add3A_289 = arith.addi %add3A_279, %mul3A_288 : vector<16xi32>
      %and3A_290 = arith.constant 127 : i32
      %and3A_291 = vector.broadcast %and3A_290 : i32 to vector<16xi32>
      %and3A_292 = arith.andi %and3A_257, %and3A_291 : vector<16xi32>
      %add3A_293 = arith.addi %add3A_289, %and3A_292 : vector<16xi32>
      %add3A_294 = vector.broadcast %mul3A_8 : i32 to vector<16xi32>
      %add3A_295 = arith.addi %add3A_294, %add3A_293 : vector<16xi32>
      %add3A_296 = arith.constant 0 : i32
      %add3A_297 = vector.broadcast %add3A_296 : i32 to vector<16xi32>
      %add3A_298 = arith.addi %add3A_295, %add3A_297 : vector<16xi32>
      %mul3A_299 = arith.constant 16 : i32
      %mul3A_300 = arith.muli %scan3A_252, %mul3A_299 : i32
      %add3A_301 = arith.constant 0 : i32
      %add3A_302 = arith.addi %add3A_301, %mul3A_300 : i32
      %swap3A_303 = arith.index_cast %add3A_302 : i32 to index
      %swap3A_304 = tpu.vector_load %arg8[%swap3A_303] {strides = array<i32>} : memref<2048xi32, #tpu.memory_space<vmem>>, vector<16xi32>,
      tpu.vector_store %arg8[%swap3A_303], %add3A_298 {strides = array<i32>} : memref<2048xi32, #tpu.memory_space<vmem>>, vector<16xi32>,
      %add3A_305 = arith.constant 65536 : i32
      %add3A_306 = vector.broadcast %add3A_305 : i32 to vector<16xi32>
      %add3A_307 = arith.addi %add3A_295, %add3A_306 : vector<16xi32>
      %mul3A_308 = arith.constant 16 : i32
      %mul3A_309 = arith.muli %scan3A_252, %mul3A_308 : i32
      %add3A_310 = arith.constant 512 : i32
      %add3A_311 = arith.addi %add3A_310, %mul3A_309 : i32
      %swap3A_312 = arith.index_cast %add3A_311 : i32 to index
      %swap3A_313 = tpu.vector_load %arg8[%swap3A_312] {strides = array<i32>} : memref<2048xi32, #tpu.memory_space<vmem>>, vector<16xi32>,
      tpu.vector_store %arg8[%swap3A_312], %add3A_307 {strides = array<i32>} : memref<2048xi32, #tpu.memory_space<vmem>>, vector<16xi32>,
      %add3A_314 = arith.constant 131072 : i32
      %add3A_315 = vector.broadcast %add3A_314 : i32 to vector<16xi32>
      %add3A_316 = arith.addi %add3A_295, %add3A_315 : vector<16xi32>
      %mul3A_317 = arith.constant 16 : i32
      %mul3A_318 = arith.muli %scan3A_252, %mul3A_317 : i32
      %add3A_319 = arith.constant 1024 : i32
      %add3A_320 = arith.addi %add3A_319, %mul3A_318 : i32
      %swap3A_321 = arith.index_cast %add3A_320 : i32 to index
      %swap3A_322 = tpu.vector_load %arg8[%swap3A_321] {strides = array<i32>} : memref<2048xi32, #tpu.memory_space<vmem>>, vector<16xi32>,
      tpu.vector_store %arg8[%swap3A_321], %add3A_316 {strides = array<i32>} : memref<2048xi32, #tpu.memory_space<vmem>>, vector<16xi32>,
      %add3A_323 = arith.constant 196608 : i32
      %add3A_324 = vector.broadcast %add3A_323 : i32 to vector<16xi32>
      %add3A_325 = arith.addi %add3A_295, %add3A_324 : vector<16xi32>
      %mul3A_326 = arith.constant 16 : i32
      %mul3A_327 = arith.muli %scan3A_252, %mul3A_326 : i32
      %add3A_328 = arith.constant 1536 : i32
      %add3A_329 = arith.addi %add3A_328, %mul3A_327 : i32
      %swap3A_330 = arith.index_cast %add3A_329 : i32 to index
      %swap3A_331 = tpu.vector_load %arg8[%swap3A_330] {strides = array<i32>} : memref<2048xi32, #tpu.memory_space<vmem>>, vector<16xi32>,
      tpu.vector_store %arg8[%swap3A_330], %add3A_325 {strides = array<i32>} : memref<2048xi32, #tpu.memory_space<vmem>>, vector<16xi32>,
      %scan3A_332 = arith.constant 1 : i32
      %scan3A_333 = arith.addi %scan3A_252, %scan3A_332 : i32
      %mul3A_334 = arith.constant 16 : i32
      %mul3A_335 = arith.muli %scan3A_333, %mul3A_334 : i32
      %get3A_336 = arith.index_cast %mul3A_335 : i32 to index
      %get3A_337 = tpu.vector_load %arg5[%get3A_336] {strides = array<i32>} : memref<512xf32, #tpu.memory_space<vmem>>, vector<16xf32>,
      %bitcast3A_338 = vector.bitcast %get3A_337 : vector<16xf32> to vector<16xi32>
      %and3A_339 = arith.constant 65535 : i32
      %and3A_340 = vector.broadcast %and3A_339 : i32 to vector<16xi32>
      %and3A_341 = arith.andi %bitcast3A_338, %and3A_340 : vector<16xi32>
      %shift_right_logical3A_342 = arith.constant 16 : i32
      %shift_right_logical3A_343 = vector.broadcast %shift_right_logical3A_342 : i32 to vector<16xi32>
      %shift_right_logical3A_344 = arith.shrui %bitcast3A_338, %shift_right_logical3A_343 : vector<16xi32>
      %convert_element_type3A_345 = arith.sitofp %shift_right_logical3A_344 : vector<16xi32> to vector<16xf32>
      %mul3A_346 = arith.constant 16 : i32
      %mul3A_347 = arith.muli %scan3A_333, %mul3A_346 : i32
      %swap3A_348 = arith.index_cast %mul3A_347 : i32 to index
      %swap3A_349 = tpu.vector_load %arg6[%swap3A_348] {strides = array<i32>} : memref<512xf32, #tpu.memory_space<vmem>>, vector<16xf32>,
      tpu.vector_store %arg6[%swap3A_348], %convert_element_type3A_345 {strides = array<i32>} : memref<512xf32, #tpu.memory_space<vmem>>, vector<16xf32>,
      %shift_right_logical3A_350 = arith.constant 11 : i32
      %shift_right_logical3A_351 = vector.broadcast %shift_right_logical3A_350 : i32 to vector<16xi32>
      %shift_right_logical3A_352 = arith.shrui %and3A_341, %shift_right_logical3A_351 : vector<16xi32>
      %mul3A_353 = arith.constant 2048 : i32
      %mul3A_354 = vector.broadcast %mul3A_353 : i32 to vector<16xi32>
      %mul3A_355 = arith.muli %shift_right_logical3A_352, %mul3A_354 : vector<16xi32>
      %shift_right_logical3A_356 = arith.constant 7 : i32
      %shift_right_logical3A_357 = vector.broadcast %shift_right_logical3A_356 : i32 to vector<16xi32>
      %shift_right_logical3A_358 = arith.shrui %and3A_341, %shift_right_logical3A_357 : vector<16xi32>
      %and3A_359 = arith.constant 1 : i32
      %and3A_360 = vector.broadcast %and3A_359 : i32 to vector<16xi32>
      %and3A_361 = arith.andi %shift_right_logical3A_358, %and3A_360 : vector<16xi32>
      %mul3A_362 = arith.constant 1024 : i32
      %mul3A_363 = vector.broadcast %mul3A_362 : i32 to vector<16xi32>
      %mul3A_364 = arith.muli %and3A_361, %mul3A_363 : vector<16xi32>
      %add3A_365 = arith.addi %mul3A_355, %mul3A_364 : vector<16xi32>
      %shift_right_logical3A_366 = arith.constant 8 : i32
      %shift_right_logical3A_367 = vector.broadcast %shift_right_logical3A_366 : i32 to vector<16xi32>
      %shift_right_logical3A_368 = arith.shrui %and3A_341, %shift_right_logical3A_367 : vector<16xi32>
      %and3A_369 = arith.constant 7 : i32
      %and3A_370 = vector.broadcast %and3A_369 : i32 to vector<16xi32>
      %and3A_371 = arith.andi %shift_right_logical3A_368, %and3A_370 : vector<16xi32>
      %mul3A_372 = arith.constant 128 : i32
      %mul3A_373 = vector.broadcast %mul3A_372 : i32 to vector<16xi32>
      %mul3A_374 = arith.muli %and3A_371, %mul3A_373 : vector<16xi32>
      %add3A_375 = arith.addi %add3A_365, %mul3A_374 : vector<16xi32>
      %and3A_376 = arith.constant 127 : i32
      %and3A_377 = vector.broadcast %and3A_376 : i32 to vector<16xi32>
      %and3A_378 = arith.andi %and3A_341, %and3A_377 : vector<16xi32>
      %add3A_379 = arith.addi %add3A_375, %and3A_378 : vector<16xi32>
      %add3A_380 = vector.broadcast %mul3A_8 : i32 to vector<16xi32>
      %add3A_381 = arith.addi %add3A_380, %add3A_379 : vector<16xi32>
      %add3A_382 = arith.constant 0 : i32
      %add3A_383 = vector.broadcast %add3A_382 : i32 to vector<16xi32>
      %add3A_384 = arith.addi %add3A_381, %add3A_383 : vector<16xi32>
      %mul3A_385 = arith.constant 16 : i32
      %mul3A_386 = arith.muli %scan3A_333, %mul3A_385 : i32
      %add3A_387 = arith.constant 0 : i32
      %add3A_388 = arith.addi %add3A_387, %mul3A_386 : i32
      %swap3A_389 = arith.index_cast %add3A_388 : i32 to index
      %swap3A_390 = tpu.vector_load %arg8[%swap3A_389] {strides = array<i32>} : memref<2048xi32, #tpu.memory_space<vmem>>, vector<16xi32>,
      tpu.vector_store %arg8[%swap3A_389], %add3A_384 {strides = array<i32>} : memref<2048xi32, #tpu.memory_space<vmem>>, vector<16xi32>,
      %add3A_391 = arith.constant 65536 : i32
      %add3A_392 = vector.broadcast %add3A_391 : i32 to vector<16xi32>
      %add3A_393 = arith.addi %add3A_381, %add3A_392 : vector<16xi32>
      %mul3A_394 = arith.constant 16 : i32
      %mul3A_395 = arith.muli %scan3A_333, %mul3A_394 : i32
      %add3A_396 = arith.constant 512 : i32
      %add3A_397 = arith.addi %add3A_396, %mul3A_395 : i32
      %swap3A_398 = arith.index_cast %add3A_397 : i32 to index
      %swap3A_399 = tpu.vector_load %arg8[%swap3A_398] {strides = array<i32>} : memref<2048xi32, #tpu.memory_space<vmem>>, vector<16xi32>,
      tpu.vector_store %arg8[%swap3A_398], %add3A_393 {strides = array<i32>} : memref<2048xi32, #tpu.memory_space<vmem>>, vector<16xi32>,
      %add3A_400 = arith.constant 131072 : i32
      %add3A_401 = vector.broadcast %add3A_400 : i32 to vector<16xi32>
      %add3A_402 = arith.addi %add3A_381, %add3A_401 : vector<16xi32>
      %mul3A_403 = arith.constant 16 : i32
      %mul3A_404 = arith.muli %scan3A_333, %mul3A_403 : i32
      %add3A_405 = arith.constant 1024 : i32
      %add3A_406 = arith.addi %add3A_405, %mul3A_404 : i32
      %swap3A_407 = arith.index_cast %add3A_406 : i32 to index
      %swap3A_408 = tpu.vector_load %arg8[%swap3A_407] {strides = array<i32>} : memref<2048xi32, #tpu.memory_space<vmem>>, vector<16xi32>,
      tpu.vector_store %arg8[%swap3A_407], %add3A_402 {strides = array<i32>} : memref<2048xi32, #tpu.memory_space<vmem>>, vector<16xi32>,
      %add3A_409 = arith.constant 196608 : i32
      %add3A_410 = vector.broadcast %add3A_409 : i32 to vector<16xi32>
      %add3A_411 = arith.addi %add3A_381, %add3A_410 : vector<16xi32>
      %mul3A_412 = arith.constant 16 : i32
      %mul3A_413 = arith.muli %scan3A_333, %mul3A_412 : i32
      %add3A_414 = arith.constant 1536 : i32
      %add3A_415 = arith.addi %add3A_414, %mul3A_413 : i32
      %swap3A_416 = arith.index_cast %add3A_415 : i32 to index
      %swap3A_417 = tpu.vector_load %arg8[%swap3A_416] {strides = array<i32>} : memref<2048xi32, #tpu.memory_space<vmem>>, vector<16xi32>,
      tpu.vector_store %arg8[%swap3A_416], %add3A_411 {strides = array<i32>} : memref<2048xi32, #tpu.memory_space<vmem>>, vector<16xi32>,
      %scan3A_418 = arith.constant 2 : i32
      %scan3A_419 = arith.addi %scan3A_252, %scan3A_418 : i32
      %mul3A_420 = arith.constant 16 : i32
      %mul3A_421 = arith.muli %scan3A_419, %mul3A_420 : i32
      %get3A_422 = arith.index_cast %mul3A_421 : i32 to index
      %get3A_423 = tpu.vector_load %arg5[%get3A_422] {strides = array<i32>} : memref<512xf32, #tpu.memory_space<vmem>>, vector<16xf32>,
      %bitcast3A_424 = vector.bitcast %get3A_423 : vector<16xf32> to vector<16xi32>
      %and3A_425 = arith.constant 65535 : i32
      %and3A_426 = vector.broadcast %and3A_425 : i32 to vector<16xi32>
      %and3A_427 = arith.andi %bitcast3A_424, %and3A_426 : vector<16xi32>
      %shift_right_logical3A_428 = arith.constant 16 : i32
      %shift_right_logical3A_429 = vector.broadcast %shift_right_logical3A_428 : i32 to vector<16xi32>
      %shift_right_logical3A_430 = arith.shrui %bitcast3A_424, %shift_right_logical3A_429 : vector<16xi32>
      %convert_element_type3A_431 = arith.sitofp %shift_right_logical3A_430 : vector<16xi32> to vector<16xf32>
      %mul3A_432 = arith.constant 16 : i32
      %mul3A_433 = arith.muli %scan3A_419, %mul3A_432 : i32
      %swap3A_434 = arith.index_cast %mul3A_433 : i32 to index
      %swap3A_435 = tpu.vector_load %arg6[%swap3A_434] {strides = array<i32>} : memref<512xf32, #tpu.memory_space<vmem>>, vector<16xf32>,
      tpu.vector_store %arg6[%swap3A_434], %convert_element_type3A_431 {strides = array<i32>} : memref<512xf32, #tpu.memory_space<vmem>>, vector<16xf32>,
      %shift_right_logical3A_436 = arith.constant 11 : i32
      %shift_right_logical3A_437 = vector.broadcast %shift_right_logical3A_436 : i32 to vector<16xi32>
      %shift_right_logical3A_438 = arith.shrui %and3A_427, %shift_right_logical3A_437 : vector<16xi32>
      %mul3A_439 = arith.constant 2048 : i32
      %mul3A_440 = vector.broadcast %mul3A_439 : i32 to vector<16xi32>
      %mul3A_441 = arith.muli %shift_right_logical3A_438, %mul3A_440 : vector<16xi32>
      %shift_right_logical3A_442 = arith.constant 7 : i32
      %shift_right_logical3A_443 = vector.broadcast %shift_right_logical3A_442 : i32 to vector<16xi32>
      %shift_right_logical3A_444 = arith.shrui %and3A_427, %shift_right_logical3A_443 : vector<16xi32>
      %and3A_445 = arith.constant 1 : i32
      %and3A_446 = vector.broadcast %and3A_445 : i32 to vector<16xi32>
      %and3A_447 = arith.andi %shift_right_logical3A_444, %and3A_446 : vector<16xi32>
      %mul3A_448 = arith.constant 1024 : i32
      %mul3A_449 = vector.broadcast %mul3A_448 : i32 to vector<16xi32>
      %mul3A_450 = arith.muli %and3A_447, %mul3A_449 : vector<16xi32>
      %add3A_451 = arith.addi %mul3A_441, %mul3A_450 : vector<16xi32>
      %shift_right_logical3A_452 = arith.constant 8 : i32
      %shift_right_logical3A_453 = vector.broadcast %shift_right_logical3A_452 : i32 to vector<16xi32>
      %shift_right_logical3A_454 = arith.shrui %and3A_427, %shift_right_logical3A_453 : vector<16xi32>
      %and3A_455 = arith.constant 7 : i32
      %and3A_456 = vector.broadcast %and3A_455 : i32 to vector<16xi32>
      %and3A_457 = arith.andi %shift_right_logical3A_454, %and3A_456 : vector<16xi32>
      %mul3A_458 = arith.constant 128 : i32
      %mul3A_459 = vector.broadcast %mul3A_458 : i32 to vector<16xi32>
      %mul3A_460 = arith.muli %and3A_457, %mul3A_459 : vector<16xi32>
      %add3A_461 = arith.addi %add3A_451, %mul3A_460 : vector<16xi32>
      %and3A_462 = arith.constant 127 : i32
      %and3A_463 = vector.broadcast %and3A_462 : i32 to vector<16xi32>
      %and3A_464 = arith.andi %and3A_427, %and3A_463 : vector<16xi32>
      %add3A_465 = arith.addi %add3A_461, %and3A_464 : vector<16xi32>
      %add3A_466 = vector.broadcast %mul3A_8 : i32 to vector<16xi32>
      %add3A_467 = arith.addi %add3A_466, %add3A_465 : vector<16xi32>
      %add3A_468 = arith.constant 0 : i32
      %add3A_469 = vector.broadcast %add3A_468 : i32 to vector<16xi32>
      %add3A_470 = arith.addi %add3A_467, %add3A_469 : vector<16xi32>
      %mul3A_471 = arith.constant 16 : i32
      %mul3A_472 = arith.muli %scan3A_419, %mul3A_471 : i32
      %add3A_473 = arith.constant 0 : i32
      %add3A_474 = arith.addi %add3A_473, %mul3A_472 : i32
      %swap3A_475 = arith.index_cast %add3A_474 : i32 to index
      %swap3A_476 = tpu.vector_load %arg8[%swap3A_475] {strides = array<i32>} : memref<2048xi32, #tpu.memory_space<vmem>>, vector<16xi32>,
      tpu.vector_store %arg8[%swap3A_475], %add3A_470 {strides = array<i32>} : memref<2048xi32, #tpu.memory_space<vmem>>, vector<16xi32>,
      %add3A_477 = arith.constant 65536 : i32
      %add3A_478 = vector.broadcast %add3A_477 : i32 to vector<16xi32>
      %add3A_479 = arith.addi %add3A_467, %add3A_478 : vector<16xi32>
      %mul3A_480 = arith.constant 16 : i32
      %mul3A_481 = arith.muli %scan3A_419, %mul3A_480 : i32
      %add3A_482 = arith.constant 512 : i32
      %add3A_483 = arith.addi %add3A_482, %mul3A_481 : i32
      %swap3A_484 = arith.index_cast %add3A_483 : i32 to index
      %swap3A_485 = tpu.vector_load %arg8[%swap3A_484] {strides = array<i32>} : memref<2048xi32, #tpu.memory_space<vmem>>, vector<16xi32>,
      tpu.vector_store %arg8[%swap3A_484], %add3A_479 {strides = array<i32>} : memref<2048xi32, #tpu.memory_space<vmem>>, vector<16xi32>,
      %add3A_486 = arith.constant 131072 : i32
      %add3A_487 = vector.broadcast %add3A_486 : i32 to vector<16xi32>
      %add3A_488 = arith.addi %add3A_467, %add3A_487 : vector<16xi32>
      %mul3A_489 = arith.constant 16 : i32
      %mul3A_490 = arith.muli %scan3A_419, %mul3A_489 : i32
      %add3A_491 = arith.constant 1024 : i32
      %add3A_492 = arith.addi %add3A_491, %mul3A_490 : i32
      %swap3A_493 = arith.index_cast %add3A_492 : i32 to index
      %swap3A_494 = tpu.vector_load %arg8[%swap3A_493] {strides = array<i32>} : memref<2048xi32, #tpu.memory_space<vmem>>, vector<16xi32>,
      tpu.vector_store %arg8[%swap3A_493], %add3A_488 {strides = array<i32>} : memref<2048xi32, #tpu.memory_space<vmem>>, vector<16xi32>,
      %add3A_495 = arith.constant 196608 : i32
      %add3A_496 = vector.broadcast %add3A_495 : i32 to vector<16xi32>
      %add3A_497 = arith.addi %add3A_467, %add3A_496 : vector<16xi32>
      %mul3A_498 = arith.constant 16 : i32
      %mul3A_499 = arith.muli %scan3A_419, %mul3A_498 : i32
      %add3A_500 = arith.constant 1536 : i32
      %add3A_501 = arith.addi %add3A_500, %mul3A_499 : i32
      %swap3A_502 = arith.index_cast %add3A_501 : i32 to index
      %swap3A_503 = tpu.vector_load %arg8[%swap3A_502] {strides = array<i32>} : memref<2048xi32, #tpu.memory_space<vmem>>, vector<16xi32>,
      tpu.vector_store %arg8[%swap3A_502], %add3A_497 {strides = array<i32>} : memref<2048xi32, #tpu.memory_space<vmem>>, vector<16xi32>,
      %scan3A_504 = arith.constant 3 : i32
      %scan3A_505 = arith.addi %scan3A_252, %scan3A_504 : i32
      %mul3A_506 = arith.constant 16 : i32
      %mul3A_507 = arith.muli %scan3A_505, %mul3A_506 : i32
      %get3A_508 = arith.index_cast %mul3A_507 : i32 to index
      %get3A_509 = tpu.vector_load %arg5[%get3A_508] {strides = array<i32>} : memref<512xf32, #tpu.memory_space<vmem>>, vector<16xf32>,
      %bitcast3A_510 = vector.bitcast %get3A_509 : vector<16xf32> to vector<16xi32>
      %and3A_511 = arith.constant 65535 : i32
      %and3A_512 = vector.broadcast %and3A_511 : i32 to vector<16xi32>
      %and3A_513 = arith.andi %bitcast3A_510, %and3A_512 : vector<16xi32>
      %shift_right_logical3A_514 = arith.constant 16 : i32
      %shift_right_logical3A_515 = vector.broadcast %shift_right_logical3A_514 : i32 to vector<16xi32>
      %shift_right_logical3A_516 = arith.shrui %bitcast3A_510, %shift_right_logical3A_515 : vector<16xi32>
      %convert_element_type3A_517 = arith.sitofp %shift_right_logical3A_516 : vector<16xi32> to vector<16xf32>
      %mul3A_518 = arith.constant 16 : i32
      %mul3A_519 = arith.muli %scan3A_505, %mul3A_518 : i32
      %swap3A_520 = arith.index_cast %mul3A_519 : i32 to index
      %swap3A_521 = tpu.vector_load %arg6[%swap3A_520] {strides = array<i32>} : memref<512xf32, #tpu.memory_space<vmem>>, vector<16xf32>,
      tpu.vector_store %arg6[%swap3A_520], %convert_element_type3A_517 {strides = array<i32>} : memref<512xf32, #tpu.memory_space<vmem>>, vector<16xf32>,
      %shift_right_logical3A_522 = arith.constant 11 : i32
      %shift_right_logical3A_523 = vector.broadcast %shift_right_logical3A_522 : i32 to vector<16xi32>
      %shift_right_logical3A_524 = arith.shrui %and3A_513, %shift_right_logical3A_523 : vector<16xi32>
      %mul3A_525 = arith.constant 2048 : i32
      %mul3A_526 = vector.broadcast %mul3A_525 : i32 to vector<16xi32>
      %mul3A_527 = arith.muli %shift_right_logical3A_524, %mul3A_526 : vector<16xi32>
      %shift_right_logical3A_528 = arith.constant 7 : i32
      %shift_right_logical3A_529 = vector.broadcast %shift_right_logical3A_528 : i32 to vector<16xi32>
      %shift_right_logical3A_530 = arith.shrui %and3A_513, %shift_right_logical3A_529 : vector<16xi32>
      %and3A_531 = arith.constant 1 : i32
      %and3A_532 = vector.broadcast %and3A_531 : i32 to vector<16xi32>
      %and3A_533 = arith.andi %shift_right_logical3A_530, %and3A_532 : vector<16xi32>
      %mul3A_534 = arith.constant 1024 : i32
      %mul3A_535 = vector.broadcast %mul3A_534 : i32 to vector<16xi32>
      %mul3A_536 = arith.muli %and3A_533, %mul3A_535 : vector<16xi32>
      %add3A_537 = arith.addi %mul3A_527, %mul3A_536 : vector<16xi32>
      %shift_right_logical3A_538 = arith.constant 8 : i32
      %shift_right_logical3A_539 = vector.broadcast %shift_right_logical3A_538 : i32 to vector<16xi32>
      %shift_right_logical3A_540 = arith.shrui %and3A_513, %shift_right_logical3A_539 : vector<16xi32>
      %and3A_541 = arith.constant 7 : i32
      %and3A_542 = vector.broadcast %and3A_541 : i32 to vector<16xi32>
      %and3A_543 = arith.andi %shift_right_logical3A_540, %and3A_542 : vector<16xi32>
      %mul3A_544 = arith.constant 128 : i32
      %mul3A_545 = vector.broadcast %mul3A_544 : i32 to vector<16xi32>
      %mul3A_546 = arith.muli %and3A_543, %mul3A_545 : vector<16xi32>
      %add3A_547 = arith.addi %add3A_537, %mul3A_546 : vector<16xi32>
      %and3A_548 = arith.constant 127 : i32
      %and3A_549 = vector.broadcast %and3A_548 : i32 to vector<16xi32>
      %and3A_550 = arith.andi %and3A_513, %and3A_549 : vector<16xi32>
      %add3A_551 = arith.addi %add3A_547, %and3A_550 : vector<16xi32>
      %add3A_552 = vector.broadcast %mul3A_8 : i32 to vector<16xi32>
      %add3A_553 = arith.addi %add3A_552, %add3A_551 : vector<16xi32>
      %add3A_554 = arith.constant 0 : i32
      %add3A_555 = vector.broadcast %add3A_554 : i32 to vector<16xi32>
      %add3A_556 = arith.addi %add3A_553, %add3A_555 : vector<16xi32>
      %mul3A_557 = arith.constant 16 : i32
      %mul3A_558 = arith.muli %scan3A_505, %mul3A_557 : i32
      %add3A_559 = arith.constant 0 : i32
      %add3A_560 = arith.addi %add3A_559, %mul3A_558 : i32
      %swap3A_561 = arith.index_cast %add3A_560 : i32 to index
      %swap3A_562 = tpu.vector_load %arg8[%swap3A_561] {strides = array<i32>} : memref<2048xi32, #tpu.memory_space<vmem>>, vector<16xi32>,
      tpu.vector_store %arg8[%swap3A_561], %add3A_556 {strides = array<i32>} : memref<2048xi32, #tpu.memory_space<vmem>>, vector<16xi32>,
      %add3A_563 = arith.constant 65536 : i32
      %add3A_564 = vector.broadcast %add3A_563 : i32 to vector<16xi32>
      %add3A_565 = arith.addi %add3A_553, %add3A_564 : vector<16xi32>
      %mul3A_566 = arith.constant 16 : i32
      %mul3A_567 = arith.muli %scan3A_505, %mul3A_566 : i32
      %add3A_568 = arith.constant 512 : i32
      %add3A_569 = arith.addi %add3A_568, %mul3A_567 : i32
      %swap3A_570 = arith.index_cast %add3A_569 : i32 to index
      %swap3A_571 = tpu.vector_load %arg8[%swap3A_570] {strides = array<i32>} : memref<2048xi32, #tpu.memory_space<vmem>>, vector<16xi32>,
      tpu.vector_store %arg8[%swap3A_570], %add3A_565 {strides = array<i32>} : memref<2048xi32, #tpu.memory_space<vmem>>, vector<16xi32>,
      %add3A_572 = arith.constant 131072 : i32
      %add3A_573 = vector.broadcast %add3A_572 : i32 to vector<16xi32>
      %add3A_574 = arith.addi %add3A_553, %add3A_573 : vector<16xi32>
      %mul3A_575 = arith.constant 16 : i32
      %mul3A_576 = arith.muli %scan3A_505, %mul3A_575 : i32
      %add3A_577 = arith.constant 1024 : i32
      %add3A_578 = arith.addi %add3A_577, %mul3A_576 : i32
      %swap3A_579 = arith.index_cast %add3A_578 : i32 to index
      %swap3A_580 = tpu.vector_load %arg8[%swap3A_579] {strides = array<i32>} : memref<2048xi32, #tpu.memory_space<vmem>>, vector<16xi32>,
      tpu.vector_store %arg8[%swap3A_579], %add3A_574 {strides = array<i32>} : memref<2048xi32, #tpu.memory_space<vmem>>, vector<16xi32>,
      %add3A_581 = arith.constant 196608 : i32
      %add3A_582 = vector.broadcast %add3A_581 : i32 to vector<16xi32>
      %add3A_583 = arith.addi %add3A_553, %add3A_582 : vector<16xi32>
      %mul3A_584 = arith.constant 16 : i32
      %mul3A_585 = arith.muli %scan3A_505, %mul3A_584 : i32
      %add3A_586 = arith.constant 1536 : i32
      %add3A_587 = arith.addi %add3A_586, %mul3A_585 : i32
      %swap3A_588 = arith.index_cast %add3A_587 : i32 to index
      %swap3A_589 = tpu.vector_load %arg8[%swap3A_588] {strides = array<i32>} : memref<2048xi32, #tpu.memory_space<vmem>>, vector<16xi32>,
      tpu.vector_store %arg8[%swap3A_588], %add3A_583 {strides = array<i32>} : memref<2048xi32, #tpu.memory_space<vmem>>, vector<16xi32>,
    }
    %scan3A_13 = arith.constant 8 : i32
    %dma_start3A = arith.constant 0 : i32
    %dma_start3A_14 = tpu.memref_slice %arg9[%dma_start3A] : memref<2048xf32, #tpu.memory_space<vmem>> -> memref<128xf32, #tpu.memory_space<vmem>>
    %dma_start3A_15 = arith.constant 0 : i32
    %dma_start3A_16 = tpu.memref_slice %arg8[%dma_start3A_15] : memref<2048xi32, #tpu.memory_space<vmem>> -> memref<128xi32, #tpu.memory_space<vmem>>
    %dma_start3A_17 = arith.constant 0 : i32
    %dma_start3A_18 = tpu.memref_slice %arg2[%dma_start3A_17] : memref<8388608xf32, #tpu.memory_space<hbm>> -> memref<8388608xf32, #tpu.memory_space<hbm>>
    tpu.enqueue_indirect_dma source(%dma_start3A_18 : memref<8388608xf32, #tpu.memory_space<hbm>>) target(%dma_start3A_14 : memref<128xf32, #tpu.memory_space<vmem>>) offsets(%dma_start3A_16 : memref<128xi32, #tpu.memory_space<vmem>>) semaphore(%arg11 : memref<!tpu.dma_semaphore, #tpu.memory_space<semaphore_mem>>)
    %dma_start3A_19 = arith.constant 512 : i32
    %dma_start3A_20 = tpu.memref_slice %arg9[%dma_start3A_19] : memref<2048xf32, #tpu.memory_space<vmem>> -> memref<128xf32, #tpu.memory_space<vmem>>
    %dma_start3A_21 = arith.constant 512 : i32
    %dma_start3A_22 = tpu.memref_slice %arg8[%dma_start3A_21] : memref<2048xi32, #tpu.memory_space<vmem>> -> memref<128xi32, #tpu.memory_space<vmem>>
    %dma_start3A_23 = arith.constant 0 : i32
    %dma_start3A_24 = tpu.memref_slice %arg2[%dma_start3A_23] : memref<8388608xf32, #tpu.memory_space<hbm>> -> memref<8388608xf32, #tpu.memory_space<hbm>>
    tpu.enqueue_indirect_dma source(%dma_start3A_24 : memref<8388608xf32, #tpu.memory_space<hbm>>) target(%dma_start3A_20 : memref<128xf32, #tpu.memory_space<vmem>>) offsets(%dma_start3A_22 : memref<128xi32, #tpu.memory_space<vmem>>) semaphore(%arg11 : memref<!tpu.dma_semaphore, #tpu.memory_space<semaphore_mem>>)
    %dma_start3A_25 = arith.constant 1024 : i32
    %dma_start3A_26 = tpu.memref_slice %arg9[%dma_start3A_25] : memref<2048xf32, #tpu.memory_space<vmem>> -> memref<128xf32, #tpu.memory_space<vmem>>
    %dma_start3A_27 = arith.constant 1024 : i32
    %dma_start3A_28 = tpu.memref_slice %arg8[%dma_start3A_27] : memref<2048xi32, #tpu.memory_space<vmem>> -> memref<128xi32, #tpu.memory_space<vmem>>
    %dma_start3A_29 = arith.constant 0 : i32
    %dma_start3A_30 = tpu.memref_slice %arg2[%dma_start3A_29] : memref<8388608xf32, #tpu.memory_space<hbm>> -> memref<8388608xf32, #tpu.memory_space<hbm>>
    tpu.enqueue_indirect_dma source(%dma_start3A_30 : memref<8388608xf32, #tpu.memory_space<hbm>>) target(%dma_start3A_26 : memref<128xf32, #tpu.memory_space<vmem>>) offsets(%dma_start3A_28 : memref<128xi32, #tpu.memory_space<vmem>>) semaphore(%arg11 : memref<!tpu.dma_semaphore, #tpu.memory_space<semaphore_mem>>)
    %dma_start3A_31 = arith.constant 1536 : i32
    %dma_start3A_32 = tpu.memref_slice %arg9[%dma_start3A_31] : memref<2048xf32, #tpu.memory_space<vmem>> -> memref<128xf32, #tpu.memory_space<vmem>>
    %dma_start3A_33 = arith.constant 1536 : i32
    %dma_start3A_34 = tpu.memref_slice %arg8[%dma_start3A_33] : memref<2048xi32, #tpu.memory_space<vmem>> -> memref<128xi32, #tpu.memory_space<vmem>>
    %dma_start3A_35 = arith.constant 0 : i32
    %dma_start3A_36 = tpu.memref_slice %arg2[%dma_start3A_35] : memref<8388608xf32, #tpu.memory_space<hbm>> -> memref<8388608xf32, #tpu.memory_space<hbm>>
    tpu.enqueue_indirect_dma source(%dma_start3A_36 : memref<8388608xf32, #tpu.memory_space<hbm>>) target(%dma_start3A_32 : memref<128xf32, #tpu.memory_space<vmem>>) offsets(%dma_start3A_34 : memref<128xi32, #tpu.memory_space<vmem>>) semaphore(%arg11 : memref<!tpu.dma_semaphore, #tpu.memory_space<semaphore_mem>>)
    %scan3A_37 = arith.constant 0 : i32
    %scan3A_38 = arith.constant 8 : i32
    %scan3A_39 = arith.constant 8 : i32
    %scan3A_40 = arith.addi %scan3A_38, %scan3A_39 : i32
    %scan3A_41 = arith.constant 4 : i32
    scf.for %scan3A_252 = %scan3A_38 to %scan3A_40 step %scan3A_41  : i32 {
      %mul3A_253 = arith.constant 16 : i32
      %mul3A_254 = arith.muli %scan3A_252, %mul3A_253 : i32
      %get3A = arith.index_cast %mul3A_254 : i32 to index
      %get3A_255 = tpu.vector_load %arg5[%get3A] {strides = array<i32>} : memref<512xf32, #tpu.memory_space<vmem>>, vector<16xf32>,
      %bitcast3A = vector.bitcast %get3A_255 : vector<16xf32> to vector<16xi32>
      %and3A = arith.constant 65535 : i32
      %and3A_256 = vector.broadcast %and3A : i32 to vector<16xi32>
      %and3A_257 = arith.andi %bitcast3A, %and3A_256 : vector<16xi32>
      %shift_right_logical3A = arith.constant 16 : i32
      %shift_right_logical3A_258 = vector.broadcast %shift_right_logical3A : i32 to vector<16xi32>
      %shift_right_logical3A_259 = arith.shrui %bitcast3A, %shift_right_logical3A_258 : vector<16xi32>
      %convert_element_type3A = arith.sitofp %shift_right_logical3A_259 : vector<16xi32> to vector<16xf32>
      %mul3A_260 = arith.constant 16 : i32
      %mul3A_261 = arith.muli %scan3A_252, %mul3A_260 : i32
      %swap3A_262 = arith.index_cast %mul3A_261 : i32 to index
      %swap3A_263 = tpu.vector_load %arg6[%swap3A_262] {strides = array<i32>} : memref<512xf32, #tpu.memory_space<vmem>>, vector<16xf32>,
      tpu.vector_store %arg6[%swap3A_262], %convert_element_type3A {strides = array<i32>} : memref<512xf32, #tpu.memory_space<vmem>>, vector<16xf32>,
      %shift_right_logical3A_264 = arith.constant 11 : i32
      %shift_right_logical3A_265 = vector.broadcast %shift_right_logical3A_264 : i32 to vector<16xi32>
      %shift_right_logical3A_266 = arith.shrui %and3A_257, %shift_right_logical3A_265 : vector<16xi32>
      %mul3A_267 = arith.constant 2048 : i32
      %mul3A_268 = vector.broadcast %mul3A_267 : i32 to vector<16xi32>
      %mul3A_269 = arith.muli %shift_right_logical3A_266, %mul3A_268 : vector<16xi32>
      %shift_right_logical3A_270 = arith.constant 7 : i32
      %shift_right_logical3A_271 = vector.broadcast %shift_right_logical3A_270 : i32 to vector<16xi32>
      %shift_right_logical3A_272 = arith.shrui %and3A_257, %shift_right_logical3A_271 : vector<16xi32>
      %and3A_273 = arith.constant 1 : i32
      %and3A_274 = vector.broadcast %and3A_273 : i32 to vector<16xi32>
      %and3A_275 = arith.andi %shift_right_logical3A_272, %and3A_274 : vector<16xi32>
      %mul3A_276 = arith.constant 1024 : i32
      %mul3A_277 = vector.broadcast %mul3A_276 : i32 to vector<16xi32>
      %mul3A_278 = arith.muli %and3A_275, %mul3A_277 : vector<16xi32>
      %add3A_279 = arith.addi %mul3A_269, %mul3A_278 : vector<16xi32>
      %shift_right_logical3A_280 = arith.constant 8 : i32
      %shift_right_logical3A_281 = vector.broadcast %shift_right_logical3A_280 : i32 to vector<16xi32>
      %shift_right_logical3A_282 = arith.shrui %and3A_257, %shift_right_logical3A_281 : vector<16xi32>
      %and3A_283 = arith.constant 7 : i32
      %and3A_284 = vector.broadcast %and3A_283 : i32 to vector<16xi32>
      %and3A_285 = arith.andi %shift_right_logical3A_282, %and3A_284 : vector<16xi32>
      %mul3A_286 = arith.constant 128 : i32
      %mul3A_287 = vector.broadcast %mul3A_286 : i32 to vector<16xi32>
      %mul3A_288 = arith.muli %and3A_285, %mul3A_287 : vector<16xi32>
      %add3A_289 = arith.addi %add3A_279, %mul3A_288 : vector<16xi32>
      %and3A_290 = arith.constant 127 : i32
      %and3A_291 = vector.broadcast %and3A_290 : i32 to vector<16xi32>
      %and3A_292 = arith.andi %and3A_257, %and3A_291 : vector<16xi32>
      %add3A_293 = arith.addi %add3A_289, %and3A_292 : vector<16xi32>
      %add3A_294 = vector.broadcast %mul3A_8 : i32 to vector<16xi32>
      %add3A_295 = arith.addi %add3A_294, %add3A_293 : vector<16xi32>
      %add3A_296 = arith.constant 0 : i32
      %add3A_297 = vector.broadcast %add3A_296 : i32 to vector<16xi32>
      %add3A_298 = arith.addi %add3A_295, %add3A_297 : vector<16xi32>
      %mul3A_299 = arith.constant 16 : i32
      %mul3A_300 = arith.muli %scan3A_252, %mul3A_299 : i32
      %add3A_301 = arith.constant 0 : i32
      %add3A_302 = arith.addi %add3A_301, %mul3A_300 : i32
      %swap3A_303 = arith.index_cast %add3A_302 : i32 to index
      %swap3A_304 = tpu.vector_load %arg8[%swap3A_303] {strides = array<i32>} : memref<2048xi32, #tpu.memory_space<vmem>>, vector<16xi32>,
      tpu.vector_store %arg8[%swap3A_303], %add3A_298 {strides = array<i32>} : memref<2048xi32, #tpu.memory_space<vmem>>, vector<16xi32>,
      %add3A_305 = arith.constant 65536 : i32
      %add3A_306 = vector.broadcast %add3A_305 : i32 to vector<16xi32>
      %add3A_307 = arith.addi %add3A_295, %add3A_306 : vector<16xi32>
      %mul3A_308 = arith.constant 16 : i32
      %mul3A_309 = arith.muli %scan3A_252, %mul3A_308 : i32
      %add3A_310 = arith.constant 512 : i32
      %add3A_311 = arith.addi %add3A_310, %mul3A_309 : i32
      %swap3A_312 = arith.index_cast %add3A_311 : i32 to index
      %swap3A_313 = tpu.vector_load %arg8[%swap3A_312] {strides = array<i32>} : memref<2048xi32, #tpu.memory_space<vmem>>, vector<16xi32>,
      tpu.vector_store %arg8[%swap3A_312], %add3A_307 {strides = array<i32>} : memref<2048xi32, #tpu.memory_space<vmem>>, vector<16xi32>,
      %add3A_314 = arith.constant 131072 : i32
      %add3A_315 = vector.broadcast %add3A_314 : i32 to vector<16xi32>
      %add3A_316 = arith.addi %add3A_295, %add3A_315 : vector<16xi32>
      %mul3A_317 = arith.constant 16 : i32
      %mul3A_318 = arith.muli %scan3A_252, %mul3A_317 : i32
      %add3A_319 = arith.constant 1024 : i32
      %add3A_320 = arith.addi %add3A_319, %mul3A_318 : i32
      %swap3A_321 = arith.index_cast %add3A_320 : i32 to index
      %swap3A_322 = tpu.vector_load %arg8[%swap3A_321] {strides = array<i32>} : memref<2048xi32, #tpu.memory_space<vmem>>, vector<16xi32>,
      tpu.vector_store %arg8[%swap3A_321], %add3A_316 {strides = array<i32>} : memref<2048xi32, #tpu.memory_space<vmem>>, vector<16xi32>,
      %add3A_323 = arith.constant 196608 : i32
      %add3A_324 = vector.broadcast %add3A_323 : i32 to vector<16xi32>
      %add3A_325 = arith.addi %add3A_295, %add3A_324 : vector<16xi32>
      %mul3A_326 = arith.constant 16 : i32
      %mul3A_327 = arith.muli %scan3A_252, %mul3A_326 : i32
      %add3A_328 = arith.constant 1536 : i32
      %add3A_329 = arith.addi %add3A_328, %mul3A_327 : i32
      %swap3A_330 = arith.index_cast %add3A_329 : i32 to index
      %swap3A_331 = tpu.vector_load %arg8[%swap3A_330] {strides = array<i32>} : memref<2048xi32, #tpu.memory_space<vmem>>, vector<16xi32>,
      tpu.vector_store %arg8[%swap3A_330], %add3A_325 {strides = array<i32>} : memref<2048xi32, #tpu.memory_space<vmem>>, vector<16xi32>,
      %scan3A_332 = arith.constant 1 : i32
      %scan3A_333 = arith.addi %scan3A_252, %scan3A_332 : i32
      %mul3A_334 = arith.constant 16 : i32
      %mul3A_335 = arith.muli %scan3A_333, %mul3A_334 : i32
      %get3A_336 = arith.index_cast %mul3A_335 : i32 to index
      %get3A_337 = tpu.vector_load %arg5[%get3A_336] {strides = array<i32>} : memref<512xf32, #tpu.memory_space<vmem>>, vector<16xf32>,
      %bitcast3A_338 = vector.bitcast %get3A_337 : vector<16xf32> to vector<16xi32>
      %and3A_339 = arith.constant 65535 : i32
      %and3A_340 = vector.broadcast %and3A_339 : i32 to vector<16xi32>
      %and3A_341 = arith.andi %bitcast3A_338, %and3A_340 : vector<16xi32>
      %shift_right_logical3A_342 = arith.constant 16 : i32
      %shift_right_logical3A_343 = vector.broadcast %shift_right_logical3A_342 : i32 to vector<16xi32>
      %shift_right_logical3A_344 = arith.shrui %bitcast3A_338, %shift_right_logical3A_343 : vector<16xi32>
      %convert_element_type3A_345 = arith.sitofp %shift_right_logical3A_344 : vector<16xi32> to vector<16xf32>
      %mul3A_346 = arith.constant 16 : i32
      %mul3A_347 = arith.muli %scan3A_333, %mul3A_346 : i32
      %swap3A_348 = arith.index_cast %mul3A_347 : i32 to index
      %swap3A_349 = tpu.vector_load %arg6[%swap3A_348] {strides = array<i32>} : memref<512xf32, #tpu.memory_space<vmem>>, vector<16xf32>,
      tpu.vector_store %arg6[%swap3A_348], %convert_element_type3A_345 {strides = array<i32>} : memref<512xf32, #tpu.memory_space<vmem>>, vector<16xf32>,
      %shift_right_logical3A_350 = arith.constant 11 : i32
      %shift_right_logical3A_351 = vector.broadcast %shift_right_logical3A_350 : i32 to vector<16xi32>
      %shift_right_logical3A_352 = arith.shrui %and3A_341, %shift_right_logical3A_351 : vector<16xi32>
      %mul3A_353 = arith.constant 2048 : i32
      %mul3A_354 = vector.broadcast %mul3A_353 : i32 to vector<16xi32>
      %mul3A_355 = arith.muli %shift_right_logical3A_352, %mul3A_354 : vector<16xi32>
      %shift_right_logical3A_356 = arith.constant 7 : i32
      %shift_right_logical3A_357 = vector.broadcast %shift_right_logical3A_356 : i32 to vector<16xi32>
      %shift_right_logical3A_358 = arith.shrui %and3A_341, %shift_right_logical3A_357 : vector<16xi32>
      %and3A_359 = arith.constant 1 : i32
      %and3A_360 = vector.broadcast %and3A_359 : i32 to vector<16xi32>
      %and3A_361 = arith.andi %shift_right_logical3A_358, %and3A_360 : vector<16xi32>
      %mul3A_362 = arith.constant 1024 : i32
      %mul3A_363 = vector.broadcast %mul3A_362 : i32 to vector<16xi32>
      %mul3A_364 = arith.muli %and3A_361, %mul3A_363 : vector<16xi32>
      %add3A_365 = arith.addi %mul3A_355, %mul3A_364 : vector<16xi32>
      %shift_right_logical3A_366 = arith.constant 8 : i32
      %shift_right_logical3A_367 = vector.broadcast %shift_right_logical3A_366 : i32 to vector<16xi32>
      %shift_right_logical3A_368 = arith.shrui %and3A_341, %shift_right_logical3A_367 : vector<16xi32>
      %and3A_369 = arith.constant 7 : i32
      %and3A_370 = vector.broadcast %and3A_369 : i32 to vector<16xi32>
      %and3A_371 = arith.andi %shift_right_logical3A_368, %and3A_370 : vector<16xi32>
      %mul3A_372 = arith.constant 128 : i32
      %mul3A_373 = vector.broadcast %mul3A_372 : i32 to vector<16xi32>
      %mul3A_374 = arith.muli %and3A_371, %mul3A_373 : vector<16xi32>
      %add3A_375 = arith.addi %add3A_365, %mul3A_374 : vector<16xi32>
      %and3A_376 = arith.constant 127 : i32
      %and3A_377 = vector.broadcast %and3A_376 : i32 to vector<16xi32>
      %and3A_378 = arith.andi %and3A_341, %and3A_377 : vector<16xi32>
      %add3A_379 = arith.addi %add3A_375, %and3A_378 : vector<16xi32>
      %add3A_380 = vector.broadcast %mul3A_8 : i32 to vector<16xi32>
      %add3A_381 = arith.addi %add3A_380, %add3A_379 : vector<16xi32>
      %add3A_382 = arith.constant 0 : i32
      %add3A_383 = vector.broadcast %add3A_382 : i32 to vector<16xi32>
      %add3A_384 = arith.addi %add3A_381, %add3A_383 : vector<16xi32>
      %mul3A_385 = arith.constant 16 : i32
      %mul3A_386 = arith.muli %scan3A_333, %mul3A_385 : i32
      %add3A_387 = arith.constant 0 : i32
      %add3A_388 = arith.addi %add3A_387, %mul3A_386 : i32
      %swap3A_389 = arith.index_cast %add3A_388 : i32 to index
      %swap3A_390 = tpu.vector_load %arg8[%swap3A_389] {strides = array<i32>} : memref<2048xi32, #tpu.memory_space<vmem>>, vector<16xi32>,
      tpu.vector_store %arg8[%swap3A_389], %add3A_384 {strides = array<i32>} : memref<2048xi32, #tpu.memory_space<vmem>>, vector<16xi32>,
      %add3A_391 = arith.constant 65536 : i32
      %add3A_392 = vector.broadcast %add3A_391 : i32 to vector<16xi32>
      %add3A_393 = arith.addi %add3A_381, %add3A_392 : vector<16xi32>
      %mul3A_394 = arith.constant 16 : i32
      %mul3A_395 = arith.muli %scan3A_333, %mul3A_394 : i32
      %add3A_396 = arith.constant 512 : i32
      %add3A_397 = arith.addi %add3A_396, %mul3A_395 : i32
      %swap3A_398 = arith.index_cast %add3A_397 : i32 to index
      %swap3A_399 = tpu.vector_load %arg8[%swap3A_398] {strides = array<i32>} : memref<2048xi32, #tpu.memory_space<vmem>>, vector<16xi32>,
      tpu.vector_store %arg8[%swap3A_398], %add3A_393 {strides = array<i32>} : memref<2048xi32, #tpu.memory_space<vmem>>, vector<16xi32>,
      %add3A_400 = arith.constant 131072 : i32
      %add3A_401 = vector.broadcast %add3A_400 : i32 to vector<16xi32>
      %add3A_402 = arith.addi %add3A_381, %add3A_401 : vector<16xi32>
      %mul3A_403 = arith.constant 16 : i32
      %mul3A_404 = arith.muli %scan3A_333, %mul3A_403 : i32
      %add3A_405 = arith.constant 1024 : i32
      %add3A_406 = arith.addi %add3A_405, %mul3A_404 : i32
      %swap3A_407 = arith.index_cast %add3A_406 : i32 to index
      %swap3A_408 = tpu.vector_load %arg8[%swap3A_407] {strides = array<i32>} : memref<2048xi32, #tpu.memory_space<vmem>>, vector<16xi32>,
      tpu.vector_store %arg8[%swap3A_407], %add3A_402 {strides = array<i32>} : memref<2048xi32, #tpu.memory_space<vmem>>, vector<16xi32>,
      %add3A_409 = arith.constant 196608 : i32
      %add3A_410 = vector.broadcast %add3A_409 : i32 to vector<16xi32>
      %add3A_411 = arith.addi %add3A_381, %add3A_410 : vector<16xi32>
      %mul3A_412 = arith.constant 16 : i32
      %mul3A_413 = arith.muli %scan3A_333, %mul3A_412 : i32
      %add3A_414 = arith.constant 1536 : i32
      %add3A_415 = arith.addi %add3A_414, %mul3A_413 : i32
      %swap3A_416 = arith.index_cast %add3A_415 : i32 to index
      %swap3A_417 = tpu.vector_load %arg8[%swap3A_416] {strides = array<i32>} : memref<2048xi32, #tpu.memory_space<vmem>>, vector<16xi32>,
      tpu.vector_store %arg8[%swap3A_416], %add3A_411 {strides = array<i32>} : memref<2048xi32, #tpu.memory_space<vmem>>, vector<16xi32>,
      %scan3A_418 = arith.constant 2 : i32
      %scan3A_419 = arith.addi %scan3A_252, %scan3A_418 : i32
      %mul3A_420 = arith.constant 16 : i32
      %mul3A_421 = arith.muli %scan3A_419, %mul3A_420 : i32
      %get3A_422 = arith.index_cast %mul3A_421 : i32 to index
      %get3A_423 = tpu.vector_load %arg5[%get3A_422] {strides = array<i32>} : memref<512xf32, #tpu.memory_space<vmem>>, vector<16xf32>,
      %bitcast3A_424 = vector.bitcast %get3A_423 : vector<16xf32> to vector<16xi32>
      %and3A_425 = arith.constant 65535 : i32
      %and3A_426 = vector.broadcast %and3A_425 : i32 to vector<16xi32>
      %and3A_427 = arith.andi %bitcast3A_424, %and3A_426 : vector<16xi32>
      %shift_right_logical3A_428 = arith.constant 16 : i32
      %shift_right_logical3A_429 = vector.broadcast %shift_right_logical3A_428 : i32 to vector<16xi32>
      %shift_right_logical3A_430 = arith.shrui %bitcast3A_424, %shift_right_logical3A_429 : vector<16xi32>
      %convert_element_type3A_431 = arith.sitofp %shift_right_logical3A_430 : vector<16xi32> to vector<16xf32>
      %mul3A_432 = arith.constant 16 : i32
      %mul3A_433 = arith.muli %scan3A_419, %mul3A_432 : i32
      %swap3A_434 = arith.index_cast %mul3A_433 : i32 to index
      %swap3A_435 = tpu.vector_load %arg6[%swap3A_434] {strides = array<i32>} : memref<512xf32, #tpu.memory_space<vmem>>, vector<16xf32>,
      tpu.vector_store %arg6[%swap3A_434], %convert_element_type3A_431 {strides = array<i32>} : memref<512xf32, #tpu.memory_space<vmem>>, vector<16xf32>,
      %shift_right_logical3A_436 = arith.constant 11 : i32
      %shift_right_logical3A_437 = vector.broadcast %shift_right_logical3A_436 : i32 to vector<16xi32>
      %shift_right_logical3A_438 = arith.shrui %and3A_427, %shift_right_logical3A_437 : vector<16xi32>
      %mul3A_439 = arith.constant 2048 : i32
      %mul3A_440 = vector.broadcast %mul3A_439 : i32 to vector<16xi32>
      %mul3A_441 = arith.muli %shift_right_logical3A_438, %mul3A_440 : vector<16xi32>
      %shift_right_logical3A_442 = arith.constant 7 : i32
      %shift_right_logical3A_443 = vector.broadcast %shift_right_logical3A_442 : i32 to vector<16xi32>
      %shift_right_logical3A_444 = arith.shrui %and3A_427, %shift_right_logical3A_443 : vector<16xi32>
      %and3A_445 = arith.constant 1 : i32
      %and3A_446 = vector.broadcast %and3A_445 : i32 to vector<16xi32>
      %and3A_447 = arith.andi %shift_right_logical3A_444, %and3A_446 : vector<16xi32>
      %mul3A_448 = arith.constant 1024 : i32
      %mul3A_449 = vector.broadcast %mul3A_448 : i32 to vector<16xi32>
      %mul3A_450 = arith.muli %and3A_447, %mul3A_449 : vector<16xi32>
      %add3A_451 = arith.addi %mul3A_441, %mul3A_450 : vector<16xi32>
      %shift_right_logical3A_452 = arith.constant 8 : i32
      %shift_right_logical3A_453 = vector.broadcast %shift_right_logical3A_452 : i32 to vector<16xi32>
      %shift_right_logical3A_454 = arith.shrui %and3A_427, %shift_right_logical3A_453 : vector<16xi32>
      %and3A_455 = arith.constant 7 : i32
      %and3A_456 = vector.broadcast %and3A_455 : i32 to vector<16xi32>
      %and3A_457 = arith.andi %shift_right_logical3A_454, %and3A_456 : vector<16xi32>
      %mul3A_458 = arith.constant 128 : i32
      %mul3A_459 = vector.broadcast %mul3A_458 : i32 to vector<16xi32>
      %mul3A_460 = arith.muli %and3A_457, %mul3A_459 : vector<16xi32>
      %add3A_461 = arith.addi %add3A_451, %mul3A_460 : vector<16xi32>
      %and3A_462 = arith.constant 127 : i32
      %and3A_463 = vector.broadcast %and3A_462 : i32 to vector<16xi32>
      %and3A_464 = arith.andi %and3A_427, %and3A_463 : vector<16xi32>
      %add3A_465 = arith.addi %add3A_461, %and3A_464 : vector<16xi32>
      %add3A_466 = vector.broadcast %mul3A_8 : i32 to vector<16xi32>
      %add3A_467 = arith.addi %add3A_466, %add3A_465 : vector<16xi32>
      %add3A_468 = arith.constant 0 : i32
      %add3A_469 = vector.broadcast %add3A_468 : i32 to vector<16xi32>
      %add3A_470 = arith.addi %add3A_467, %add3A_469 : vector<16xi32>
      %mul3A_471 = arith.constant 16 : i32
      %mul3A_472 = arith.muli %scan3A_419, %mul3A_471 : i32
      %add3A_473 = arith.constant 0 : i32
      %add3A_474 = arith.addi %add3A_473, %mul3A_472 : i32
      %swap3A_475 = arith.index_cast %add3A_474 : i32 to index
      %swap3A_476 = tpu.vector_load %arg8[%swap3A_475] {strides = array<i32>} : memref<2048xi32, #tpu.memory_space<vmem>>, vector<16xi32>,
      tpu.vector_store %arg8[%swap3A_475], %add3A_470 {strides = array<i32>} : memref<2048xi32, #tpu.memory_space<vmem>>, vector<16xi32>,
      %add3A_477 = arith.constant 65536 : i32
      %add3A_478 = vector.broadcast %add3A_477 : i32 to vector<16xi32>
      %add3A_479 = arith.addi %add3A_467, %add3A_478 : vector<16xi32>
      %mul3A_480 = arith.constant 16 : i32
      %mul3A_481 = arith.muli %scan3A_419, %mul3A_480 : i32
      %add3A_482 = arith.constant 512 : i32
      %add3A_483 = arith.addi %add3A_482, %mul3A_481 : i32
      %swap3A_484 = arith.index_cast %add3A_483 : i32 to index
      %swap3A_485 = tpu.vector_load %arg8[%swap3A_484] {strides = array<i32>} : memref<2048xi32, #tpu.memory_space<vmem>>, vector<16xi32>,
      tpu.vector_store %arg8[%swap3A_484], %add3A_479 {strides = array<i32>} : memref<2048xi32, #tpu.memory_space<vmem>>, vector<16xi32>,
      %add3A_486 = arith.constant 131072 : i32
      %add3A_487 = vector.broadcast %add3A_486 : i32 to vector<16xi32>
      %add3A_488 = arith.addi %add3A_467, %add3A_487 : vector<16xi32>
      %mul3A_489 = arith.constant 16 : i32
      %mul3A_490 = arith.muli %scan3A_419, %mul3A_489 : i32
      %add3A_491 = arith.constant 1024 : i32
      %add3A_492 = arith.addi %add3A_491, %mul3A_490 : i32
      %swap3A_493 = arith.index_cast %add3A_492 : i32 to index
      %swap3A_494 = tpu.vector_load %arg8[%swap3A_493] {strides = array<i32>} : memref<2048xi32, #tpu.memory_space<vmem>>, vector<16xi32>,
      tpu.vector_store %arg8[%swap3A_493], %add3A_488 {strides = array<i32>} : memref<2048xi32, #tpu.memory_space<vmem>>, vector<16xi32>,
      %add3A_495 = arith.constant 196608 : i32
      %add3A_496 = vector.broadcast %add3A_495 : i32 to vector<16xi32>
      %add3A_497 = arith.addi %add3A_467, %add3A_496 : vector<16xi32>
      %mul3A_498 = arith.constant 16 : i32
      %mul3A_499 = arith.muli %scan3A_419, %mul3A_498 : i32
      %add3A_500 = arith.constant 1536 : i32
      %add3A_501 = arith.addi %add3A_500, %mul3A_499 : i32
      %swap3A_502 = arith.index_cast %add3A_501 : i32 to index
      %swap3A_503 = tpu.vector_load %arg8[%swap3A_502] {strides = array<i32>} : memref<2048xi32, #tpu.memory_space<vmem>>, vector<16xi32>,
      tpu.vector_store %arg8[%swap3A_502], %add3A_497 {strides = array<i32>} : memref<2048xi32, #tpu.memory_space<vmem>>, vector<16xi32>,
      %scan3A_504 = arith.constant 3 : i32
      %scan3A_505 = arith.addi %scan3A_252, %scan3A_504 : i32
      %mul3A_506 = arith.constant 16 : i32
      %mul3A_507 = arith.muli %scan3A_505, %mul3A_506 : i32
      %get3A_508 = arith.index_cast %mul3A_507 : i32 to index
      %get3A_509 = tpu.vector_load %arg5[%get3A_508] {strides = array<i32>} : memref<512xf32, #tpu.memory_space<vmem>>, vector<16xf32>,
      %bitcast3A_510 = vector.bitcast %get3A_509 : vector<16xf32> to vector<16xi32>
      %and3A_511 = arith.constant 65535 : i32
      %and3A_512 = vector.broadcast %and3A_511 : i32 to vector<16xi32>
      %and3A_513 = arith.andi %bitcast3A_510, %and3A_512 : vector<16xi32>
      %shift_right_logical3A_514 = arith.constant 16 : i32
      %shift_right_logical3A_515 = vector.broadcast %shift_right_logical3A_514 : i32 to vector<16xi32>
      %shift_right_logical3A_516 = arith.shrui %bitcast3A_510, %shift_right_logical3A_515 : vector<16xi32>
      %convert_element_type3A_517 = arith.sitofp %shift_right_logical3A_516 : vector<16xi32> to vector<16xf32>
      %mul3A_518 = arith.constant 16 : i32
      %mul3A_519 = arith.muli %scan3A_505, %mul3A_518 : i32
      %swap3A_520 = arith.index_cast %mul3A_519 : i32 to index
      %swap3A_521 = tpu.vector_load %arg6[%swap3A_520] {strides = array<i32>} : memref<512xf32, #tpu.memory_space<vmem>>, vector<16xf32>,
      tpu.vector_store %arg6[%swap3A_520], %convert_element_type3A_517 {strides = array<i32>} : memref<512xf32, #tpu.memory_space<vmem>>, vector<16xf32>,
      %shift_right_logical3A_522 = arith.constant 11 : i32
      %shift_right_logical3A_523 = vector.broadcast %shift_right_logical3A_522 : i32 to vector<16xi32>
      %shift_right_logical3A_524 = arith.shrui %and3A_513, %shift_right_logical3A_523 : vector<16xi32>
      %mul3A_525 = arith.constant 2048 : i32
      %mul3A_526 = vector.broadcast %mul3A_525 : i32 to vector<16xi32>
      %mul3A_527 = arith.muli %shift_right_logical3A_524, %mul3A_526 : vector<16xi32>
      %shift_right_logical3A_528 = arith.constant 7 : i32
      %shift_right_logical3A_529 = vector.broadcast %shift_right_logical3A_528 : i32 to vector<16xi32>
      %shift_right_logical3A_530 = arith.shrui %and3A_513, %shift_right_logical3A_529 : vector<16xi32>
      %and3A_531 = arith.constant 1 : i32
      %and3A_532 = vector.broadcast %and3A_531 : i32 to vector<16xi32>
      %and3A_533 = arith.andi %shift_right_logical3A_530, %and3A_532 : vector<16xi32>
      %mul3A_534 = arith.constant 1024 : i32
      %mul3A_535 = vector.broadcast %mul3A_534 : i32 to vector<16xi32>
      %mul3A_536 = arith.muli %and3A_533, %mul3A_535 : vector<16xi32>
      %add3A_537 = arith.addi %mul3A_527, %mul3A_536 : vector<16xi32>
      %shift_right_logical3A_538 = arith.constant 8 : i32
      %shift_right_logical3A_539 = vector.broadcast %shift_right_logical3A_538 : i32 to vector<16xi32>
      %shift_right_logical3A_540 = arith.shrui %and3A_513, %shift_right_logical3A_539 : vector<16xi32>
      %and3A_541 = arith.constant 7 : i32
      %and3A_542 = vector.broadcast %and3A_541 : i32 to vector<16xi32>
      %and3A_543 = arith.andi %shift_right_logical3A_540, %and3A_542 : vector<16xi32>
      %mul3A_544 = arith.constant 128 : i32
      %mul3A_545 = vector.broadcast %mul3A_544 : i32 to vector<16xi32>
      %mul3A_546 = arith.muli %and3A_543, %mul3A_545 : vector<16xi32>
      %add3A_547 = arith.addi %add3A_537, %mul3A_546 : vector<16xi32>
      %and3A_548 = arith.constant 127 : i32
      %and3A_549 = vector.broadcast %and3A_548 : i32 to vector<16xi32>
      %and3A_550 = arith.andi %and3A_513, %and3A_549 : vector<16xi32>
      %add3A_551 = arith.addi %add3A_547, %and3A_550 : vector<16xi32>
      %add3A_552 = vector.broadcast %mul3A_8 : i32 to vector<16xi32>
      %add3A_553 = arith.addi %add3A_552, %add3A_551 : vector<16xi32>
      %add3A_554 = arith.constant 0 : i32
      %add3A_555 = vector.broadcast %add3A_554 : i32 to vector<16xi32>
      %add3A_556 = arith.addi %add3A_553, %add3A_555 : vector<16xi32>
      %mul3A_557 = arith.constant 16 : i32
      %mul3A_558 = arith.muli %scan3A_505, %mul3A_557 : i32
      %add3A_559 = arith.constant 0 : i32
      %add3A_560 = arith.addi %add3A_559, %mul3A_558 : i32
      %swap3A_561 = arith.index_cast %add3A_560 : i32 to index
      %swap3A_562 = tpu.vector_load %arg8[%swap3A_561] {strides = array<i32>} : memref<2048xi32, #tpu.memory_space<vmem>>, vector<16xi32>,
      tpu.vector_store %arg8[%swap3A_561], %add3A_556 {strides = array<i32>} : memref<2048xi32, #tpu.memory_space<vmem>>, vector<16xi32>,
      %add3A_563 = arith.constant 65536 : i32
      %add3A_564 = vector.broadcast %add3A_563 : i32 to vector<16xi32>
      %add3A_565 = arith.addi %add3A_553, %add3A_564 : vector<16xi32>
      %mul3A_566 = arith.constant 16 : i32
      %mul3A_567 = arith.muli %scan3A_505, %mul3A_566 : i32
      %add3A_568 = arith.constant 512 : i32
      %add3A_569 = arith.addi %add3A_568, %mul3A_567 : i32
      %swap3A_570 = arith.index_cast %add3A_569 : i32 to index
      %swap3A_571 = tpu.vector_load %arg8[%swap3A_570] {strides = array<i32>} : memref<2048xi32, #tpu.memory_space<vmem>>, vector<16xi32>,
      tpu.vector_store %arg8[%swap3A_570], %add3A_565 {strides = array<i32>} : memref<2048xi32, #tpu.memory_space<vmem>>, vector<16xi32>,
      %add3A_572 = arith.constant 131072 : i32
      %add3A_573 = vector.broadcast %add3A_572 : i32 to vector<16xi32>
      %add3A_574 = arith.addi %add3A_553, %add3A_573 : vector<16xi32>
      %mul3A_575 = arith.constant 16 : i32
      %mul3A_576 = arith.muli %scan3A_505, %mul3A_575 : i32
      %add3A_577 = arith.constant 1024 : i32
      %add3A_578 = arith.addi %add3A_577, %mul3A_576 : i32
      %swap3A_579 = arith.index_cast %add3A_578 : i32 to index
      %swap3A_580 = tpu.vector_load %arg8[%swap3A_579] {strides = array<i32>} : memref<2048xi32, #tpu.memory_space<vmem>>, vector<16xi32>,
      tpu.vector_store %arg8[%swap3A_579], %add3A_574 {strides = array<i32>} : memref<2048xi32, #tpu.memory_space<vmem>>, vector<16xi32>,
      %add3A_581 = arith.constant 196608 : i32
      %add3A_582 = vector.broadcast %add3A_581 : i32 to vector<16xi32>
      %add3A_583 = arith.addi %add3A_553, %add3A_582 : vector<16xi32>
      %mul3A_584 = arith.constant 16 : i32
      %mul3A_585 = arith.muli %scan3A_505, %mul3A_584 : i32
      %add3A_586 = arith.constant 1536 : i32
      %add3A_587 = arith.addi %add3A_586, %mul3A_585 : i32
      %swap3A_588 = arith.index_cast %add3A_587 : i32 to index
      %swap3A_589 = tpu.vector_load %arg8[%swap3A_588] {strides = array<i32>} : memref<2048xi32, #tpu.memory_space<vmem>>, vector<16xi32>,
      tpu.vector_store %arg8[%swap3A_588], %add3A_583 {strides = array<i32>} : memref<2048xi32, #tpu.memory_space<vmem>>, vector<16xi32>,
    }
    %scan3A_42 = arith.constant 8 : i32
    %dma_start3A_43 = arith.constant 128 : i32
    %dma_start3A_44 = tpu.memref_slice %arg9[%dma_start3A_43] : memref<2048xf32, #tpu.memory_space<vmem>> -> memref<128xf32, #tpu.memory_space<vmem>>
    %dma_start3A_45 = arith.constant 128 : i32
    %dma_start3A_46 = tpu.memref_slice %arg8[%dma_start3A_45] : memref<2048xi32, #tpu.memory_space<vmem>> -> memref<128xi32, #tpu.memory_space<vmem>>
    %dma_start3A_47 = arith.constant 0 : i32
    %dma_start3A_48 = tpu.memref_slice %arg2[%dma_start3A_47] : memref<8388608xf32, #tpu.memory_space<hbm>> -> memref<8388608xf32, #tpu.memory_space<hbm>>
    tpu.enqueue_indirect_dma source(%dma_start3A_48 : memref<8388608xf32, #tpu.memory_space<hbm>>) target(%dma_start3A_44 : memref<128xf32, #tpu.memory_space<vmem>>) offsets(%dma_start3A_46 : memref<128xi32, #tpu.memory_space<vmem>>) semaphore(%arg11 : memref<!tpu.dma_semaphore, #tpu.memory_space<semaphore_mem>>)
    %dma_start3A_49 = arith.constant 640 : i32
    %dma_start3A_50 = tpu.memref_slice %arg9[%dma_start3A_49] : memref<2048xf32, #tpu.memory_space<vmem>> -> memref<128xf32, #tpu.memory_space<vmem>>
    %dma_start3A_51 = arith.constant 640 : i32
    %dma_start3A_52 = tpu.memref_slice %arg8[%dma_start3A_51] : memref<2048xi32, #tpu.memory_space<vmem>> -> memref<128xi32, #tpu.memory_space<vmem>>
    %dma_start3A_53 = arith.constant 0 : i32
    %dma_start3A_54 = tpu.memref_slice %arg2[%dma_start3A_53] : memref<8388608xf32, #tpu.memory_space<hbm>> -> memref<8388608xf32, #tpu.memory_space<hbm>>
    tpu.enqueue_indirect_dma source(%dma_start3A_54 : memref<8388608xf32, #tpu.memory_space<hbm>>) target(%dma_start3A_50 : memref<128xf32, #tpu.memory_space<vmem>>) offsets(%dma_start3A_52 : memref<128xi32, #tpu.memory_space<vmem>>) semaphore(%arg11 : memref<!tpu.dma_semaphore, #tpu.memory_space<semaphore_mem>>)
    %dma_start3A_55 = arith.constant 1152 : i32
    %dma_start3A_56 = tpu.memref_slice %arg9[%dma_start3A_55] : memref<2048xf32, #tpu.memory_space<vmem>> -> memref<128xf32, #tpu.memory_space<vmem>>
    %dma_start3A_57 = arith.constant 1152 : i32
    %dma_start3A_58 = tpu.memref_slice %arg8[%dma_start3A_57] : memref<2048xi32, #tpu.memory_space<vmem>> -> memref<128xi32, #tpu.memory_space<vmem>>
    %dma_start3A_59 = arith.constant 0 : i32
    %dma_start3A_60 = tpu.memref_slice %arg2[%dma_start3A_59] : memref<8388608xf32, #tpu.memory_space<hbm>> -> memref<8388608xf32, #tpu.memory_space<hbm>>
    tpu.enqueue_indirect_dma source(%dma_start3A_60 : memref<8388608xf32, #tpu.memory_space<hbm>>) target(%dma_start3A_56 : memref<128xf32, #tpu.memory_space<vmem>>) offsets(%dma_start3A_58 : memref<128xi32, #tpu.memory_space<vmem>>) semaphore(%arg11 : memref<!tpu.dma_semaphore, #tpu.memory_space<semaphore_mem>>)
    %dma_start3A_61 = arith.constant 1664 : i32
    %dma_start3A_62 = tpu.memref_slice %arg9[%dma_start3A_61] : memref<2048xf32, #tpu.memory_space<vmem>> -> memref<128xf32, #tpu.memory_space<vmem>>
    %dma_start3A_63 = arith.constant 1664 : i32
    %dma_start3A_64 = tpu.memref_slice %arg8[%dma_start3A_63] : memref<2048xi32, #tpu.memory_space<vmem>> -> memref<128xi32, #tpu.memory_space<vmem>>
    %dma_start3A_65 = arith.constant 0 : i32
    %dma_start3A_66 = tpu.memref_slice %arg2[%dma_start3A_65] : memref<8388608xf32, #tpu.memory_space<hbm>> -> memref<8388608xf32, #tpu.memory_space<hbm>>
    tpu.enqueue_indirect_dma source(%dma_start3A_66 : memref<8388608xf32, #tpu.memory_space<hbm>>) target(%dma_start3A_62 : memref<128xf32, #tpu.memory_space<vmem>>) offsets(%dma_start3A_64 : memref<128xi32, #tpu.memory_space<vmem>>) semaphore(%arg11 : memref<!tpu.dma_semaphore, #tpu.memory_space<semaphore_mem>>)
    %scan3A_67 = arith.constant 0 : i32
    %scan3A_68 = arith.constant 16 : i32
    %scan3A_69 = arith.constant 8 : i32
    %scan3A_70 = arith.addi %scan3A_68, %scan3A_69 : i32
    %scan3A_71 = arith.constant 4 : i32
    scf.for %scan3A_252 = %scan3A_68 to %scan3A_70 step %scan3A_71  : i32 {
      %mul3A_253 = arith.constant 16 : i32
      %mul3A_254 = arith.muli %scan3A_252, %mul3A_253 : i32
      %get3A = arith.index_cast %mul3A_254 : i32 to index
      %get3A_255 = tpu.vector_load %arg5[%get3A] {strides = array<i32>} : memref<512xf32, #tpu.memory_space<vmem>>, vector<16xf32>,
      %bitcast3A = vector.bitcast %get3A_255 : vector<16xf32> to vector<16xi32>
      %and3A = arith.constant 65535 : i32
      %and3A_256 = vector.broadcast %and3A : i32 to vector<16xi32>
      %and3A_257 = arith.andi %bitcast3A, %and3A_256 : vector<16xi32>
      %shift_right_logical3A = arith.constant 16 : i32
      %shift_right_logical3A_258 = vector.broadcast %shift_right_logical3A : i32 to vector<16xi32>
      %shift_right_logical3A_259 = arith.shrui %bitcast3A, %shift_right_logical3A_258 : vector<16xi32>
      %convert_element_type3A = arith.sitofp %shift_right_logical3A_259 : vector<16xi32> to vector<16xf32>
      %mul3A_260 = arith.constant 16 : i32
      %mul3A_261 = arith.muli %scan3A_252, %mul3A_260 : i32
      %swap3A_262 = arith.index_cast %mul3A_261 : i32 to index
      %swap3A_263 = tpu.vector_load %arg6[%swap3A_262] {strides = array<i32>} : memref<512xf32, #tpu.memory_space<vmem>>, vector<16xf32>,
      tpu.vector_store %arg6[%swap3A_262], %convert_element_type3A {strides = array<i32>} : memref<512xf32, #tpu.memory_space<vmem>>, vector<16xf32>,
      %shift_right_logical3A_264 = arith.constant 11 : i32
      %shift_right_logical3A_265 = vector.broadcast %shift_right_logical3A_264 : i32 to vector<16xi32>
      %shift_right_logical3A_266 = arith.shrui %and3A_257, %shift_right_logical3A_265 : vector<16xi32>
      %mul3A_267 = arith.constant 2048 : i32
      %mul3A_268 = vector.broadcast %mul3A_267 : i32 to vector<16xi32>
      %mul3A_269 = arith.muli %shift_right_logical3A_266, %mul3A_268 : vector<16xi32>
      %shift_right_logical3A_270 = arith.constant 7 : i32
      %shift_right_logical3A_271 = vector.broadcast %shift_right_logical3A_270 : i32 to vector<16xi32>
      %shift_right_logical3A_272 = arith.shrui %and3A_257, %shift_right_logical3A_271 : vector<16xi32>
      %and3A_273 = arith.constant 1 : i32
      %and3A_274 = vector.broadcast %and3A_273 : i32 to vector<16xi32>
      %and3A_275 = arith.andi %shift_right_logical3A_272, %and3A_274 : vector<16xi32>
      %mul3A_276 = arith.constant 1024 : i32
      %mul3A_277 = vector.broadcast %mul3A_276 : i32 to vector<16xi32>
      %mul3A_278 = arith.muli %and3A_275, %mul3A_277 : vector<16xi32>
      %add3A_279 = arith.addi %mul3A_269, %mul3A_278 : vector<16xi32>
      %shift_right_logical3A_280 = arith.constant 8 : i32
      %shift_right_logical3A_281 = vector.broadcast %shift_right_logical3A_280 : i32 to vector<16xi32>
      %shift_right_logical3A_282 = arith.shrui %and3A_257, %shift_right_logical3A_281 : vector<16xi32>
      %and3A_283 = arith.constant 7 : i32
      %and3A_284 = vector.broadcast %and3A_283 : i32 to vector<16xi32>
      %and3A_285 = arith.andi %shift_right_logical3A_282, %and3A_284 : vector<16xi32>
      %mul3A_286 = arith.constant 128 : i32
      %mul3A_287 = vector.broadcast %mul3A_286 : i32 to vector<16xi32>
      %mul3A_288 = arith.muli %and3A_285, %mul3A_287 : vector<16xi32>
      %add3A_289 = arith.addi %add3A_279, %mul3A_288 : vector<16xi32>
      %and3A_290 = arith.constant 127 : i32
      %and3A_291 = vector.broadcast %and3A_290 : i32 to vector<16xi32>
      %and3A_292 = arith.andi %and3A_257, %and3A_291 : vector<16xi32>
      %add3A_293 = arith.addi %add3A_289, %and3A_292 : vector<16xi32>
      %add3A_294 = vector.broadcast %mul3A_8 : i32 to vector<16xi32>
      %add3A_295 = arith.addi %add3A_294, %add3A_293 : vector<16xi32>
      %add3A_296 = arith.constant 0 : i32
      %add3A_297 = vector.broadcast %add3A_296 : i32 to vector<16xi32>
      %add3A_298 = arith.addi %add3A_295, %add3A_297 : vector<16xi32>
      %mul3A_299 = arith.constant 16 : i32
      %mul3A_300 = arith.muli %scan3A_252, %mul3A_299 : i32
      %add3A_301 = arith.constant 0 : i32
      %add3A_302 = arith.addi %add3A_301, %mul3A_300 : i32
      %swap3A_303 = arith.index_cast %add3A_302 : i32 to index
      %swap3A_304 = tpu.vector_load %arg8[%swap3A_303] {strides = array<i32>} : memref<2048xi32, #tpu.memory_space<vmem>>, vector<16xi32>,
      tpu.vector_store %arg8[%swap3A_303], %add3A_298 {strides = array<i32>} : memref<2048xi32, #tpu.memory_space<vmem>>, vector<16xi32>,
      %add3A_305 = arith.constant 65536 : i32
      %add3A_306 = vector.broadcast %add3A_305 : i32 to vector<16xi32>
      %add3A_307 = arith.addi %add3A_295, %add3A_306 : vector<16xi32>
      %mul3A_308 = arith.constant 16 : i32
      %mul3A_309 = arith.muli %scan3A_252, %mul3A_308 : i32
      %add3A_310 = arith.constant 512 : i32
      %add3A_311 = arith.addi %add3A_310, %mul3A_309 : i32
      %swap3A_312 = arith.index_cast %add3A_311 : i32 to index
      %swap3A_313 = tpu.vector_load %arg8[%swap3A_312] {strides = array<i32>} : memref<2048xi32, #tpu.memory_space<vmem>>, vector<16xi32>,
      tpu.vector_store %arg8[%swap3A_312], %add3A_307 {strides = array<i32>} : memref<2048xi32, #tpu.memory_space<vmem>>, vector<16xi32>,
      %add3A_314 = arith.constant 131072 : i32
      %add3A_315 = vector.broadcast %add3A_314 : i32 to vector<16xi32>
      %add3A_316 = arith.addi %add3A_295, %add3A_315 : vector<16xi32>
      %mul3A_317 = arith.constant 16 : i32
      %mul3A_318 = arith.muli %scan3A_252, %mul3A_317 : i32
      %add3A_319 = arith.constant 1024 : i32
      %add3A_320 = arith.addi %add3A_319, %mul3A_318 : i32
      %swap3A_321 = arith.index_cast %add3A_320 : i32 to index
      %swap3A_322 = tpu.vector_load %arg8[%swap3A_321] {strides = array<i32>} : memref<2048xi32, #tpu.memory_space<vmem>>, vector<16xi32>,
      tpu.vector_store %arg8[%swap3A_321], %add3A_316 {strides = array<i32>} : memref<2048xi32, #tpu.memory_space<vmem>>, vector<16xi32>,
      %add3A_323 = arith.constant 196608 : i32
      %add3A_324 = vector.broadcast %add3A_323 : i32 to vector<16xi32>
      %add3A_325 = arith.addi %add3A_295, %add3A_324 : vector<16xi32>
      %mul3A_326 = arith.constant 16 : i32
      %mul3A_327 = arith.muli %scan3A_252, %mul3A_326 : i32
      %add3A_328 = arith.constant 1536 : i32
      %add3A_329 = arith.addi %add3A_328, %mul3A_327 : i32
      %swap3A_330 = arith.index_cast %add3A_329 : i32 to index
      %swap3A_331 = tpu.vector_load %arg8[%swap3A_330] {strides = array<i32>} : memref<2048xi32, #tpu.memory_space<vmem>>, vector<16xi32>,
      tpu.vector_store %arg8[%swap3A_330], %add3A_325 {strides = array<i32>} : memref<2048xi32, #tpu.memory_space<vmem>>, vector<16xi32>,
      %scan3A_332 = arith.constant 1 : i32
      %scan3A_333 = arith.addi %scan3A_252, %scan3A_332 : i32
      %mul3A_334 = arith.constant 16 : i32
      %mul3A_335 = arith.muli %scan3A_333, %mul3A_334 : i32
      %get3A_336 = arith.index_cast %mul3A_335 : i32 to index
      %get3A_337 = tpu.vector_load %arg5[%get3A_336] {strides = array<i32>} : memref<512xf32, #tpu.memory_space<vmem>>, vector<16xf32>,
      %bitcast3A_338 = vector.bitcast %get3A_337 : vector<16xf32> to vector<16xi32>
      %and3A_339 = arith.constant 65535 : i32
      %and3A_340 = vector.broadcast %and3A_339 : i32 to vector<16xi32>
      %and3A_341 = arith.andi %bitcast3A_338, %and3A_340 : vector<16xi32>
      %shift_right_logical3A_342 = arith.constant 16 : i32
      %shift_right_logical3A_343 = vector.broadcast %shift_right_logical3A_342 : i32 to vector<16xi32>
      %shift_right_logical3A_344 = arith.shrui %bitcast3A_338, %shift_right_logical3A_343 : vector<16xi32>
      %convert_element_type3A_345 = arith.sitofp %shift_right_logical3A_344 : vector<16xi32> to vector<16xf32>
      %mul3A_346 = arith.constant 16 : i32
      %mul3A_347 = arith.muli %scan3A_333, %mul3A_346 : i32
      %swap3A_348 = arith.index_cast %mul3A_347 : i32 to index
      %swap3A_349 = tpu.vector_load %arg6[%swap3A_348] {strides = array<i32>} : memref<512xf32, #tpu.memory_space<vmem>>, vector<16xf32>,
      tpu.vector_store %arg6[%swap3A_348], %convert_element_type3A_345 {strides = array<i32>} : memref<512xf32, #tpu.memory_space<vmem>>, vector<16xf32>,
      %shift_right_logical3A_350 = arith.constant 11 : i32
      %shift_right_logical3A_351 = vector.broadcast %shift_right_logical3A_350 : i32 to vector<16xi32>
      %shift_right_logical3A_352 = arith.shrui %and3A_341, %shift_right_logical3A_351 : vector<16xi32>
      %mul3A_353 = arith.constant 2048 : i32
      %mul3A_354 = vector.broadcast %mul3A_353 : i32 to vector<16xi32>
      %mul3A_355 = arith.muli %shift_right_logical3A_352, %mul3A_354 : vector<16xi32>
      %shift_right_logical3A_356 = arith.constant 7 : i32
      %shift_right_logical3A_357 = vector.broadcast %shift_right_logical3A_356 : i32 to vector<16xi32>
      %shift_right_logical3A_358 = arith.shrui %and3A_341, %shift_right_logical3A_357 : vector<16xi32>
      %and3A_359 = arith.constant 1 : i32
      %and3A_360 = vector.broadcast %and3A_359 : i32 to vector<16xi32>
      %and3A_361 = arith.andi %shift_right_logical3A_358, %and3A_360 : vector<16xi32>
      %mul3A_362 = arith.constant 1024 : i32
      %mul3A_363 = vector.broadcast %mul3A_362 : i32 to vector<16xi32>
      %mul3A_364 = arith.muli %and3A_361, %mul3A_363 : vector<16xi32>
      %add3A_365 = arith.addi %mul3A_355, %mul3A_364 : vector<16xi32>
      %shift_right_logical3A_366 = arith.constant 8 : i32
      %shift_right_logical3A_367 = vector.broadcast %shift_right_logical3A_366 : i32 to vector<16xi32>
      %shift_right_logical3A_368 = arith.shrui %and3A_341, %shift_right_logical3A_367 : vector<16xi32>
      %and3A_369 = arith.constant 7 : i32
      %and3A_370 = vector.broadcast %and3A_369 : i32 to vector<16xi32>
      %and3A_371 = arith.andi %shift_right_logical3A_368, %and3A_370 : vector<16xi32>
      %mul3A_372 = arith.constant 128 : i32
      %mul3A_373 = vector.broadcast %mul3A_372 : i32 to vector<16xi32>
      %mul3A_374 = arith.muli %and3A_371, %mul3A_373 : vector<16xi32>
      %add3A_375 = arith.addi %add3A_365, %mul3A_374 : vector<16xi32>
      %and3A_376 = arith.constant 127 : i32
      %and3A_377 = vector.broadcast %and3A_376 : i32 to vector<16xi32>
      %and3A_378 = arith.andi %and3A_341, %and3A_377 : vector<16xi32>
      %add3A_379 = arith.addi %add3A_375, %and3A_378 : vector<16xi32>
      %add3A_380 = vector.broadcast %mul3A_8 : i32 to vector<16xi32>
      %add3A_381 = arith.addi %add3A_380, %add3A_379 : vector<16xi32>
      %add3A_382 = arith.constant 0 : i32
      %add3A_383 = vector.broadcast %add3A_382 : i32 to vector<16xi32>
      %add3A_384 = arith.addi %add3A_381, %add3A_383 : vector<16xi32>
      %mul3A_385 = arith.constant 16 : i32
      %mul3A_386 = arith.muli %scan3A_333, %mul3A_385 : i32
      %add3A_387 = arith.constant 0 : i32
      %add3A_388 = arith.addi %add3A_387, %mul3A_386 : i32
      %swap3A_389 = arith.index_cast %add3A_388 : i32 to index
      %swap3A_390 = tpu.vector_load %arg8[%swap3A_389] {strides = array<i32>} : memref<2048xi32, #tpu.memory_space<vmem>>, vector<16xi32>,
      tpu.vector_store %arg8[%swap3A_389], %add3A_384 {strides = array<i32>} : memref<2048xi32, #tpu.memory_space<vmem>>, vector<16xi32>,
      %add3A_391 = arith.constant 65536 : i32
      %add3A_392 = vector.broadcast %add3A_391 : i32 to vector<16xi32>
      %add3A_393 = arith.addi %add3A_381, %add3A_392 : vector<16xi32>
      %mul3A_394 = arith.constant 16 : i32
      %mul3A_395 = arith.muli %scan3A_333, %mul3A_394 : i32
      %add3A_396 = arith.constant 512 : i32
      %add3A_397 = arith.addi %add3A_396, %mul3A_395 : i32
      %swap3A_398 = arith.index_cast %add3A_397 : i32 to index
      %swap3A_399 = tpu.vector_load %arg8[%swap3A_398] {strides = array<i32>} : memref<2048xi32, #tpu.memory_space<vmem>>, vector<16xi32>,
      tpu.vector_store %arg8[%swap3A_398], %add3A_393 {strides = array<i32>} : memref<2048xi32, #tpu.memory_space<vmem>>, vector<16xi32>,
      %add3A_400 = arith.constant 131072 : i32
      %add3A_401 = vector.broadcast %add3A_400 : i32 to vector<16xi32>
      %add3A_402 = arith.addi %add3A_381, %add3A_401 : vector<16xi32>
      %mul3A_403 = arith.constant 16 : i32
      %mul3A_404 = arith.muli %scan3A_333, %mul3A_403 : i32
      %add3A_405 = arith.constant 1024 : i32
      %add3A_406 = arith.addi %add3A_405, %mul3A_404 : i32
      %swap3A_407 = arith.index_cast %add3A_406 : i32 to index
      %swap3A_408 = tpu.vector_load %arg8[%swap3A_407] {strides = array<i32>} : memref<2048xi32, #tpu.memory_space<vmem>>, vector<16xi32>,
      tpu.vector_store %arg8[%swap3A_407], %add3A_402 {strides = array<i32>} : memref<2048xi32, #tpu.memory_space<vmem>>, vector<16xi32>,
      %add3A_409 = arith.constant 196608 : i32
      %add3A_410 = vector.broadcast %add3A_409 : i32 to vector<16xi32>
      %add3A_411 = arith.addi %add3A_381, %add3A_410 : vector<16xi32>
      %mul3A_412 = arith.constant 16 : i32
      %mul3A_413 = arith.muli %scan3A_333, %mul3A_412 : i32
      %add3A_414 = arith.constant 1536 : i32
      %add3A_415 = arith.addi %add3A_414, %mul3A_413 : i32
      %swap3A_416 = arith.index_cast %add3A_415 : i32 to index
      %swap3A_417 = tpu.vector_load %arg8[%swap3A_416] {strides = array<i32>} : memref<2048xi32, #tpu.memory_space<vmem>>, vector<16xi32>,
      tpu.vector_store %arg8[%swap3A_416], %add3A_411 {strides = array<i32>} : memref<2048xi32, #tpu.memory_space<vmem>>, vector<16xi32>,
      %scan3A_418 = arith.constant 2 : i32
      %scan3A_419 = arith.addi %scan3A_252, %scan3A_418 : i32
      %mul3A_420 = arith.constant 16 : i32
      %mul3A_421 = arith.muli %scan3A_419, %mul3A_420 : i32
      %get3A_422 = arith.index_cast %mul3A_421 : i32 to index
      %get3A_423 = tpu.vector_load %arg5[%get3A_422] {strides = array<i32>} : memref<512xf32, #tpu.memory_space<vmem>>, vector<16xf32>,
      %bitcast3A_424 = vector.bitcast %get3A_423 : vector<16xf32> to vector<16xi32>
      %and3A_425 = arith.constant 65535 : i32
      %and3A_426 = vector.broadcast %and3A_425 : i32 to vector<16xi32>
      %and3A_427 = arith.andi %bitcast3A_424, %and3A_426 : vector<16xi32>
      %shift_right_logical3A_428 = arith.constant 16 : i32
      %shift_right_logical3A_429 = vector.broadcast %shift_right_logical3A_428 : i32 to vector<16xi32>
      %shift_right_logical3A_430 = arith.shrui %bitcast3A_424, %shift_right_logical3A_429 : vector<16xi32>
      %convert_element_type3A_431 = arith.sitofp %shift_right_logical3A_430 : vector<16xi32> to vector<16xf32>
      %mul3A_432 = arith.constant 16 : i32
      %mul3A_433 = arith.muli %scan3A_419, %mul3A_432 : i32
      %swap3A_434 = arith.index_cast %mul3A_433 : i32 to index
      %swap3A_435 = tpu.vector_load %arg6[%swap3A_434] {strides = array<i32>} : memref<512xf32, #tpu.memory_space<vmem>>, vector<16xf32>,
      tpu.vector_store %arg6[%swap3A_434], %convert_element_type3A_431 {strides = array<i32>} : memref<512xf32, #tpu.memory_space<vmem>>, vector<16xf32>,
      %shift_right_logical3A_436 = arith.constant 11 : i32
      %shift_right_logical3A_437 = vector.broadcast %shift_right_logical3A_436 : i32 to vector<16xi32>
      %shift_right_logical3A_438 = arith.shrui %and3A_427, %shift_right_logical3A_437 : vector<16xi32>
      %mul3A_439 = arith.constant 2048 : i32
      %mul3A_440 = vector.broadcast %mul3A_439 : i32 to vector<16xi32>
      %mul3A_441 = arith.muli %shift_right_logical3A_438, %mul3A_440 : vector<16xi32>
      %shift_right_logical3A_442 = arith.constant 7 : i32
      %shift_right_logical3A_443 = vector.broadcast %shift_right_logical3A_442 : i32 to vector<16xi32>
      %shift_right_logical3A_444 = arith.shrui %and3A_427, %shift_right_logical3A_443 : vector<16xi32>
      %and3A_445 = arith.constant 1 : i32
      %and3A_446 = vector.broadcast %and3A_445 : i32 to vector<16xi32>
      %and3A_447 = arith.andi %shift_right_logical3A_444, %and3A_446 : vector<16xi32>
      %mul3A_448 = arith.constant 1024 : i32
      %mul3A_449 = vector.broadcast %mul3A_448 : i32 to vector<16xi32>
      %mul3A_450 = arith.muli %and3A_447, %mul3A_449 : vector<16xi32>
      %add3A_451 = arith.addi %mul3A_441, %mul3A_450 : vector<16xi32>
      %shift_right_logical3A_452 = arith.constant 8 : i32
      %shift_right_logical3A_453 = vector.broadcast %shift_right_logical3A_452 : i32 to vector<16xi32>
      %shift_right_logical3A_454 = arith.shrui %and3A_427, %shift_right_logical3A_453 : vector<16xi32>
      %and3A_455 = arith.constant 7 : i32
      %and3A_456 = vector.broadcast %and3A_455 : i32 to vector<16xi32>
      %and3A_457 = arith.andi %shift_right_logical3A_454, %and3A_456 : vector<16xi32>
      %mul3A_458 = arith.constant 128 : i32
      %mul3A_459 = vector.broadcast %mul3A_458 : i32 to vector<16xi32>
      %mul3A_460 = arith.muli %and3A_457, %mul3A_459 : vector<16xi32>
      %add3A_461 = arith.addi %add3A_451, %mul3A_460 : vector<16xi32>
      %and3A_462 = arith.constant 127 : i32
      %and3A_463 = vector.broadcast %and3A_462 : i32 to vector<16xi32>
      %and3A_464 = arith.andi %and3A_427, %and3A_463 : vector<16xi32>
      %add3A_465 = arith.addi %add3A_461, %and3A_464 : vector<16xi32>
      %add3A_466 = vector.broadcast %mul3A_8 : i32 to vector<16xi32>
      %add3A_467 = arith.addi %add3A_466, %add3A_465 : vector<16xi32>
      %add3A_468 = arith.constant 0 : i32
      %add3A_469 = vector.broadcast %add3A_468 : i32 to vector<16xi32>
      %add3A_470 = arith.addi %add3A_467, %add3A_469 : vector<16xi32>
      %mul3A_471 = arith.constant 16 : i32
      %mul3A_472 = arith.muli %scan3A_419, %mul3A_471 : i32
      %add3A_473 = arith.constant 0 : i32
      %add3A_474 = arith.addi %add3A_473, %mul3A_472 : i32
      %swap3A_475 = arith.index_cast %add3A_474 : i32 to index
      %swap3A_476 = tpu.vector_load %arg8[%swap3A_475] {strides = array<i32>} : memref<2048xi32, #tpu.memory_space<vmem>>, vector<16xi32>,
      tpu.vector_store %arg8[%swap3A_475], %add3A_470 {strides = array<i32>} : memref<2048xi32, #tpu.memory_space<vmem>>, vector<16xi32>,
      %add3A_477 = arith.constant 65536 : i32
      %add3A_478 = vector.broadcast %add3A_477 : i32 to vector<16xi32>
      %add3A_479 = arith.addi %add3A_467, %add3A_478 : vector<16xi32>
      %mul3A_480 = arith.constant 16 : i32
      %mul3A_481 = arith.muli %scan3A_419, %mul3A_480 : i32
      %add3A_482 = arith.constant 512 : i32
      %add3A_483 = arith.addi %add3A_482, %mul3A_481 : i32
      %swap3A_484 = arith.index_cast %add3A_483 : i32 to index
      %swap3A_485 = tpu.vector_load %arg8[%swap3A_484] {strides = array<i32>} : memref<2048xi32, #tpu.memory_space<vmem>>, vector<16xi32>,
      tpu.vector_store %arg8[%swap3A_484], %add3A_479 {strides = array<i32>} : memref<2048xi32, #tpu.memory_space<vmem>>, vector<16xi32>,
      %add3A_486 = arith.constant 131072 : i32
      %add3A_487 = vector.broadcast %add3A_486 : i32 to vector<16xi32>
      %add3A_488 = arith.addi %add3A_467, %add3A_487 : vector<16xi32>
      %mul3A_489 = arith.constant 16 : i32
      %mul3A_490 = arith.muli %scan3A_419, %mul3A_489 : i32
      %add3A_491 = arith.constant 1024 : i32
      %add3A_492 = arith.addi %add3A_491, %mul3A_490 : i32
      %swap3A_493 = arith.index_cast %add3A_492 : i32 to index
      %swap3A_494 = tpu.vector_load %arg8[%swap3A_493] {strides = array<i32>} : memref<2048xi32, #tpu.memory_space<vmem>>, vector<16xi32>,
      tpu.vector_store %arg8[%swap3A_493], %add3A_488 {strides = array<i32>} : memref<2048xi32, #tpu.memory_space<vmem>>, vector<16xi32>,
      %add3A_495 = arith.constant 196608 : i32
      %add3A_496 = vector.broadcast %add3A_495 : i32 to vector<16xi32>
      %add3A_497 = arith.addi %add3A_467, %add3A_496 : vector<16xi32>
      %mul3A_498 = arith.constant 16 : i32
      %mul3A_499 = arith.muli %scan3A_419, %mul3A_498 : i32
      %add3A_500 = arith.constant 1536 : i32
      %add3A_501 = arith.addi %add3A_500, %mul3A_499 : i32
      %swap3A_502 = arith.index_cast %add3A_501 : i32 to index
      %swap3A_503 = tpu.vector_load %arg8[%swap3A_502] {strides = array<i32>} : memref<2048xi32, #tpu.memory_space<vmem>>, vector<16xi32>,
      tpu.vector_store %arg8[%swap3A_502], %add3A_497 {strides = array<i32>} : memref<2048xi32, #tpu.memory_space<vmem>>, vector<16xi32>,
      %scan3A_504 = arith.constant 3 : i32
      %scan3A_505 = arith.addi %scan3A_252, %scan3A_504 : i32
      %mul3A_506 = arith.constant 16 : i32
      %mul3A_507 = arith.muli %scan3A_505, %mul3A_506 : i32
      %get3A_508 = arith.index_cast %mul3A_507 : i32 to index
      %get3A_509 = tpu.vector_load %arg5[%get3A_508] {strides = array<i32>} : memref<512xf32, #tpu.memory_space<vmem>>, vector<16xf32>,
      %bitcast3A_510 = vector.bitcast %get3A_509 : vector<16xf32> to vector<16xi32>
      %and3A_511 = arith.constant 65535 : i32
      %and3A_512 = vector.broadcast %and3A_511 : i32 to vector<16xi32>
      %and3A_513 = arith.andi %bitcast3A_510, %and3A_512 : vector<16xi32>
      %shift_right_logical3A_514 = arith.constant 16 : i32
      %shift_right_logical3A_515 = vector.broadcast %shift_right_logical3A_514 : i32 to vector<16xi32>
      %shift_right_logical3A_516 = arith.shrui %bitcast3A_510, %shift_right_logical3A_515 : vector<16xi32>
      %convert_element_type3A_517 = arith.sitofp %shift_right_logical3A_516 : vector<16xi32> to vector<16xf32>
      %mul3A_518 = arith.constant 16 : i32
      %mul3A_519 = arith.muli %scan3A_505, %mul3A_518 : i32
      %swap3A_520 = arith.index_cast %mul3A_519 : i32 to index
      %swap3A_521 = tpu.vector_load %arg6[%swap3A_520] {strides = array<i32>} : memref<512xf32, #tpu.memory_space<vmem>>, vector<16xf32>,
      tpu.vector_store %arg6[%swap3A_520], %convert_element_type3A_517 {strides = array<i32>} : memref<512xf32, #tpu.memory_space<vmem>>, vector<16xf32>,
      %shift_right_logical3A_522 = arith.constant 11 : i32
      %shift_right_logical3A_523 = vector.broadcast %shift_right_logical3A_522 : i32 to vector<16xi32>
      %shift_right_logical3A_524 = arith.shrui %and3A_513, %shift_right_logical3A_523 : vector<16xi32>
      %mul3A_525 = arith.constant 2048 : i32
      %mul3A_526 = vector.broadcast %mul3A_525 : i32 to vector<16xi32>
      %mul3A_527 = arith.muli %shift_right_logical3A_524, %mul3A_526 : vector<16xi32>
      %shift_right_logical3A_528 = arith.constant 7 : i32
      %shift_right_logical3A_529 = vector.broadcast %shift_right_logical3A_528 : i32 to vector<16xi32>
      %shift_right_logical3A_530 = arith.shrui %and3A_513, %shift_right_logical3A_529 : vector<16xi32>
      %and3A_531 = arith.constant 1 : i32
      %and3A_532 = vector.broadcast %and3A_531 : i32 to vector<16xi32>
      %and3A_533 = arith.andi %shift_right_logical3A_530, %and3A_532 : vector<16xi32>
      %mul3A_534 = arith.constant 1024 : i32
      %mul3A_535 = vector.broadcast %mul3A_534 : i32 to vector<16xi32>
      %mul3A_536 = arith.muli %and3A_533, %mul3A_535 : vector<16xi32>
      %add3A_537 = arith.addi %mul3A_527, %mul3A_536 : vector<16xi32>
      %shift_right_logical3A_538 = arith.constant 8 : i32
      %shift_right_logical3A_539 = vector.broadcast %shift_right_logical3A_538 : i32 to vector<16xi32>
      %shift_right_logical3A_540 = arith.shrui %and3A_513, %shift_right_logical3A_539 : vector<16xi32>
      %and3A_541 = arith.constant 7 : i32
      %and3A_542 = vector.broadcast %and3A_541 : i32 to vector<16xi32>
      %and3A_543 = arith.andi %shift_right_logical3A_540, %and3A_542 : vector<16xi32>
      %mul3A_544 = arith.constant 128 : i32
      %mul3A_545 = vector.broadcast %mul3A_544 : i32 to vector<16xi32>
      %mul3A_546 = arith.muli %and3A_543, %mul3A_545 : vector<16xi32>
      %add3A_547 = arith.addi %add3A_537, %mul3A_546 : vector<16xi32>
      %and3A_548 = arith.constant 127 : i32
      %and3A_549 = vector.broadcast %and3A_548 : i32 to vector<16xi32>
      %and3A_550 = arith.andi %and3A_513, %and3A_549 : vector<16xi32>
      %add3A_551 = arith.addi %add3A_547, %and3A_550 : vector<16xi32>
      %add3A_552 = vector.broadcast %mul3A_8 : i32 to vector<16xi32>
      %add3A_553 = arith.addi %add3A_552, %add3A_551 : vector<16xi32>
      %add3A_554 = arith.constant 0 : i32
      %add3A_555 = vector.broadcast %add3A_554 : i32 to vector<16xi32>
      %add3A_556 = arith.addi %add3A_553, %add3A_555 : vector<16xi32>
      %mul3A_557 = arith.constant 16 : i32
      %mul3A_558 = arith.muli %scan3A_505, %mul3A_557 : i32
      %add3A_559 = arith.constant 0 : i32
      %add3A_560 = arith.addi %add3A_559, %mul3A_558 : i32
      %swap3A_561 = arith.index_cast %add3A_560 : i32 to index
      %swap3A_562 = tpu.vector_load %arg8[%swap3A_561] {strides = array<i32>} : memref<2048xi32, #tpu.memory_space<vmem>>, vector<16xi32>,
      tpu.vector_store %arg8[%swap3A_561], %add3A_556 {strides = array<i32>} : memref<2048xi32, #tpu.memory_space<vmem>>, vector<16xi32>,
      %add3A_563 = arith.constant 65536 : i32
      %add3A_564 = vector.broadcast %add3A_563 : i32 to vector<16xi32>
      %add3A_565 = arith.addi %add3A_553, %add3A_564 : vector<16xi32>
      %mul3A_566 = arith.constant 16 : i32
      %mul3A_567 = arith.muli %scan3A_505, %mul3A_566 : i32
      %add3A_568 = arith.constant 512 : i32
      %add3A_569 = arith.addi %add3A_568, %mul3A_567 : i32
      %swap3A_570 = arith.index_cast %add3A_569 : i32 to index
      %swap3A_571 = tpu.vector_load %arg8[%swap3A_570] {strides = array<i32>} : memref<2048xi32, #tpu.memory_space<vmem>>, vector<16xi32>,
      tpu.vector_store %arg8[%swap3A_570], %add3A_565 {strides = array<i32>} : memref<2048xi32, #tpu.memory_space<vmem>>, vector<16xi32>,
      %add3A_572 = arith.constant 131072 : i32
      %add3A_573 = vector.broadcast %add3A_572 : i32 to vector<16xi32>
      %add3A_574 = arith.addi %add3A_553, %add3A_573 : vector<16xi32>
      %mul3A_575 = arith.constant 16 : i32
      %mul3A_576 = arith.muli %scan3A_505, %mul3A_575 : i32
      %add3A_577 = arith.constant 1024 : i32
      %add3A_578 = arith.addi %add3A_577, %mul3A_576 : i32
      %swap3A_579 = arith.index_cast %add3A_578 : i32 to index
      %swap3A_580 = tpu.vector_load %arg8[%swap3A_579] {strides = array<i32>} : memref<2048xi32, #tpu.memory_space<vmem>>, vector<16xi32>,
      tpu.vector_store %arg8[%swap3A_579], %add3A_574 {strides = array<i32>} : memref<2048xi32, #tpu.memory_space<vmem>>, vector<16xi32>,
      %add3A_581 = arith.constant 196608 : i32
      %add3A_582 = vector.broadcast %add3A_581 : i32 to vector<16xi32>
      %add3A_583 = arith.addi %add3A_553, %add3A_582 : vector<16xi32>
      %mul3A_584 = arith.constant 16 : i32
      %mul3A_585 = arith.muli %scan3A_505, %mul3A_584 : i32
      %add3A_586 = arith.constant 1536 : i32
      %add3A_587 = arith.addi %add3A_586, %mul3A_585 : i32
      %swap3A_588 = arith.index_cast %add3A_587 : i32 to index
      %swap3A_589 = tpu.vector_load %arg8[%swap3A_588] {strides = array<i32>} : memref<2048xi32, #tpu.memory_space<vmem>>, vector<16xi32>,
      tpu.vector_store %arg8[%swap3A_588], %add3A_583 {strides = array<i32>} : memref<2048xi32, #tpu.memory_space<vmem>>, vector<16xi32>,
    }
    %scan3A_72 = arith.constant 8 : i32
    %dma_start3A_73 = arith.constant 256 : i32
    %dma_start3A_74 = tpu.memref_slice %arg9[%dma_start3A_73] : memref<2048xf32, #tpu.memory_space<vmem>> -> memref<128xf32, #tpu.memory_space<vmem>>
    %dma_start3A_75 = arith.constant 256 : i32
    %dma_start3A_76 = tpu.memref_slice %arg8[%dma_start3A_75] : memref<2048xi32, #tpu.memory_space<vmem>> -> memref<128xi32, #tpu.memory_space<vmem>>
    %dma_start3A_77 = arith.constant 0 : i32
    %dma_start3A_78 = tpu.memref_slice %arg2[%dma_start3A_77] : memref<8388608xf32, #tpu.memory_space<hbm>> -> memref<8388608xf32, #tpu.memory_space<hbm>>
    tpu.enqueue_indirect_dma source(%dma_start3A_78 : memref<8388608xf32, #tpu.memory_space<hbm>>) target(%dma_start3A_74 : memref<128xf32, #tpu.memory_space<vmem>>) offsets(%dma_start3A_76 : memref<128xi32, #tpu.memory_space<vmem>>) semaphore(%arg11 : memref<!tpu.dma_semaphore, #tpu.memory_space<semaphore_mem>>)
    %dma_start3A_79 = arith.constant 768 : i32
    %dma_start3A_80 = tpu.memref_slice %arg9[%dma_start3A_79] : memref<2048xf32, #tpu.memory_space<vmem>> -> memref<128xf32, #tpu.memory_space<vmem>>
    %dma_start3A_81 = arith.constant 768 : i32
    %dma_start3A_82 = tpu.memref_slice %arg8[%dma_start3A_81] : memref<2048xi32, #tpu.memory_space<vmem>> -> memref<128xi32, #tpu.memory_space<vmem>>
    %dma_start3A_83 = arith.constant 0 : i32
    %dma_start3A_84 = tpu.memref_slice %arg2[%dma_start3A_83] : memref<8388608xf32, #tpu.memory_space<hbm>> -> memref<8388608xf32, #tpu.memory_space<hbm>>
    tpu.enqueue_indirect_dma source(%dma_start3A_84 : memref<8388608xf32, #tpu.memory_space<hbm>>) target(%dma_start3A_80 : memref<128xf32, #tpu.memory_space<vmem>>) offsets(%dma_start3A_82 : memref<128xi32, #tpu.memory_space<vmem>>) semaphore(%arg11 : memref<!tpu.dma_semaphore, #tpu.memory_space<semaphore_mem>>)
    %dma_start3A_85 = arith.constant 1280 : i32
    %dma_start3A_86 = tpu.memref_slice %arg9[%dma_start3A_85] : memref<2048xf32, #tpu.memory_space<vmem>> -> memref<128xf32, #tpu.memory_space<vmem>>
    %dma_start3A_87 = arith.constant 1280 : i32
    %dma_start3A_88 = tpu.memref_slice %arg8[%dma_start3A_87] : memref<2048xi32, #tpu.memory_space<vmem>> -> memref<128xi32, #tpu.memory_space<vmem>>
    %dma_start3A_89 = arith.constant 0 : i32
    %dma_start3A_90 = tpu.memref_slice %arg2[%dma_start3A_89] : memref<8388608xf32, #tpu.memory_space<hbm>> -> memref<8388608xf32, #tpu.memory_space<hbm>>
    tpu.enqueue_indirect_dma source(%dma_start3A_90 : memref<8388608xf32, #tpu.memory_space<hbm>>) target(%dma_start3A_86 : memref<128xf32, #tpu.memory_space<vmem>>) offsets(%dma_start3A_88 : memref<128xi32, #tpu.memory_space<vmem>>) semaphore(%arg11 : memref<!tpu.dma_semaphore, #tpu.memory_space<semaphore_mem>>)
    %dma_start3A_91 = arith.constant 1792 : i32
    %dma_start3A_92 = tpu.memref_slice %arg9[%dma_start3A_91] : memref<2048xf32, #tpu.memory_space<vmem>> -> memref<128xf32, #tpu.memory_space<vmem>>
    %dma_start3A_93 = arith.constant 1792 : i32
    %dma_start3A_94 = tpu.memref_slice %arg8[%dma_start3A_93] : memref<2048xi32, #tpu.memory_space<vmem>> -> memref<128xi32, #tpu.memory_space<vmem>>
    %dma_start3A_95 = arith.constant 0 : i32
    %dma_start3A_96 = tpu.memref_slice %arg2[%dma_start3A_95] : memref<8388608xf32, #tpu.memory_space<hbm>> -> memref<8388608xf32, #tpu.memory_space<hbm>>
    tpu.enqueue_indirect_dma source(%dma_start3A_96 : memref<8388608xf32, #tpu.memory_space<hbm>>) target(%dma_start3A_92 : memref<128xf32, #tpu.memory_space<vmem>>) offsets(%dma_start3A_94 : memref<128xi32, #tpu.memory_space<vmem>>) semaphore(%arg11 : memref<!tpu.dma_semaphore, #tpu.memory_space<semaphore_mem>>)
    %scan3A_97 = arith.constant 0 : i32
    %scan3A_98 = arith.constant 24 : i32
    %scan3A_99 = arith.constant 8 : i32
    %scan3A_100 = arith.addi %scan3A_98, %scan3A_99 : i32
    %scan3A_101 = arith.constant 4 : i32
    scf.for %scan3A_252 = %scan3A_98 to %scan3A_100 step %scan3A_101  : i32 {
      %mul3A_253 = arith.constant 16 : i32
      %mul3A_254 = arith.muli %scan3A_252, %mul3A_253 : i32
      %get3A = arith.index_cast %mul3A_254 : i32 to index
      %get3A_255 = tpu.vector_load %arg5[%get3A] {strides = array<i32>} : memref<512xf32, #tpu.memory_space<vmem>>, vector<16xf32>,
      %bitcast3A = vector.bitcast %get3A_255 : vector<16xf32> to vector<16xi32>
      %and3A = arith.constant 65535 : i32
      %and3A_256 = vector.broadcast %and3A : i32 to vector<16xi32>
      %and3A_257 = arith.andi %bitcast3A, %and3A_256 : vector<16xi32>
      %shift_right_logical3A = arith.constant 16 : i32
      %shift_right_logical3A_258 = vector.broadcast %shift_right_logical3A : i32 to vector<16xi32>
      %shift_right_logical3A_259 = arith.shrui %bitcast3A, %shift_right_logical3A_258 : vector<16xi32>
      %convert_element_type3A = arith.sitofp %shift_right_logical3A_259 : vector<16xi32> to vector<16xf32>
      %mul3A_260 = arith.constant 16 : i32
      %mul3A_261 = arith.muli %scan3A_252, %mul3A_260 : i32
      %swap3A_262 = arith.index_cast %mul3A_261 : i32 to index
      %swap3A_263 = tpu.vector_load %arg6[%swap3A_262] {strides = array<i32>} : memref<512xf32, #tpu.memory_space<vmem>>, vector<16xf32>,
      tpu.vector_store %arg6[%swap3A_262], %convert_element_type3A {strides = array<i32>} : memref<512xf32, #tpu.memory_space<vmem>>, vector<16xf32>,
      %shift_right_logical3A_264 = arith.constant 11 : i32
      %shift_right_logical3A_265 = vector.broadcast %shift_right_logical3A_264 : i32 to vector<16xi32>
      %shift_right_logical3A_266 = arith.shrui %and3A_257, %shift_right_logical3A_265 : vector<16xi32>
      %mul3A_267 = arith.constant 2048 : i32
      %mul3A_268 = vector.broadcast %mul3A_267 : i32 to vector<16xi32>
      %mul3A_269 = arith.muli %shift_right_logical3A_266, %mul3A_268 : vector<16xi32>
      %shift_right_logical3A_270 = arith.constant 7 : i32
      %shift_right_logical3A_271 = vector.broadcast %shift_right_logical3A_270 : i32 to vector<16xi32>
      %shift_right_logical3A_272 = arith.shrui %and3A_257, %shift_right_logical3A_271 : vector<16xi32>
      %and3A_273 = arith.constant 1 : i32
      %and3A_274 = vector.broadcast %and3A_273 : i32 to vector<16xi32>
      %and3A_275 = arith.andi %shift_right_logical3A_272, %and3A_274 : vector<16xi32>
      %mul3A_276 = arith.constant 1024 : i32
      %mul3A_277 = vector.broadcast %mul3A_276 : i32 to vector<16xi32>
      %mul3A_278 = arith.muli %and3A_275, %mul3A_277 : vector<16xi32>
      %add3A_279 = arith.addi %mul3A_269, %mul3A_278 : vector<16xi32>
      %shift_right_logical3A_280 = arith.constant 8 : i32
      %shift_right_logical3A_281 = vector.broadcast %shift_right_logical3A_280 : i32 to vector<16xi32>
      %shift_right_logical3A_282 = arith.shrui %and3A_257, %shift_right_logical3A_281 : vector<16xi32>
      %and3A_283 = arith.constant 7 : i32
      %and3A_284 = vector.broadcast %and3A_283 : i32 to vector<16xi32>
      %and3A_285 = arith.andi %shift_right_logical3A_282, %and3A_284 : vector<16xi32>
      %mul3A_286 = arith.constant 128 : i32
      %mul3A_287 = vector.broadcast %mul3A_286 : i32 to vector<16xi32>
      %mul3A_288 = arith.muli %and3A_285, %mul3A_287 : vector<16xi32>
      %add3A_289 = arith.addi %add3A_279, %mul3A_288 : vector<16xi32>
      %and3A_290 = arith.constant 127 : i32
      %and3A_291 = vector.broadcast %and3A_290 : i32 to vector<16xi32>
      %and3A_292 = arith.andi %and3A_257, %and3A_291 : vector<16xi32>
      %add3A_293 = arith.addi %add3A_289, %and3A_292 : vector<16xi32>
      %add3A_294 = vector.broadcast %mul3A_8 : i32 to vector<16xi32>
      %add3A_295 = arith.addi %add3A_294, %add3A_293 : vector<16xi32>
      %add3A_296 = arith.constant 0 : i32
      %add3A_297 = vector.broadcast %add3A_296 : i32 to vector<16xi32>
      %add3A_298 = arith.addi %add3A_295, %add3A_297 : vector<16xi32>
      %mul3A_299 = arith.constant 16 : i32
      %mul3A_300 = arith.muli %scan3A_252, %mul3A_299 : i32
      %add3A_301 = arith.constant 0 : i32
      %add3A_302 = arith.addi %add3A_301, %mul3A_300 : i32
      %swap3A_303 = arith.index_cast %add3A_302 : i32 to index
      %swap3A_304 = tpu.vector_load %arg8[%swap3A_303] {strides = array<i32>} : memref<2048xi32, #tpu.memory_space<vmem>>, vector<16xi32>,
      tpu.vector_store %arg8[%swap3A_303], %add3A_298 {strides = array<i32>} : memref<2048xi32, #tpu.memory_space<vmem>>, vector<16xi32>,
      %add3A_305 = arith.constant 65536 : i32
      %add3A_306 = vector.broadcast %add3A_305 : i32 to vector<16xi32>
      %add3A_307 = arith.addi %add3A_295, %add3A_306 : vector<16xi32>
      %mul3A_308 = arith.constant 16 : i32
      %mul3A_309 = arith.muli %scan3A_252, %mul3A_308 : i32
      %add3A_310 = arith.constant 512 : i32
      %add3A_311 = arith.addi %add3A_310, %mul3A_309 : i32
      %swap3A_312 = arith.index_cast %add3A_311 : i32 to index
      %swap3A_313 = tpu.vector_load %arg8[%swap3A_312] {strides = array<i32>} : memref<2048xi32, #tpu.memory_space<vmem>>, vector<16xi32>,
      tpu.vector_store %arg8[%swap3A_312], %add3A_307 {strides = array<i32>} : memref<2048xi32, #tpu.memory_space<vmem>>, vector<16xi32>,
      %add3A_314 = arith.constant 131072 : i32
      %add3A_315 = vector.broadcast %add3A_314 : i32 to vector<16xi32>
      %add3A_316 = arith.addi %add3A_295, %add3A_315 : vector<16xi32>
      %mul3A_317 = arith.constant 16 : i32
      %mul3A_318 = arith.muli %scan3A_252, %mul3A_317 : i32
      %add3A_319 = arith.constant 1024 : i32
      %add3A_320 = arith.addi %add3A_319, %mul3A_318 : i32
      %swap3A_321 = arith.index_cast %add3A_320 : i32 to index
      %swap3A_322 = tpu.vector_load %arg8[%swap3A_321] {strides = array<i32>} : memref<2048xi32, #tpu.memory_space<vmem>>, vector<16xi32>,
      tpu.vector_store %arg8[%swap3A_321], %add3A_316 {strides = array<i32>} : memref<2048xi32, #tpu.memory_space<vmem>>, vector<16xi32>,
      %add3A_323 = arith.constant 196608 : i32
      %add3A_324 = vector.broadcast %add3A_323 : i32 to vector<16xi32>
      %add3A_325 = arith.addi %add3A_295, %add3A_324 : vector<16xi32>
      %mul3A_326 = arith.constant 16 : i32
      %mul3A_327 = arith.muli %scan3A_252, %mul3A_326 : i32
      %add3A_328 = arith.constant 1536 : i32
      %add3A_329 = arith.addi %add3A_328, %mul3A_327 : i32
      %swap3A_330 = arith.index_cast %add3A_329 : i32 to index
      %swap3A_331 = tpu.vector_load %arg8[%swap3A_330] {strides = array<i32>} : memref<2048xi32, #tpu.memory_space<vmem>>, vector<16xi32>,
      tpu.vector_store %arg8[%swap3A_330], %add3A_325 {strides = array<i32>} : memref<2048xi32, #tpu.memory_space<vmem>>, vector<16xi32>,
      %scan3A_332 = arith.constant 1 : i32
      %scan3A_333 = arith.addi %scan3A_252, %scan3A_332 : i32
      %mul3A_334 = arith.constant 16 : i32
      %mul3A_335 = arith.muli %scan3A_333, %mul3A_334 : i32
      %get3A_336 = arith.index_cast %mul3A_335 : i32 to index
      %get3A_337 = tpu.vector_load %arg5[%get3A_336] {strides = array<i32>} : memref<512xf32, #tpu.memory_space<vmem>>, vector<16xf32>,
      %bitcast3A_338 = vector.bitcast %get3A_337 : vector<16xf32> to vector<16xi32>
      %and3A_339 = arith.constant 65535 : i32
      %and3A_340 = vector.broadcast %and3A_339 : i32 to vector<16xi32>
      %and3A_341 = arith.andi %bitcast3A_338, %and3A_340 : vector<16xi32>
      %shift_right_logical3A_342 = arith.constant 16 : i32
      %shift_right_logical3A_343 = vector.broadcast %shift_right_logical3A_342 : i32 to vector<16xi32>
      %shift_right_logical3A_344 = arith.shrui %bitcast3A_338, %shift_right_logical3A_343 : vector<16xi32>
      %convert_element_type3A_345 = arith.sitofp %shift_right_logical3A_344 : vector<16xi32> to vector<16xf32>
      %mul3A_346 = arith.constant 16 : i32
      %mul3A_347 = arith.muli %scan3A_333, %mul3A_346 : i32
      %swap3A_348 = arith.index_cast %mul3A_347 : i32 to index
      %swap3A_349 = tpu.vector_load %arg6[%swap3A_348] {strides = array<i32>} : memref<512xf32, #tpu.memory_space<vmem>>, vector<16xf32>,
      tpu.vector_store %arg6[%swap3A_348], %convert_element_type3A_345 {strides = array<i32>} : memref<512xf32, #tpu.memory_space<vmem>>, vector<16xf32>,
      %shift_right_logical3A_350 = arith.constant 11 : i32
      %shift_right_logical3A_351 = vector.broadcast %shift_right_logical3A_350 : i32 to vector<16xi32>
      %shift_right_logical3A_352 = arith.shrui %and3A_341, %shift_right_logical3A_351 : vector<16xi32>
      %mul3A_353 = arith.constant 2048 : i32
      %mul3A_354 = vector.broadcast %mul3A_353 : i32 to vector<16xi32>
      %mul3A_355 = arith.muli %shift_right_logical3A_352, %mul3A_354 : vector<16xi32>
      %shift_right_logical3A_356 = arith.constant 7 : i32
      %shift_right_logical3A_357 = vector.broadcast %shift_right_logical3A_356 : i32 to vector<16xi32>
      %shift_right_logical3A_358 = arith.shrui %and3A_341, %shift_right_logical3A_357 : vector<16xi32>
      %and3A_359 = arith.constant 1 : i32
      %and3A_360 = vector.broadcast %and3A_359 : i32 to vector<16xi32>
      %and3A_361 = arith.andi %shift_right_logical3A_358, %and3A_360 : vector<16xi32>
      %mul3A_362 = arith.constant 1024 : i32
      %mul3A_363 = vector.broadcast %mul3A_362 : i32 to vector<16xi32>
      %mul3A_364 = arith.muli %and3A_361, %mul3A_363 : vector<16xi32>
      %add3A_365 = arith.addi %mul3A_355, %mul3A_364 : vector<16xi32>
      %shift_right_logical3A_366 = arith.constant 8 : i32
      %shift_right_logical3A_367 = vector.broadcast %shift_right_logical3A_366 : i32 to vector<16xi32>
      %shift_right_logical3A_368 = arith.shrui %and3A_341, %shift_right_logical3A_367 : vector<16xi32>
      %and3A_369 = arith.constant 7 : i32
      %and3A_370 = vector.broadcast %and3A_369 : i32 to vector<16xi32>
      %and3A_371 = arith.andi %shift_right_logical3A_368, %and3A_370 : vector<16xi32>
      %mul3A_372 = arith.constant 128 : i32
      %mul3A_373 = vector.broadcast %mul3A_372 : i32 to vector<16xi32>
      %mul3A_374 = arith.muli %and3A_371, %mul3A_373 : vector<16xi32>
      %add3A_375 = arith.addi %add3A_365, %mul3A_374 : vector<16xi32>
      %and3A_376 = arith.constant 127 : i32
      %and3A_377 = vector.broadcast %and3A_376 : i32 to vector<16xi32>
      %and3A_378 = arith.andi %and3A_341, %and3A_377 : vector<16xi32>
      %add3A_379 = arith.addi %add3A_375, %and3A_378 : vector<16xi32>
      %add3A_380 = vector.broadcast %mul3A_8 : i32 to vector<16xi32>
      %add3A_381 = arith.addi %add3A_380, %add3A_379 : vector<16xi32>
      %add3A_382 = arith.constant 0 : i32
      %add3A_383 = vector.broadcast %add3A_382 : i32 to vector<16xi32>
      %add3A_384 = arith.addi %add3A_381, %add3A_383 : vector<16xi32>
      %mul3A_385 = arith.constant 16 : i32
      %mul3A_386 = arith.muli %scan3A_333, %mul3A_385 : i32
      %add3A_387 = arith.constant 0 : i32
      %add3A_388 = arith.addi %add3A_387, %mul3A_386 : i32
      %swap3A_389 = arith.index_cast %add3A_388 : i32 to index
      %swap3A_390 = tpu.vector_load %arg8[%swap3A_389] {strides = array<i32>} : memref<2048xi32, #tpu.memory_space<vmem>>, vector<16xi32>,
      tpu.vector_store %arg8[%swap3A_389], %add3A_384 {strides = array<i32>} : memref<2048xi32, #tpu.memory_space<vmem>>, vector<16xi32>,
      %add3A_391 = arith.constant 65536 : i32
      %add3A_392 = vector.broadcast %add3A_391 : i32 to vector<16xi32>
      %add3A_393 = arith.addi %add3A_381, %add3A_392 : vector<16xi32>
      %mul3A_394 = arith.constant 16 : i32
      %mul3A_395 = arith.muli %scan3A_333, %mul3A_394 : i32
      %add3A_396 = arith.constant 512 : i32
      %add3A_397 = arith.addi %add3A_396, %mul3A_395 : i32
      %swap3A_398 = arith.index_cast %add3A_397 : i32 to index
      %swap3A_399 = tpu.vector_load %arg8[%swap3A_398] {strides = array<i32>} : memref<2048xi32, #tpu.memory_space<vmem>>, vector<16xi32>,
      tpu.vector_store %arg8[%swap3A_398], %add3A_393 {strides = array<i32>} : memref<2048xi32, #tpu.memory_space<vmem>>, vector<16xi32>,
      %add3A_400 = arith.constant 131072 : i32
      %add3A_401 = vector.broadcast %add3A_400 : i32 to vector<16xi32>
      %add3A_402 = arith.addi %add3A_381, %add3A_401 : vector<16xi32>
      %mul3A_403 = arith.constant 16 : i32
      %mul3A_404 = arith.muli %scan3A_333, %mul3A_403 : i32
      %add3A_405 = arith.constant 1024 : i32
      %add3A_406 = arith.addi %add3A_405, %mul3A_404 : i32
      %swap3A_407 = arith.index_cast %add3A_406 : i32 to index
      %swap3A_408 = tpu.vector_load %arg8[%swap3A_407] {strides = array<i32>} : memref<2048xi32, #tpu.memory_space<vmem>>, vector<16xi32>,
      tpu.vector_store %arg8[%swap3A_407], %add3A_402 {strides = array<i32>} : memref<2048xi32, #tpu.memory_space<vmem>>, vector<16xi32>,
      %add3A_409 = arith.constant 196608 : i32
      %add3A_410 = vector.broadcast %add3A_409 : i32 to vector<16xi32>
      %add3A_411 = arith.addi %add3A_381, %add3A_410 : vector<16xi32>
      %mul3A_412 = arith.constant 16 : i32
      %mul3A_413 = arith.muli %scan3A_333, %mul3A_412 : i32
      %add3A_414 = arith.constant 1536 : i32
      %add3A_415 = arith.addi %add3A_414, %mul3A_413 : i32
      %swap3A_416 = arith.index_cast %add3A_415 : i32 to index
      %swap3A_417 = tpu.vector_load %arg8[%swap3A_416] {strides = array<i32>} : memref<2048xi32, #tpu.memory_space<vmem>>, vector<16xi32>,
      tpu.vector_store %arg8[%swap3A_416], %add3A_411 {strides = array<i32>} : memref<2048xi32, #tpu.memory_space<vmem>>, vector<16xi32>,
      %scan3A_418 = arith.constant 2 : i32
      %scan3A_419 = arith.addi %scan3A_252, %scan3A_418 : i32
      %mul3A_420 = arith.constant 16 : i32
      %mul3A_421 = arith.muli %scan3A_419, %mul3A_420 : i32
      %get3A_422 = arith.index_cast %mul3A_421 : i32 to index
      %get3A_423 = tpu.vector_load %arg5[%get3A_422] {strides = array<i32>} : memref<512xf32, #tpu.memory_space<vmem>>, vector<16xf32>,
      %bitcast3A_424 = vector.bitcast %get3A_423 : vector<16xf32> to vector<16xi32>
      %and3A_425 = arith.constant 65535 : i32
      %and3A_426 = vector.broadcast %and3A_425 : i32 to vector<16xi32>
      %and3A_427 = arith.andi %bitcast3A_424, %and3A_426 : vector<16xi32>
      %shift_right_logical3A_428 = arith.constant 16 : i32
      %shift_right_logical3A_429 = vector.broadcast %shift_right_logical3A_428 : i32 to vector<16xi32>
      %shift_right_logical3A_430 = arith.shrui %bitcast3A_424, %shift_right_logical3A_429 : vector<16xi32>
      %convert_element_type3A_431 = arith.sitofp %shift_right_logical3A_430 : vector<16xi32> to vector<16xf32>
      %mul3A_432 = arith.constant 16 : i32
      %mul3A_433 = arith.muli %scan3A_419, %mul3A_432 : i32
      %swap3A_434 = arith.index_cast %mul3A_433 : i32 to index
      %swap3A_435 = tpu.vector_load %arg6[%swap3A_434] {strides = array<i32>} : memref<512xf32, #tpu.memory_space<vmem>>, vector<16xf32>,
      tpu.vector_store %arg6[%swap3A_434], %convert_element_type3A_431 {strides = array<i32>} : memref<512xf32, #tpu.memory_space<vmem>>, vector<16xf32>,
      %shift_right_logical3A_436 = arith.constant 11 : i32
      %shift_right_logical3A_437 = vector.broadcast %shift_right_logical3A_436 : i32 to vector<16xi32>
      %shift_right_logical3A_438 = arith.shrui %and3A_427, %shift_right_logical3A_437 : vector<16xi32>
      %mul3A_439 = arith.constant 2048 : i32
      %mul3A_440 = vector.broadcast %mul3A_439 : i32 to vector<16xi32>
      %mul3A_441 = arith.muli %shift_right_logical3A_438, %mul3A_440 : vector<16xi32>
      %shift_right_logical3A_442 = arith.constant 7 : i32
      %shift_right_logical3A_443 = vector.broadcast %shift_right_logical3A_442 : i32 to vector<16xi32>
      %shift_right_logical3A_444 = arith.shrui %and3A_427, %shift_right_logical3A_443 : vector<16xi32>
      %and3A_445 = arith.constant 1 : i32
      %and3A_446 = vector.broadcast %and3A_445 : i32 to vector<16xi32>
      %and3A_447 = arith.andi %shift_right_logical3A_444, %and3A_446 : vector<16xi32>
      %mul3A_448 = arith.constant 1024 : i32
      %mul3A_449 = vector.broadcast %mul3A_448 : i32 to vector<16xi32>
      %mul3A_450 = arith.muli %and3A_447, %mul3A_449 : vector<16xi32>
      %add3A_451 = arith.addi %mul3A_441, %mul3A_450 : vector<16xi32>
      %shift_right_logical3A_452 = arith.constant 8 : i32
      %shift_right_logical3A_453 = vector.broadcast %shift_right_logical3A_452 : i32 to vector<16xi32>
      %shift_right_logical3A_454 = arith.shrui %and3A_427, %shift_right_logical3A_453 : vector<16xi32>
      %and3A_455 = arith.constant 7 : i32
      %and3A_456 = vector.broadcast %and3A_455 : i32 to vector<16xi32>
      %and3A_457 = arith.andi %shift_right_logical3A_454, %and3A_456 : vector<16xi32>
      %mul3A_458 = arith.constant 128 : i32
      %mul3A_459 = vector.broadcast %mul3A_458 : i32 to vector<16xi32>
      %mul3A_460 = arith.muli %and3A_457, %mul3A_459 : vector<16xi32>
      %add3A_461 = arith.addi %add3A_451, %mul3A_460 : vector<16xi32>
      %and3A_462 = arith.constant 127 : i32
      %and3A_463 = vector.broadcast %and3A_462 : i32 to vector<16xi32>
      %and3A_464 = arith.andi %and3A_427, %and3A_463 : vector<16xi32>
      %add3A_465 = arith.addi %add3A_461, %and3A_464 : vector<16xi32>
      %add3A_466 = vector.broadcast %mul3A_8 : i32 to vector<16xi32>
      %add3A_467 = arith.addi %add3A_466, %add3A_465 : vector<16xi32>
      %add3A_468 = arith.constant 0 : i32
      %add3A_469 = vector.broadcast %add3A_468 : i32 to vector<16xi32>
      %add3A_470 = arith.addi %add3A_467, %add3A_469 : vector<16xi32>
      %mul3A_471 = arith.constant 16 : i32
      %mul3A_472 = arith.muli %scan3A_419, %mul3A_471 : i32
      %add3A_473 = arith.constant 0 : i32
      %add3A_474 = arith.addi %add3A_473, %mul3A_472 : i32
      %swap3A_475 = arith.index_cast %add3A_474 : i32 to index
      %swap3A_476 = tpu.vector_load %arg8[%swap3A_475] {strides = array<i32>} : memref<2048xi32, #tpu.memory_space<vmem>>, vector<16xi32>,
      tpu.vector_store %arg8[%swap3A_475], %add3A_470 {strides = array<i32>} : memref<2048xi32, #tpu.memory_space<vmem>>, vector<16xi32>,
      %add3A_477 = arith.constant 65536 : i32
      %add3A_478 = vector.broadcast %add3A_477 : i32 to vector<16xi32>
      %add3A_479 = arith.addi %add3A_467, %add3A_478 : vector<16xi32>
      %mul3A_480 = arith.constant 16 : i32
      %mul3A_481 = arith.muli %scan3A_419, %mul3A_480 : i32
      %add3A_482 = arith.constant 512 : i32
      %add3A_483 = arith.addi %add3A_482, %mul3A_481 : i32
      %swap3A_484 = arith.index_cast %add3A_483 : i32 to index
      %swap3A_485 = tpu.vector_load %arg8[%swap3A_484] {strides = array<i32>} : memref<2048xi32, #tpu.memory_space<vmem>>, vector<16xi32>,
      tpu.vector_store %arg8[%swap3A_484], %add3A_479 {strides = array<i32>} : memref<2048xi32, #tpu.memory_space<vmem>>, vector<16xi32>,
      %add3A_486 = arith.constant 131072 : i32
      %add3A_487 = vector.broadcast %add3A_486 : i32 to vector<16xi32>
      %add3A_488 = arith.addi %add3A_467, %add3A_487 : vector<16xi32>
      %mul3A_489 = arith.constant 16 : i32
      %mul3A_490 = arith.muli %scan3A_419, %mul3A_489 : i32
      %add3A_491 = arith.constant 1024 : i32
      %add3A_492 = arith.addi %add3A_491, %mul3A_490 : i32
      %swap3A_493 = arith.index_cast %add3A_492 : i32 to index
      %swap3A_494 = tpu.vector_load %arg8[%swap3A_493] {strides = array<i32>} : memref<2048xi32, #tpu.memory_space<vmem>>, vector<16xi32>,
      tpu.vector_store %arg8[%swap3A_493], %add3A_488 {strides = array<i32>} : memref<2048xi32, #tpu.memory_space<vmem>>, vector<16xi32>,
      %add3A_495 = arith.constant 196608 : i32
      %add3A_496 = vector.broadcast %add3A_495 : i32 to vector<16xi32>
      %add3A_497 = arith.addi %add3A_467, %add3A_496 : vector<16xi32>
      %mul3A_498 = arith.constant 16 : i32
      %mul3A_499 = arith.muli %scan3A_419, %mul3A_498 : i32
      %add3A_500 = arith.constant 1536 : i32
      %add3A_501 = arith.addi %add3A_500, %mul3A_499 : i32
      %swap3A_502 = arith.index_cast %add3A_501 : i32 to index
      %swap3A_503 = tpu.vector_load %arg8[%swap3A_502] {strides = array<i32>} : memref<2048xi32, #tpu.memory_space<vmem>>, vector<16xi32>,
      tpu.vector_store %arg8[%swap3A_502], %add3A_497 {strides = array<i32>} : memref<2048xi32, #tpu.memory_space<vmem>>, vector<16xi32>,
      %scan3A_504 = arith.constant 3 : i32
      %scan3A_505 = arith.addi %scan3A_252, %scan3A_504 : i32
      %mul3A_506 = arith.constant 16 : i32
      %mul3A_507 = arith.muli %scan3A_505, %mul3A_506 : i32
      %get3A_508 = arith.index_cast %mul3A_507 : i32 to index
      %get3A_509 = tpu.vector_load %arg5[%get3A_508] {strides = array<i32>} : memref<512xf32, #tpu.memory_space<vmem>>, vector<16xf32>,
      %bitcast3A_510 = vector.bitcast %get3A_509 : vector<16xf32> to vector<16xi32>
      %and3A_511 = arith.constant 65535 : i32
      %and3A_512 = vector.broadcast %and3A_511 : i32 to vector<16xi32>
      %and3A_513 = arith.andi %bitcast3A_510, %and3A_512 : vector<16xi32>
      %shift_right_logical3A_514 = arith.constant 16 : i32
      %shift_right_logical3A_515 = vector.broadcast %shift_right_logical3A_514 : i32 to vector<16xi32>
      %shift_right_logical3A_516 = arith.shrui %bitcast3A_510, %shift_right_logical3A_515 : vector<16xi32>
      %convert_element_type3A_517 = arith.sitofp %shift_right_logical3A_516 : vector<16xi32> to vector<16xf32>
      %mul3A_518 = arith.constant 16 : i32
      %mul3A_519 = arith.muli %scan3A_505, %mul3A_518 : i32
      %swap3A_520 = arith.index_cast %mul3A_519 : i32 to index
      %swap3A_521 = tpu.vector_load %arg6[%swap3A_520] {strides = array<i32>} : memref<512xf32, #tpu.memory_space<vmem>>, vector<16xf32>,
      tpu.vector_store %arg6[%swap3A_520], %convert_element_type3A_517 {strides = array<i32>} : memref<512xf32, #tpu.memory_space<vmem>>, vector<16xf32>,
      %shift_right_logical3A_522 = arith.constant 11 : i32
      %shift_right_logical3A_523 = vector.broadcast %shift_right_logical3A_522 : i32 to vector<16xi32>
      %shift_right_logical3A_524 = arith.shrui %and3A_513, %shift_right_logical3A_523 : vector<16xi32>
      %mul3A_525 = arith.constant 2048 : i32
      %mul3A_526 = vector.broadcast %mul3A_525 : i32 to vector<16xi32>
      %mul3A_527 = arith.muli %shift_right_logical3A_524, %mul3A_526 : vector<16xi32>
      %shift_right_logical3A_528 = arith.constant 7 : i32
      %shift_right_logical3A_529 = vector.broadcast %shift_right_logical3A_528 : i32 to vector<16xi32>
      %shift_right_logical3A_530 = arith.shrui %and3A_513, %shift_right_logical3A_529 : vector<16xi32>
      %and3A_531 = arith.constant 1 : i32
      %and3A_532 = vector.broadcast %and3A_531 : i32 to vector<16xi32>
      %and3A_533 = arith.andi %shift_right_logical3A_530, %and3A_532 : vector<16xi32>
      %mul3A_534 = arith.constant 1024 : i32
      %mul3A_535 = vector.broadcast %mul3A_534 : i32 to vector<16xi32>
      %mul3A_536 = arith.muli %and3A_533, %mul3A_535 : vector<16xi32>
      %add3A_537 = arith.addi %mul3A_527, %mul3A_536 : vector<16xi32>
      %shift_right_logical3A_538 = arith.constant 8 : i32
      %shift_right_logical3A_539 = vector.broadcast %shift_right_logical3A_538 : i32 to vector<16xi32>
      %shift_right_logical3A_540 = arith.shrui %and3A_513, %shift_right_logical3A_539 : vector<16xi32>
      %and3A_541 = arith.constant 7 : i32
      %and3A_542 = vector.broadcast %and3A_541 : i32 to vector<16xi32>
      %and3A_543 = arith.andi %shift_right_logical3A_540, %and3A_542 : vector<16xi32>
      %mul3A_544 = arith.constant 128 : i32
      %mul3A_545 = vector.broadcast %mul3A_544 : i32 to vector<16xi32>
      %mul3A_546 = arith.muli %and3A_543, %mul3A_545 : vector<16xi32>
      %add3A_547 = arith.addi %add3A_537, %mul3A_546 : vector<16xi32>
      %and3A_548 = arith.constant 127 : i32
      %and3A_549 = vector.broadcast %and3A_548 : i32 to vector<16xi32>
      %and3A_550 = arith.andi %and3A_513, %and3A_549 : vector<16xi32>
      %add3A_551 = arith.addi %add3A_547, %and3A_550 : vector<16xi32>
      %add3A_552 = vector.broadcast %mul3A_8 : i32 to vector<16xi32>
      %add3A_553 = arith.addi %add3A_552, %add3A_551 : vector<16xi32>
      %add3A_554 = arith.constant 0 : i32
      %add3A_555 = vector.broadcast %add3A_554 : i32 to vector<16xi32>
      %add3A_556 = arith.addi %add3A_553, %add3A_555 : vector<16xi32>
      %mul3A_557 = arith.constant 16 : i32
      %mul3A_558 = arith.muli %scan3A_505, %mul3A_557 : i32
      %add3A_559 = arith.constant 0 : i32
      %add3A_560 = arith.addi %add3A_559, %mul3A_558 : i32
      %swap3A_561 = arith.index_cast %add3A_560 : i32 to index
      %swap3A_562 = tpu.vector_load %arg8[%swap3A_561] {strides = array<i32>} : memref<2048xi32, #tpu.memory_space<vmem>>, vector<16xi32>,
      tpu.vector_store %arg8[%swap3A_561], %add3A_556 {strides = array<i32>} : memref<2048xi32, #tpu.memory_space<vmem>>, vector<16xi32>,
      %add3A_563 = arith.constant 65536 : i32
      %add3A_564 = vector.broadcast %add3A_563 : i32 to vector<16xi32>
      %add3A_565 = arith.addi %add3A_553, %add3A_564 : vector<16xi32>
      %mul3A_566 = arith.constant 16 : i32
      %mul3A_567 = arith.muli %scan3A_505, %mul3A_566 : i32
      %add3A_568 = arith.constant 512 : i32
      %add3A_569 = arith.addi %add3A_568, %mul3A_567 : i32
      %swap3A_570 = arith.index_cast %add3A_569 : i32 to index
      %swap3A_571 = tpu.vector_load %arg8[%swap3A_570] {strides = array<i32>} : memref<2048xi32, #tpu.memory_space<vmem>>, vector<16xi32>,
      tpu.vector_store %arg8[%swap3A_570], %add3A_565 {strides = array<i32>} : memref<2048xi32, #tpu.memory_space<vmem>>, vector<16xi32>,
      %add3A_572 = arith.constant 131072 : i32
      %add3A_573 = vector.broadcast %add3A_572 : i32 to vector<16xi32>
      %add3A_574 = arith.addi %add3A_553, %add3A_573 : vector<16xi32>
      %mul3A_575 = arith.constant 16 : i32
      %mul3A_576 = arith.muli %scan3A_505, %mul3A_575 : i32
      %add3A_577 = arith.constant 1024 : i32
      %add3A_578 = arith.addi %add3A_577, %mul3A_576 : i32
      %swap3A_579 = arith.index_cast %add3A_578 : i32 to index
      %swap3A_580 = tpu.vector_load %arg8[%swap3A_579] {strides = array<i32>} : memref<2048xi32, #tpu.memory_space<vmem>>, vector<16xi32>,
      tpu.vector_store %arg8[%swap3A_579], %add3A_574 {strides = array<i32>} : memref<2048xi32, #tpu.memory_space<vmem>>, vector<16xi32>,
      %add3A_581 = arith.constant 196608 : i32
      %add3A_582 = vector.broadcast %add3A_581 : i32 to vector<16xi32>
      %add3A_583 = arith.addi %add3A_553, %add3A_582 : vector<16xi32>
      %mul3A_584 = arith.constant 16 : i32
      %mul3A_585 = arith.muli %scan3A_505, %mul3A_584 : i32
      %add3A_586 = arith.constant 1536 : i32
      %add3A_587 = arith.addi %add3A_586, %mul3A_585 : i32
      %swap3A_588 = arith.index_cast %add3A_587 : i32 to index
      %swap3A_589 = tpu.vector_load %arg8[%swap3A_588] {strides = array<i32>} : memref<2048xi32, #tpu.memory_space<vmem>>, vector<16xi32>,
      tpu.vector_store %arg8[%swap3A_588], %add3A_583 {strides = array<i32>} : memref<2048xi32, #tpu.memory_space<vmem>>, vector<16xi32>,
    }
    %scan3A_102 = arith.constant 8 : i32
    %dma_start3A_103 = arith.constant 384 : i32
    %dma_start3A_104 = tpu.memref_slice %arg9[%dma_start3A_103] : memref<2048xf32, #tpu.memory_space<vmem>> -> memref<128xf32, #tpu.memory_space<vmem>>
    %dma_start3A_105 = arith.constant 384 : i32
    %dma_start3A_106 = tpu.memref_slice %arg8[%dma_start3A_105] : memref<2048xi32, #tpu.memory_space<vmem>> -> memref<128xi32, #tpu.memory_space<vmem>>
    %dma_start3A_107 = arith.constant 0 : i32
    %dma_start3A_108 = tpu.memref_slice %arg2[%dma_start3A_107] : memref<8388608xf32, #tpu.memory_space<hbm>> -> memref<8388608xf32, #tpu.memory_space<hbm>>
    tpu.enqueue_indirect_dma source(%dma_start3A_108 : memref<8388608xf32, #tpu.memory_space<hbm>>) target(%dma_start3A_104 : memref<128xf32, #tpu.memory_space<vmem>>) offsets(%dma_start3A_106 : memref<128xi32, #tpu.memory_space<vmem>>) semaphore(%arg11 : memref<!tpu.dma_semaphore, #tpu.memory_space<semaphore_mem>>)
    %dma_start3A_109 = arith.constant 896 : i32
    %dma_start3A_110 = tpu.memref_slice %arg9[%dma_start3A_109] : memref<2048xf32, #tpu.memory_space<vmem>> -> memref<128xf32, #tpu.memory_space<vmem>>
    %dma_start3A_111 = arith.constant 896 : i32
    %dma_start3A_112 = tpu.memref_slice %arg8[%dma_start3A_111] : memref<2048xi32, #tpu.memory_space<vmem>> -> memref<128xi32, #tpu.memory_space<vmem>>
    %dma_start3A_113 = arith.constant 0 : i32
    %dma_start3A_114 = tpu.memref_slice %arg2[%dma_start3A_113] : memref<8388608xf32, #tpu.memory_space<hbm>> -> memref<8388608xf32, #tpu.memory_space<hbm>>
    tpu.enqueue_indirect_dma source(%dma_start3A_114 : memref<8388608xf32, #tpu.memory_space<hbm>>) target(%dma_start3A_110 : memref<128xf32, #tpu.memory_space<vmem>>) offsets(%dma_start3A_112 : memref<128xi32, #tpu.memory_space<vmem>>) semaphore(%arg11 : memref<!tpu.dma_semaphore, #tpu.memory_space<semaphore_mem>>)
    %dma_start3A_115 = arith.constant 1408 : i32
    %dma_start3A_116 = tpu.memref_slice %arg9[%dma_start3A_115] : memref<2048xf32, #tpu.memory_space<vmem>> -> memref<128xf32, #tpu.memory_space<vmem>>
    %dma_start3A_117 = arith.constant 1408 : i32
    %dma_start3A_118 = tpu.memref_slice %arg8[%dma_start3A_117] : memref<2048xi32, #tpu.memory_space<vmem>> -> memref<128xi32, #tpu.memory_space<vmem>>
    %dma_start3A_119 = arith.constant 0 : i32
    %dma_start3A_120 = tpu.memref_slice %arg2[%dma_start3A_119] : memref<8388608xf32, #tpu.memory_space<hbm>> -> memref<8388608xf32, #tpu.memory_space<hbm>>
    tpu.enqueue_indirect_dma source(%dma_start3A_120 : memref<8388608xf32, #tpu.memory_space<hbm>>) target(%dma_start3A_116 : memref<128xf32, #tpu.memory_space<vmem>>) offsets(%dma_start3A_118 : memref<128xi32, #tpu.memory_space<vmem>>) semaphore(%arg11 : memref<!tpu.dma_semaphore, #tpu.memory_space<semaphore_mem>>)
    %dma_start3A_121 = arith.constant 1920 : i32
    %dma_start3A_122 = tpu.memref_slice %arg9[%dma_start3A_121] : memref<2048xf32, #tpu.memory_space<vmem>> -> memref<128xf32, #tpu.memory_space<vmem>>
    %dma_start3A_123 = arith.constant 1920 : i32
    %dma_start3A_124 = tpu.memref_slice %arg8[%dma_start3A_123] : memref<2048xi32, #tpu.memory_space<vmem>> -> memref<128xi32, #tpu.memory_space<vmem>>
    %dma_start3A_125 = arith.constant 0 : i32
    %dma_start3A_126 = tpu.memref_slice %arg2[%dma_start3A_125] : memref<8388608xf32, #tpu.memory_space<hbm>> -> memref<8388608xf32, #tpu.memory_space<hbm>>
    tpu.enqueue_indirect_dma source(%dma_start3A_126 : memref<8388608xf32, #tpu.memory_space<hbm>>) target(%dma_start3A_122 : memref<128xf32, #tpu.memory_space<vmem>>) offsets(%dma_start3A_124 : memref<128xi32, #tpu.memory_space<vmem>>) semaphore(%arg11 : memref<!tpu.dma_semaphore, #tpu.memory_space<semaphore_mem>>)
    %broadcast_in_dim3A = arith.constant 0.000000e+00 : f32
    %broadcast_in_dim3A_127 = vector.broadcast %broadcast_in_dim3A : f32 to vector<16xf32>
    %broadcast_in_dim3A_128 = arith.constant 0.000000e+00 : f32
    %broadcast_in_dim3A_129 = vector.broadcast %broadcast_in_dim3A_128 : f32 to vector<16xf32>
    %dma_wait3A = arith.constant 0 : i32
    %dma_wait3A_130 = tpu.memref_slice %arg9[%dma_wait3A] : memref<2048xf32, #tpu.memory_space<vmem>> -> memref<128xf32, #tpu.memory_space<vmem>>
    %dma_wait3A_131 = arith.constant 0 : i32
    %dma_wait3A_132 = tpu.memref_slice %arg8[%dma_wait3A_131] : memref<2048xi32, #tpu.memory_space<vmem>> -> memref<128xi32, #tpu.memory_space<vmem>>
    %dma_wait3A_133 = arith.constant 0 : i32
    %dma_wait3A_134 = tpu.memref_slice %arg2[%dma_wait3A_133] : memref<8388608xf32, #tpu.memory_space<hbm>> -> memref<8388608xf32, #tpu.memory_space<hbm>>
    tpu.wait_indirect_dma semaphore(%arg11 : memref<!tpu.dma_semaphore, #tpu.memory_space<semaphore_mem>>) src(%dma_wait3A_134 : memref<8388608xf32, #tpu.memory_space<hbm>>) dst(%dma_wait3A_130 : memref<128xf32, #tpu.memory_space<vmem>>)
    %dma_wait3A_135 = arith.constant 512 : i32
    %dma_wait3A_136 = tpu.memref_slice %arg9[%dma_wait3A_135] : memref<2048xf32, #tpu.memory_space<vmem>> -> memref<128xf32, #tpu.memory_space<vmem>>
    %dma_wait3A_137 = arith.constant 512 : i32
    %dma_wait3A_138 = tpu.memref_slice %arg8[%dma_wait3A_137] : memref<2048xi32, #tpu.memory_space<vmem>> -> memref<128xi32, #tpu.memory_space<vmem>>
    %dma_wait3A_139 = arith.constant 0 : i32
    %dma_wait3A_140 = tpu.memref_slice %arg2[%dma_wait3A_139] : memref<8388608xf32, #tpu.memory_space<hbm>> -> memref<8388608xf32, #tpu.memory_space<hbm>>
    tpu.wait_indirect_dma semaphore(%arg11 : memref<!tpu.dma_semaphore, #tpu.memory_space<semaphore_mem>>) src(%dma_wait3A_140 : memref<8388608xf32, #tpu.memory_space<hbm>>) dst(%dma_wait3A_136 : memref<128xf32, #tpu.memory_space<vmem>>)
    %dma_wait3A_141 = arith.constant 1024 : i32
    %dma_wait3A_142 = tpu.memref_slice %arg9[%dma_wait3A_141] : memref<2048xf32, #tpu.memory_space<vmem>> -> memref<128xf32, #tpu.memory_space<vmem>>
    %dma_wait3A_143 = arith.constant 1024 : i32
    %dma_wait3A_144 = tpu.memref_slice %arg8[%dma_wait3A_143] : memref<2048xi32, #tpu.memory_space<vmem>> -> memref<128xi32, #tpu.memory_space<vmem>>
    %dma_wait3A_145 = arith.constant 0 : i32
    %dma_wait3A_146 = tpu.memref_slice %arg2[%dma_wait3A_145] : memref<8388608xf32, #tpu.memory_space<hbm>> -> memref<8388608xf32, #tpu.memory_space<hbm>>
    tpu.wait_indirect_dma semaphore(%arg11 : memref<!tpu.dma_semaphore, #tpu.memory_space<semaphore_mem>>) src(%dma_wait3A_146 : memref<8388608xf32, #tpu.memory_space<hbm>>) dst(%dma_wait3A_142 : memref<128xf32, #tpu.memory_space<vmem>>)
    %dma_wait3A_147 = arith.constant 1536 : i32
    %dma_wait3A_148 = tpu.memref_slice %arg9[%dma_wait3A_147] : memref<2048xf32, #tpu.memory_space<vmem>> -> memref<128xf32, #tpu.memory_space<vmem>>
    %dma_wait3A_149 = arith.constant 1536 : i32
    %dma_wait3A_150 = tpu.memref_slice %arg8[%dma_wait3A_149] : memref<2048xi32, #tpu.memory_space<vmem>> -> memref<128xi32, #tpu.memory_space<vmem>>
    %dma_wait3A_151 = arith.constant 0 : i32
    %dma_wait3A_152 = tpu.memref_slice %arg2[%dma_wait3A_151] : memref<8388608xf32, #tpu.memory_space<hbm>> -> memref<8388608xf32, #tpu.memory_space<hbm>>
    tpu.wait_indirect_dma semaphore(%arg11 : memref<!tpu.dma_semaphore, #tpu.memory_space<semaphore_mem>>) src(%dma_wait3A_152 : memref<8388608xf32, #tpu.memory_space<hbm>>) dst(%dma_wait3A_148 : memref<128xf32, #tpu.memory_space<vmem>>)
    %scan3A_153 = arith.constant 0 : i32
    %scan3A_154 = arith.constant 8 : i32
    %scan3A_155 = arith.addi %scan3A_153, %scan3A_154 : i32
    %scan3A_156 = arith.constant 4 : i32
    %scan3A_157:2 = scf.for %scan3A_252 = %scan3A_153 to %scan3A_155 step %scan3A_156 iter_args(%scan3A_253 = %broadcast_in_dim3A_127, %scan3A_254 = %broadcast_in_dim3A_129) -> (vector<16xf32>, vector<16xf32>)  : i32 {
      %mul3A_255 = arith.constant 16 : i32
      %mul3A_256 = arith.muli %scan3A_252, %mul3A_255 : i32
      %get3A = arith.index_cast %mul3A_256 : i32 to index
      %get3A_257 = tpu.vector_load %arg6[%get3A] {strides = array<i32>} : memref<512xf32, #tpu.memory_space<vmem>>, vector<16xf32>,
      %mul3A_258 = arith.constant 16 : i32
      %mul3A_259 = arith.muli %scan3A_252, %mul3A_258 : i32
      %add3A_260 = arith.constant 0 : i32
      %add3A_261 = arith.addi %add3A_260, %mul3A_259 : i32
      %get3A_262 = arith.index_cast %add3A_261 : i32 to index
      %get3A_263 = tpu.vector_load %arg9[%get3A_262] {strides = array<i32>} : memref<2048xf32, #tpu.memory_space<vmem>>, vector<16xf32>,
      %get3A_264 = arith.index_cast %add3A_261 : i32 to index
      %get3A_265 = tpu.vector_load %arg7[%get3A_264] {strides = array<i32>} : memref<2048xf32, #tpu.memory_space<vmem>>, vector<16xf32>,
      %sub3A = arith.subf %get3A_263, %get3A_265 : vector<16xf32>
      %abs3A = math.absf %sub3A : vector<16xf32>
      %mul3A_266 = arith.mulf %abs3A, %get3A_257 : vector<16xf32>
      %add3A_267 = arith.addf %scan3A_253, %mul3A_266 : vector<16xf32>
      %mul3A_268 = arith.constant 16 : i32
      %mul3A_269 = arith.muli %scan3A_252, %mul3A_268 : i32
      %add3A_270 = arith.constant 512 : i32
      %add3A_271 = arith.addi %add3A_270, %mul3A_269 : i32
      %get3A_272 = arith.index_cast %add3A_271 : i32 to index
      %get3A_273 = tpu.vector_load %arg9[%get3A_272] {strides = array<i32>} : memref<2048xf32, #tpu.memory_space<vmem>>, vector<16xf32>,
      %get3A_274 = arith.index_cast %add3A_271 : i32 to index
      %get3A_275 = tpu.vector_load %arg7[%get3A_274] {strides = array<i32>} : memref<2048xf32, #tpu.memory_space<vmem>>, vector<16xf32>,
      %sub3A_276 = arith.subf %get3A_273, %get3A_275 : vector<16xf32>
      %abs3A_277 = math.absf %sub3A_276 : vector<16xf32>
      %mul3A_278 = arith.mulf %abs3A_277, %get3A_257 : vector<16xf32>
      %add3A_279 = arith.addf %add3A_267, %mul3A_278 : vector<16xf32>
      %mul3A_280 = arith.constant 16 : i32
      %mul3A_281 = arith.muli %scan3A_252, %mul3A_280 : i32
      %add3A_282 = arith.constant 1024 : i32
      %add3A_283 = arith.addi %add3A_282, %mul3A_281 : i32
      %get3A_284 = arith.index_cast %add3A_283 : i32 to index
      %get3A_285 = tpu.vector_load %arg9[%get3A_284] {strides = array<i32>} : memref<2048xf32, #tpu.memory_space<vmem>>, vector<16xf32>,
      %get3A_286 = arith.index_cast %add3A_283 : i32 to index
      %get3A_287 = tpu.vector_load %arg7[%get3A_286] {strides = array<i32>} : memref<2048xf32, #tpu.memory_space<vmem>>, vector<16xf32>,
      %sub3A_288 = arith.subf %get3A_285, %get3A_287 : vector<16xf32>
      %abs3A_289 = math.absf %sub3A_288 : vector<16xf32>
      %mul3A_290 = arith.mulf %abs3A_289, %get3A_257 : vector<16xf32>
      %add3A_291 = arith.addf %add3A_279, %mul3A_290 : vector<16xf32>
      %mul3A_292 = arith.constant 16 : i32
      %mul3A_293 = arith.muli %scan3A_252, %mul3A_292 : i32
      %add3A_294 = arith.constant 1536 : i32
      %add3A_295 = arith.addi %add3A_294, %mul3A_293 : i32
      %get3A_296 = arith.index_cast %add3A_295 : i32 to index
      %get3A_297 = tpu.vector_load %arg9[%get3A_296] {strides = array<i32>} : memref<2048xf32, #tpu.memory_space<vmem>>, vector<16xf32>,
      %get3A_298 = arith.index_cast %add3A_295 : i32 to index
      %get3A_299 = tpu.vector_load %arg7[%get3A_298] {strides = array<i32>} : memref<2048xf32, #tpu.memory_space<vmem>>, vector<16xf32>,
      %sub3A_300 = arith.subf %get3A_297, %get3A_299 : vector<16xf32>
      %abs3A_301 = math.absf %sub3A_300 : vector<16xf32>
      %mul3A_302 = arith.mulf %abs3A_301, %get3A_257 : vector<16xf32>
      %add3A_303 = arith.addf %add3A_291, %mul3A_302 : vector<16xf32>
      %add3A_304 = arith.addf %scan3A_254, %get3A_257 : vector<16xf32>
      %scan3A_305 = arith.constant 1 : i32
      %scan3A_306 = arith.addi %scan3A_252, %scan3A_305 : i32
      %mul3A_307 = arith.constant 16 : i32
      %mul3A_308 = arith.muli %scan3A_306, %mul3A_307 : i32
      %get3A_309 = arith.index_cast %mul3A_308 : i32 to index
      %get3A_310 = tpu.vector_load %arg6[%get3A_309] {strides = array<i32>} : memref<512xf32, #tpu.memory_space<vmem>>, vector<16xf32>,
      %mul3A_311 = arith.constant 16 : i32
      %mul3A_312 = arith.muli %scan3A_306, %mul3A_311 : i32
      %add3A_313 = arith.constant 0 : i32
      %add3A_314 = arith.addi %add3A_313, %mul3A_312 : i32
      %get3A_315 = arith.index_cast %add3A_314 : i32 to index
      %get3A_316 = tpu.vector_load %arg9[%get3A_315] {strides = array<i32>} : memref<2048xf32, #tpu.memory_space<vmem>>, vector<16xf32>,
      %get3A_317 = arith.index_cast %add3A_314 : i32 to index
      %get3A_318 = tpu.vector_load %arg7[%get3A_317] {strides = array<i32>} : memref<2048xf32, #tpu.memory_space<vmem>>, vector<16xf32>,
      %sub3A_319 = arith.subf %get3A_316, %get3A_318 : vector<16xf32>
      %abs3A_320 = math.absf %sub3A_319 : vector<16xf32>
      %mul3A_321 = arith.mulf %abs3A_320, %get3A_310 : vector<16xf32>
      %add3A_322 = arith.addf %add3A_303, %mul3A_321 : vector<16xf32>
      %mul3A_323 = arith.constant 16 : i32
      %mul3A_324 = arith.muli %scan3A_306, %mul3A_323 : i32
      %add3A_325 = arith.constant 512 : i32
      %add3A_326 = arith.addi %add3A_325, %mul3A_324 : i32
      %get3A_327 = arith.index_cast %add3A_326 : i32 to index
      %get3A_328 = tpu.vector_load %arg9[%get3A_327] {strides = array<i32>} : memref<2048xf32, #tpu.memory_space<vmem>>, vector<16xf32>,
      %get3A_329 = arith.index_cast %add3A_326 : i32 to index
      %get3A_330 = tpu.vector_load %arg7[%get3A_329] {strides = array<i32>} : memref<2048xf32, #tpu.memory_space<vmem>>, vector<16xf32>,
      %sub3A_331 = arith.subf %get3A_328, %get3A_330 : vector<16xf32>
      %abs3A_332 = math.absf %sub3A_331 : vector<16xf32>
      %mul3A_333 = arith.mulf %abs3A_332, %get3A_310 : vector<16xf32>
      %add3A_334 = arith.addf %add3A_322, %mul3A_333 : vector<16xf32>
      %mul3A_335 = arith.constant 16 : i32
      %mul3A_336 = arith.muli %scan3A_306, %mul3A_335 : i32
      %add3A_337 = arith.constant 1024 : i32
      %add3A_338 = arith.addi %add3A_337, %mul3A_336 : i32
      %get3A_339 = arith.index_cast %add3A_338 : i32 to index
      %get3A_340 = tpu.vector_load %arg9[%get3A_339] {strides = array<i32>} : memref<2048xf32, #tpu.memory_space<vmem>>, vector<16xf32>,
      %get3A_341 = arith.index_cast %add3A_338 : i32 to index
      %get3A_342 = tpu.vector_load %arg7[%get3A_341] {strides = array<i32>} : memref<2048xf32, #tpu.memory_space<vmem>>, vector<16xf32>,
      %sub3A_343 = arith.subf %get3A_340, %get3A_342 : vector<16xf32>
      %abs3A_344 = math.absf %sub3A_343 : vector<16xf32>
      %mul3A_345 = arith.mulf %abs3A_344, %get3A_310 : vector<16xf32>
      %add3A_346 = arith.addf %add3A_334, %mul3A_345 : vector<16xf32>
      %mul3A_347 = arith.constant 16 : i32
      %mul3A_348 = arith.muli %scan3A_306, %mul3A_347 : i32
      %add3A_349 = arith.constant 1536 : i32
      %add3A_350 = arith.addi %add3A_349, %mul3A_348 : i32
      %get3A_351 = arith.index_cast %add3A_350 : i32 to index
      %get3A_352 = tpu.vector_load %arg9[%get3A_351] {strides = array<i32>} : memref<2048xf32, #tpu.memory_space<vmem>>, vector<16xf32>,
      %get3A_353 = arith.index_cast %add3A_350 : i32 to index
      %get3A_354 = tpu.vector_load %arg7[%get3A_353] {strides = array<i32>} : memref<2048xf32, #tpu.memory_space<vmem>>, vector<16xf32>,
      %sub3A_355 = arith.subf %get3A_352, %get3A_354 : vector<16xf32>
      %abs3A_356 = math.absf %sub3A_355 : vector<16xf32>
      %mul3A_357 = arith.mulf %abs3A_356, %get3A_310 : vector<16xf32>
      %add3A_358 = arith.addf %add3A_346, %mul3A_357 : vector<16xf32>
      %add3A_359 = arith.addf %add3A_304, %get3A_310 : vector<16xf32>
      %scan3A_360 = arith.constant 2 : i32
      %scan3A_361 = arith.addi %scan3A_252, %scan3A_360 : i32
      %mul3A_362 = arith.constant 16 : i32
      %mul3A_363 = arith.muli %scan3A_361, %mul3A_362 : i32
      %get3A_364 = arith.index_cast %mul3A_363 : i32 to index
      %get3A_365 = tpu.vector_load %arg6[%get3A_364] {strides = array<i32>} : memref<512xf32, #tpu.memory_space<vmem>>, vector<16xf32>,
      %mul3A_366 = arith.constant 16 : i32
      %mul3A_367 = arith.muli %scan3A_361, %mul3A_366 : i32
      %add3A_368 = arith.constant 0 : i32
      %add3A_369 = arith.addi %add3A_368, %mul3A_367 : i32
      %get3A_370 = arith.index_cast %add3A_369 : i32 to index
      %get3A_371 = tpu.vector_load %arg9[%get3A_370] {strides = array<i32>} : memref<2048xf32, #tpu.memory_space<vmem>>, vector<16xf32>,
      %get3A_372 = arith.index_cast %add3A_369 : i32 to index
      %get3A_373 = tpu.vector_load %arg7[%get3A_372] {strides = array<i32>} : memref<2048xf32, #tpu.memory_space<vmem>>, vector<16xf32>,
      %sub3A_374 = arith.subf %get3A_371, %get3A_373 : vector<16xf32>
      %abs3A_375 = math.absf %sub3A_374 : vector<16xf32>
      %mul3A_376 = arith.mulf %abs3A_375, %get3A_365 : vector<16xf32>
      %add3A_377 = arith.addf %add3A_358, %mul3A_376 : vector<16xf32>
      %mul3A_378 = arith.constant 16 : i32
      %mul3A_379 = arith.muli %scan3A_361, %mul3A_378 : i32
      %add3A_380 = arith.constant 512 : i32
      %add3A_381 = arith.addi %add3A_380, %mul3A_379 : i32
      %get3A_382 = arith.index_cast %add3A_381 : i32 to index
      %get3A_383 = tpu.vector_load %arg9[%get3A_382] {strides = array<i32>} : memref<2048xf32, #tpu.memory_space<vmem>>, vector<16xf32>,
      %get3A_384 = arith.index_cast %add3A_381 : i32 to index
      %get3A_385 = tpu.vector_load %arg7[%get3A_384] {strides = array<i32>} : memref<2048xf32, #tpu.memory_space<vmem>>, vector<16xf32>,
      %sub3A_386 = arith.subf %get3A_383, %get3A_385 : vector<16xf32>
      %abs3A_387 = math.absf %sub3A_386 : vector<16xf32>
      %mul3A_388 = arith.mulf %abs3A_387, %get3A_365 : vector<16xf32>
      %add3A_389 = arith.addf %add3A_377, %mul3A_388 : vector<16xf32>
      %mul3A_390 = arith.constant 16 : i32
      %mul3A_391 = arith.muli %scan3A_361, %mul3A_390 : i32
      %add3A_392 = arith.constant 1024 : i32
      %add3A_393 = arith.addi %add3A_392, %mul3A_391 : i32
      %get3A_394 = arith.index_cast %add3A_393 : i32 to index
      %get3A_395 = tpu.vector_load %arg9[%get3A_394] {strides = array<i32>} : memref<2048xf32, #tpu.memory_space<vmem>>, vector<16xf32>,
      %get3A_396 = arith.index_cast %add3A_393 : i32 to index
      %get3A_397 = tpu.vector_load %arg7[%get3A_396] {strides = array<i32>} : memref<2048xf32, #tpu.memory_space<vmem>>, vector<16xf32>,
      %sub3A_398 = arith.subf %get3A_395, %get3A_397 : vector<16xf32>
      %abs3A_399 = math.absf %sub3A_398 : vector<16xf32>
      %mul3A_400 = arith.mulf %abs3A_399, %get3A_365 : vector<16xf32>
      %add3A_401 = arith.addf %add3A_389, %mul3A_400 : vector<16xf32>
      %mul3A_402 = arith.constant 16 : i32
      %mul3A_403 = arith.muli %scan3A_361, %mul3A_402 : i32
      %add3A_404 = arith.constant 1536 : i32
      %add3A_405 = arith.addi %add3A_404, %mul3A_403 : i32
      %get3A_406 = arith.index_cast %add3A_405 : i32 to index
      %get3A_407 = tpu.vector_load %arg9[%get3A_406] {strides = array<i32>} : memref<2048xf32, #tpu.memory_space<vmem>>, vector<16xf32>,
      %get3A_408 = arith.index_cast %add3A_405 : i32 to index
      %get3A_409 = tpu.vector_load %arg7[%get3A_408] {strides = array<i32>} : memref<2048xf32, #tpu.memory_space<vmem>>, vector<16xf32>,
      %sub3A_410 = arith.subf %get3A_407, %get3A_409 : vector<16xf32>
      %abs3A_411 = math.absf %sub3A_410 : vector<16xf32>
      %mul3A_412 = arith.mulf %abs3A_411, %get3A_365 : vector<16xf32>
      %add3A_413 = arith.addf %add3A_401, %mul3A_412 : vector<16xf32>
      %add3A_414 = arith.addf %add3A_359, %get3A_365 : vector<16xf32>
      %scan3A_415 = arith.constant 3 : i32
      %scan3A_416 = arith.addi %scan3A_252, %scan3A_415 : i32
      %mul3A_417 = arith.constant 16 : i32
      %mul3A_418 = arith.muli %scan3A_416, %mul3A_417 : i32
      %get3A_419 = arith.index_cast %mul3A_418 : i32 to index
      %get3A_420 = tpu.vector_load %arg6[%get3A_419] {strides = array<i32>} : memref<512xf32, #tpu.memory_space<vmem>>, vector<16xf32>,
      %mul3A_421 = arith.constant 16 : i32
      %mul3A_422 = arith.muli %scan3A_416, %mul3A_421 : i32
      %add3A_423 = arith.constant 0 : i32
      %add3A_424 = arith.addi %add3A_423, %mul3A_422 : i32
      %get3A_425 = arith.index_cast %add3A_424 : i32 to index
      %get3A_426 = tpu.vector_load %arg9[%get3A_425] {strides = array<i32>} : memref<2048xf32, #tpu.memory_space<vmem>>, vector<16xf32>,
      %get3A_427 = arith.index_cast %add3A_424 : i32 to index
      %get3A_428 = tpu.vector_load %arg7[%get3A_427] {strides = array<i32>} : memref<2048xf32, #tpu.memory_space<vmem>>, vector<16xf32>,
      %sub3A_429 = arith.subf %get3A_426, %get3A_428 : vector<16xf32>
      %abs3A_430 = math.absf %sub3A_429 : vector<16xf32>
      %mul3A_431 = arith.mulf %abs3A_430, %get3A_420 : vector<16xf32>
      %add3A_432 = arith.addf %add3A_413, %mul3A_431 : vector<16xf32>
      %mul3A_433 = arith.constant 16 : i32
      %mul3A_434 = arith.muli %scan3A_416, %mul3A_433 : i32
      %add3A_435 = arith.constant 512 : i32
      %add3A_436 = arith.addi %add3A_435, %mul3A_434 : i32
      %get3A_437 = arith.index_cast %add3A_436 : i32 to index
      %get3A_438 = tpu.vector_load %arg9[%get3A_437] {strides = array<i32>} : memref<2048xf32, #tpu.memory_space<vmem>>, vector<16xf32>,
      %get3A_439 = arith.index_cast %add3A_436 : i32 to index
      %get3A_440 = tpu.vector_load %arg7[%get3A_439] {strides = array<i32>} : memref<2048xf32, #tpu.memory_space<vmem>>, vector<16xf32>,
      %sub3A_441 = arith.subf %get3A_438, %get3A_440 : vector<16xf32>
      %abs3A_442 = math.absf %sub3A_441 : vector<16xf32>
      %mul3A_443 = arith.mulf %abs3A_442, %get3A_420 : vector<16xf32>
      %add3A_444 = arith.addf %add3A_432, %mul3A_443 : vector<16xf32>
      %mul3A_445 = arith.constant 16 : i32
      %mul3A_446 = arith.muli %scan3A_416, %mul3A_445 : i32
      %add3A_447 = arith.constant 1024 : i32
      %add3A_448 = arith.addi %add3A_447, %mul3A_446 : i32
      %get3A_449 = arith.index_cast %add3A_448 : i32 to index
      %get3A_450 = tpu.vector_load %arg9[%get3A_449] {strides = array<i32>} : memref<2048xf32, #tpu.memory_space<vmem>>, vector<16xf32>,
      %get3A_451 = arith.index_cast %add3A_448 : i32 to index
      %get3A_452 = tpu.vector_load %arg7[%get3A_451] {strides = array<i32>} : memref<2048xf32, #tpu.memory_space<vmem>>, vector<16xf32>,
      %sub3A_453 = arith.subf %get3A_450, %get3A_452 : vector<16xf32>
      %abs3A_454 = math.absf %sub3A_453 : vector<16xf32>
      %mul3A_455 = arith.mulf %abs3A_454, %get3A_420 : vector<16xf32>
      %add3A_456 = arith.addf %add3A_444, %mul3A_455 : vector<16xf32>
      %mul3A_457 = arith.constant 16 : i32
      %mul3A_458 = arith.muli %scan3A_416, %mul3A_457 : i32
      %add3A_459 = arith.constant 1536 : i32
      %add3A_460 = arith.addi %add3A_459, %mul3A_458 : i32
      %get3A_461 = arith.index_cast %add3A_460 : i32 to index
      %get3A_462 = tpu.vector_load %arg9[%get3A_461] {strides = array<i32>} : memref<2048xf32, #tpu.memory_space<vmem>>, vector<16xf32>,
      %get3A_463 = arith.index_cast %add3A_460 : i32 to index
      %get3A_464 = tpu.vector_load %arg7[%get3A_463] {strides = array<i32>} : memref<2048xf32, #tpu.memory_space<vmem>>, vector<16xf32>,
      %sub3A_465 = arith.subf %get3A_462, %get3A_464 : vector<16xf32>
      %abs3A_466 = math.absf %sub3A_465 : vector<16xf32>
      %mul3A_467 = arith.mulf %abs3A_466, %get3A_420 : vector<16xf32>
      %add3A_468 = arith.addf %add3A_456, %mul3A_467 : vector<16xf32>
      %add3A_469 = arith.addf %add3A_414, %get3A_420 : vector<16xf32>
      scf.yield %add3A_468, %add3A_469 : vector<16xf32>, vector<16xf32>
    }
    %scan3A_158 = arith.constant 8 : i32
    %dma_wait3A_159 = arith.constant 128 : i32
    %dma_wait3A_160 = tpu.memref_slice %arg9[%dma_wait3A_159] : memref<2048xf32, #tpu.memory_space<vmem>> -> memref<128xf32, #tpu.memory_space<vmem>>
    %dma_wait3A_161 = arith.constant 128 : i32
    %dma_wait3A_162 = tpu.memref_slice %arg8[%dma_wait3A_161] : memref<2048xi32, #tpu.memory_space<vmem>> -> memref<128xi32, #tpu.memory_space<vmem>>
    %dma_wait3A_163 = arith.constant 0 : i32
    %dma_wait3A_164 = tpu.memref_slice %arg2[%dma_wait3A_163] : memref<8388608xf32, #tpu.memory_space<hbm>> -> memref<8388608xf32, #tpu.memory_space<hbm>>
    tpu.wait_indirect_dma semaphore(%arg11 : memref<!tpu.dma_semaphore, #tpu.memory_space<semaphore_mem>>) src(%dma_wait3A_164 : memref<8388608xf32, #tpu.memory_space<hbm>>) dst(%dma_wait3A_160 : memref<128xf32, #tpu.memory_space<vmem>>)
    %dma_wait3A_165 = arith.constant 640 : i32
    %dma_wait3A_166 = tpu.memref_slice %arg9[%dma_wait3A_165] : memref<2048xf32, #tpu.memory_space<vmem>> -> memref<128xf32, #tpu.memory_space<vmem>>
    %dma_wait3A_167 = arith.constant 640 : i32
    %dma_wait3A_168 = tpu.memref_slice %arg8[%dma_wait3A_167] : memref<2048xi32, #tpu.memory_space<vmem>> -> memref<128xi32, #tpu.memory_space<vmem>>
    %dma_wait3A_169 = arith.constant 0 : i32
    %dma_wait3A_170 = tpu.memref_slice %arg2[%dma_wait3A_169] : memref<8388608xf32, #tpu.memory_space<hbm>> -> memref<8388608xf32, #tpu.memory_space<hbm>>
    tpu.wait_indirect_dma semaphore(%arg11 : memref<!tpu.dma_semaphore, #tpu.memory_space<semaphore_mem>>) src(%dma_wait3A_170 : memref<8388608xf32, #tpu.memory_space<hbm>>) dst(%dma_wait3A_166 : memref<128xf32, #tpu.memory_space<vmem>>)
    %dma_wait3A_171 = arith.constant 1152 : i32
    %dma_wait3A_172 = tpu.memref_slice %arg9[%dma_wait3A_171] : memref<2048xf32, #tpu.memory_space<vmem>> -> memref<128xf32, #tpu.memory_space<vmem>>
    %dma_wait3A_173 = arith.constant 1152 : i32
    %dma_wait3A_174 = tpu.memref_slice %arg8[%dma_wait3A_173] : memref<2048xi32, #tpu.memory_space<vmem>> -> memref<128xi32, #tpu.memory_space<vmem>>
    %dma_wait3A_175 = arith.constant 0 : i32
    %dma_wait3A_176 = tpu.memref_slice %arg2[%dma_wait3A_175] : memref<8388608xf32, #tpu.memory_space<hbm>> -> memref<8388608xf32, #tpu.memory_space<hbm>>
    tpu.wait_indirect_dma semaphore(%arg11 : memref<!tpu.dma_semaphore, #tpu.memory_space<semaphore_mem>>) src(%dma_wait3A_176 : memref<8388608xf32, #tpu.memory_space<hbm>>) dst(%dma_wait3A_172 : memref<128xf32, #tpu.memory_space<vmem>>)
    %dma_wait3A_177 = arith.constant 1664 : i32
    %dma_wait3A_178 = tpu.memref_slice %arg9[%dma_wait3A_177] : memref<2048xf32, #tpu.memory_space<vmem>> -> memref<128xf32, #tpu.memory_space<vmem>>
    %dma_wait3A_179 = arith.constant 1664 : i32
    %dma_wait3A_180 = tpu.memref_slice %arg8[%dma_wait3A_179] : memref<2048xi32, #tpu.memory_space<vmem>> -> memref<128xi32, #tpu.memory_space<vmem>>
    %dma_wait3A_181 = arith.constant 0 : i32
    %dma_wait3A_182 = tpu.memref_slice %arg2[%dma_wait3A_181] : memref<8388608xf32, #tpu.memory_space<hbm>> -> memref<8388608xf32, #tpu.memory_space<hbm>>
    tpu.wait_indirect_dma semaphore(%arg11 : memref<!tpu.dma_semaphore, #tpu.memory_space<semaphore_mem>>) src(%dma_wait3A_182 : memref<8388608xf32, #tpu.memory_space<hbm>>) dst(%dma_wait3A_178 : memref<128xf32, #tpu.memory_space<vmem>>)
    %scan3A_183 = arith.constant 8 : i32
    %scan3A_184 = arith.constant 8 : i32
    %scan3A_185 = arith.addi %scan3A_183, %scan3A_184 : i32
    %scan3A_186 = arith.constant 4 : i32
    %scan3A_187:2 = scf.for %scan3A_252 = %scan3A_183 to %scan3A_185 step %scan3A_186 iter_args(%scan3A_253 = %scan3A_157#0, %scan3A_254 = %scan3A_157#1) -> (vector<16xf32>, vector<16xf32>)  : i32 {
      %mul3A_255 = arith.constant 16 : i32
      %mul3A_256 = arith.muli %scan3A_252, %mul3A_255 : i32
      %get3A = arith.index_cast %mul3A_256 : i32 to index
      %get3A_257 = tpu.vector_load %arg6[%get3A] {strides = array<i32>} : memref<512xf32, #tpu.memory_space<vmem>>, vector<16xf32>,
      %mul3A_258 = arith.constant 16 : i32
      %mul3A_259 = arith.muli %scan3A_252, %mul3A_258 : i32
      %add3A_260 = arith.constant 0 : i32
      %add3A_261 = arith.addi %add3A_260, %mul3A_259 : i32
      %get3A_262 = arith.index_cast %add3A_261 : i32 to index
      %get3A_263 = tpu.vector_load %arg9[%get3A_262] {strides = array<i32>} : memref<2048xf32, #tpu.memory_space<vmem>>, vector<16xf32>,
      %get3A_264 = arith.index_cast %add3A_261 : i32 to index
      %get3A_265 = tpu.vector_load %arg7[%get3A_264] {strides = array<i32>} : memref<2048xf32, #tpu.memory_space<vmem>>, vector<16xf32>,
      %sub3A = arith.subf %get3A_263, %get3A_265 : vector<16xf32>
      %abs3A = math.absf %sub3A : vector<16xf32>
      %mul3A_266 = arith.mulf %abs3A, %get3A_257 : vector<16xf32>
      %add3A_267 = arith.addf %scan3A_253, %mul3A_266 : vector<16xf32>
      %mul3A_268 = arith.constant 16 : i32
      %mul3A_269 = arith.muli %scan3A_252, %mul3A_268 : i32
      %add3A_270 = arith.constant 512 : i32
      %add3A_271 = arith.addi %add3A_270, %mul3A_269 : i32
      %get3A_272 = arith.index_cast %add3A_271 : i32 to index
      %get3A_273 = tpu.vector_load %arg9[%get3A_272] {strides = array<i32>} : memref<2048xf32, #tpu.memory_space<vmem>>, vector<16xf32>,
      %get3A_274 = arith.index_cast %add3A_271 : i32 to index
      %get3A_275 = tpu.vector_load %arg7[%get3A_274] {strides = array<i32>} : memref<2048xf32, #tpu.memory_space<vmem>>, vector<16xf32>,
      %sub3A_276 = arith.subf %get3A_273, %get3A_275 : vector<16xf32>
      %abs3A_277 = math.absf %sub3A_276 : vector<16xf32>
      %mul3A_278 = arith.mulf %abs3A_277, %get3A_257 : vector<16xf32>
      %add3A_279 = arith.addf %add3A_267, %mul3A_278 : vector<16xf32>
      %mul3A_280 = arith.constant 16 : i32
      %mul3A_281 = arith.muli %scan3A_252, %mul3A_280 : i32
      %add3A_282 = arith.constant 1024 : i32
      %add3A_283 = arith.addi %add3A_282, %mul3A_281 : i32
      %get3A_284 = arith.index_cast %add3A_283 : i32 to index
      %get3A_285 = tpu.vector_load %arg9[%get3A_284] {strides = array<i32>} : memref<2048xf32, #tpu.memory_space<vmem>>, vector<16xf32>,
      %get3A_286 = arith.index_cast %add3A_283 : i32 to index
      %get3A_287 = tpu.vector_load %arg7[%get3A_286] {strides = array<i32>} : memref<2048xf32, #tpu.memory_space<vmem>>, vector<16xf32>,
      %sub3A_288 = arith.subf %get3A_285, %get3A_287 : vector<16xf32>
      %abs3A_289 = math.absf %sub3A_288 : vector<16xf32>
      %mul3A_290 = arith.mulf %abs3A_289, %get3A_257 : vector<16xf32>
      %add3A_291 = arith.addf %add3A_279, %mul3A_290 : vector<16xf32>
      %mul3A_292 = arith.constant 16 : i32
      %mul3A_293 = arith.muli %scan3A_252, %mul3A_292 : i32
      %add3A_294 = arith.constant 1536 : i32
      %add3A_295 = arith.addi %add3A_294, %mul3A_293 : i32
      %get3A_296 = arith.index_cast %add3A_295 : i32 to index
      %get3A_297 = tpu.vector_load %arg9[%get3A_296] {strides = array<i32>} : memref<2048xf32, #tpu.memory_space<vmem>>, vector<16xf32>,
      %get3A_298 = arith.index_cast %add3A_295 : i32 to index
      %get3A_299 = tpu.vector_load %arg7[%get3A_298] {strides = array<i32>} : memref<2048xf32, #tpu.memory_space<vmem>>, vector<16xf32>,
      %sub3A_300 = arith.subf %get3A_297, %get3A_299 : vector<16xf32>
      %abs3A_301 = math.absf %sub3A_300 : vector<16xf32>
      %mul3A_302 = arith.mulf %abs3A_301, %get3A_257 : vector<16xf32>
      %add3A_303 = arith.addf %add3A_291, %mul3A_302 : vector<16xf32>
      %add3A_304 = arith.addf %scan3A_254, %get3A_257 : vector<16xf32>
      %scan3A_305 = arith.constant 1 : i32
      %scan3A_306 = arith.addi %scan3A_252, %scan3A_305 : i32
      %mul3A_307 = arith.constant 16 : i32
      %mul3A_308 = arith.muli %scan3A_306, %mul3A_307 : i32
      %get3A_309 = arith.index_cast %mul3A_308 : i32 to index
      %get3A_310 = tpu.vector_load %arg6[%get3A_309] {strides = array<i32>} : memref<512xf32, #tpu.memory_space<vmem>>, vector<16xf32>,
      %mul3A_311 = arith.constant 16 : i32
      %mul3A_312 = arith.muli %scan3A_306, %mul3A_311 : i32
      %add3A_313 = arith.constant 0 : i32
      %add3A_314 = arith.addi %add3A_313, %mul3A_312 : i32
      %get3A_315 = arith.index_cast %add3A_314 : i32 to index
      %get3A_316 = tpu.vector_load %arg9[%get3A_315] {strides = array<i32>} : memref<2048xf32, #tpu.memory_space<vmem>>, vector<16xf32>,
      %get3A_317 = arith.index_cast %add3A_314 : i32 to index
      %get3A_318 = tpu.vector_load %arg7[%get3A_317] {strides = array<i32>} : memref<2048xf32, #tpu.memory_space<vmem>>, vector<16xf32>,
      %sub3A_319 = arith.subf %get3A_316, %get3A_318 : vector<16xf32>
      %abs3A_320 = math.absf %sub3A_319 : vector<16xf32>
      %mul3A_321 = arith.mulf %abs3A_320, %get3A_310 : vector<16xf32>
      %add3A_322 = arith.addf %add3A_303, %mul3A_321 : vector<16xf32>
      %mul3A_323 = arith.constant 16 : i32
      %mul3A_324 = arith.muli %scan3A_306, %mul3A_323 : i32
      %add3A_325 = arith.constant 512 : i32
      %add3A_326 = arith.addi %add3A_325, %mul3A_324 : i32
      %get3A_327 = arith.index_cast %add3A_326 : i32 to index
      %get3A_328 = tpu.vector_load %arg9[%get3A_327] {strides = array<i32>} : memref<2048xf32, #tpu.memory_space<vmem>>, vector<16xf32>,
      %get3A_329 = arith.index_cast %add3A_326 : i32 to index
      %get3A_330 = tpu.vector_load %arg7[%get3A_329] {strides = array<i32>} : memref<2048xf32, #tpu.memory_space<vmem>>, vector<16xf32>,
      %sub3A_331 = arith.subf %get3A_328, %get3A_330 : vector<16xf32>
      %abs3A_332 = math.absf %sub3A_331 : vector<16xf32>
      %mul3A_333 = arith.mulf %abs3A_332, %get3A_310 : vector<16xf32>
      %add3A_334 = arith.addf %add3A_322, %mul3A_333 : vector<16xf32>
      %mul3A_335 = arith.constant 16 : i32
      %mul3A_336 = arith.muli %scan3A_306, %mul3A_335 : i32
      %add3A_337 = arith.constant 1024 : i32
      %add3A_338 = arith.addi %add3A_337, %mul3A_336 : i32
      %get3A_339 = arith.index_cast %add3A_338 : i32 to index
      %get3A_340 = tpu.vector_load %arg9[%get3A_339] {strides = array<i32>} : memref<2048xf32, #tpu.memory_space<vmem>>, vector<16xf32>,
      %get3A_341 = arith.index_cast %add3A_338 : i32 to index
      %get3A_342 = tpu.vector_load %arg7[%get3A_341] {strides = array<i32>} : memref<2048xf32, #tpu.memory_space<vmem>>, vector<16xf32>,
      %sub3A_343 = arith.subf %get3A_340, %get3A_342 : vector<16xf32>
      %abs3A_344 = math.absf %sub3A_343 : vector<16xf32>
      %mul3A_345 = arith.mulf %abs3A_344, %get3A_310 : vector<16xf32>
      %add3A_346 = arith.addf %add3A_334, %mul3A_345 : vector<16xf32>
      %mul3A_347 = arith.constant 16 : i32
      %mul3A_348 = arith.muli %scan3A_306, %mul3A_347 : i32
      %add3A_349 = arith.constant 1536 : i32
      %add3A_350 = arith.addi %add3A_349, %mul3A_348 : i32
      %get3A_351 = arith.index_cast %add3A_350 : i32 to index
      %get3A_352 = tpu.vector_load %arg9[%get3A_351] {strides = array<i32>} : memref<2048xf32, #tpu.memory_space<vmem>>, vector<16xf32>,
      %get3A_353 = arith.index_cast %add3A_350 : i32 to index
      %get3A_354 = tpu.vector_load %arg7[%get3A_353] {strides = array<i32>} : memref<2048xf32, #tpu.memory_space<vmem>>, vector<16xf32>,
      %sub3A_355 = arith.subf %get3A_352, %get3A_354 : vector<16xf32>
      %abs3A_356 = math.absf %sub3A_355 : vector<16xf32>
      %mul3A_357 = arith.mulf %abs3A_356, %get3A_310 : vector<16xf32>
      %add3A_358 = arith.addf %add3A_346, %mul3A_357 : vector<16xf32>
      %add3A_359 = arith.addf %add3A_304, %get3A_310 : vector<16xf32>
      %scan3A_360 = arith.constant 2 : i32
      %scan3A_361 = arith.addi %scan3A_252, %scan3A_360 : i32
      %mul3A_362 = arith.constant 16 : i32
      %mul3A_363 = arith.muli %scan3A_361, %mul3A_362 : i32
      %get3A_364 = arith.index_cast %mul3A_363 : i32 to index
      %get3A_365 = tpu.vector_load %arg6[%get3A_364] {strides = array<i32>} : memref<512xf32, #tpu.memory_space<vmem>>, vector<16xf32>,
      %mul3A_366 = arith.constant 16 : i32
      %mul3A_367 = arith.muli %scan3A_361, %mul3A_366 : i32
      %add3A_368 = arith.constant 0 : i32
      %add3A_369 = arith.addi %add3A_368, %mul3A_367 : i32
      %get3A_370 = arith.index_cast %add3A_369 : i32 to index
      %get3A_371 = tpu.vector_load %arg9[%get3A_370] {strides = array<i32>} : memref<2048xf32, #tpu.memory_space<vmem>>, vector<16xf32>,
      %get3A_372 = arith.index_cast %add3A_369 : i32 to index
      %get3A_373 = tpu.vector_load %arg7[%get3A_372] {strides = array<i32>} : memref<2048xf32, #tpu.memory_space<vmem>>, vector<16xf32>,
      %sub3A_374 = arith.subf %get3A_371, %get3A_373 : vector<16xf32>
      %abs3A_375 = math.absf %sub3A_374 : vector<16xf32>
      %mul3A_376 = arith.mulf %abs3A_375, %get3A_365 : vector<16xf32>
      %add3A_377 = arith.addf %add3A_358, %mul3A_376 : vector<16xf32>
      %mul3A_378 = arith.constant 16 : i32
      %mul3A_379 = arith.muli %scan3A_361, %mul3A_378 : i32
      %add3A_380 = arith.constant 512 : i32
      %add3A_381 = arith.addi %add3A_380, %mul3A_379 : i32
      %get3A_382 = arith.index_cast %add3A_381 : i32 to index
      %get3A_383 = tpu.vector_load %arg9[%get3A_382] {strides = array<i32>} : memref<2048xf32, #tpu.memory_space<vmem>>, vector<16xf32>,
      %get3A_384 = arith.index_cast %add3A_381 : i32 to index
      %get3A_385 = tpu.vector_load %arg7[%get3A_384] {strides = array<i32>} : memref<2048xf32, #tpu.memory_space<vmem>>, vector<16xf32>,
      %sub3A_386 = arith.subf %get3A_383, %get3A_385 : vector<16xf32>
      %abs3A_387 = math.absf %sub3A_386 : vector<16xf32>
      %mul3A_388 = arith.mulf %abs3A_387, %get3A_365 : vector<16xf32>
      %add3A_389 = arith.addf %add3A_377, %mul3A_388 : vector<16xf32>
      %mul3A_390 = arith.constant 16 : i32
      %mul3A_391 = arith.muli %scan3A_361, %mul3A_390 : i32
      %add3A_392 = arith.constant 1024 : i32
      %add3A_393 = arith.addi %add3A_392, %mul3A_391 : i32
      %get3A_394 = arith.index_cast %add3A_393 : i32 to index
      %get3A_395 = tpu.vector_load %arg9[%get3A_394] {strides = array<i32>} : memref<2048xf32, #tpu.memory_space<vmem>>, vector<16xf32>,
      %get3A_396 = arith.index_cast %add3A_393 : i32 to index
      %get3A_397 = tpu.vector_load %arg7[%get3A_396] {strides = array<i32>} : memref<2048xf32, #tpu.memory_space<vmem>>, vector<16xf32>,
      %sub3A_398 = arith.subf %get3A_395, %get3A_397 : vector<16xf32>
      %abs3A_399 = math.absf %sub3A_398 : vector<16xf32>
      %mul3A_400 = arith.mulf %abs3A_399, %get3A_365 : vector<16xf32>
      %add3A_401 = arith.addf %add3A_389, %mul3A_400 : vector<16xf32>
      %mul3A_402 = arith.constant 16 : i32
      %mul3A_403 = arith.muli %scan3A_361, %mul3A_402 : i32
      %add3A_404 = arith.constant 1536 : i32
      %add3A_405 = arith.addi %add3A_404, %mul3A_403 : i32
      %get3A_406 = arith.index_cast %add3A_405 : i32 to index
      %get3A_407 = tpu.vector_load %arg9[%get3A_406] {strides = array<i32>} : memref<2048xf32, #tpu.memory_space<vmem>>, vector<16xf32>,
      %get3A_408 = arith.index_cast %add3A_405 : i32 to index
      %get3A_409 = tpu.vector_load %arg7[%get3A_408] {strides = array<i32>} : memref<2048xf32, #tpu.memory_space<vmem>>, vector<16xf32>,
      %sub3A_410 = arith.subf %get3A_407, %get3A_409 : vector<16xf32>
      %abs3A_411 = math.absf %sub3A_410 : vector<16xf32>
      %mul3A_412 = arith.mulf %abs3A_411, %get3A_365 : vector<16xf32>
      %add3A_413 = arith.addf %add3A_401, %mul3A_412 : vector<16xf32>
      %add3A_414 = arith.addf %add3A_359, %get3A_365 : vector<16xf32>
      %scan3A_415 = arith.constant 3 : i32
      %scan3A_416 = arith.addi %scan3A_252, %scan3A_415 : i32
      %mul3A_417 = arith.constant 16 : i32
      %mul3A_418 = arith.muli %scan3A_416, %mul3A_417 : i32
      %get3A_419 = arith.index_cast %mul3A_418 : i32 to index
      %get3A_420 = tpu.vector_load %arg6[%get3A_419] {strides = array<i32>} : memref<512xf32, #tpu.memory_space<vmem>>, vector<16xf32>,
      %mul3A_421 = arith.constant 16 : i32
      %mul3A_422 = arith.muli %scan3A_416, %mul3A_421 : i32
      %add3A_423 = arith.constant 0 : i32
      %add3A_424 = arith.addi %add3A_423, %mul3A_422 : i32
      %get3A_425 = arith.index_cast %add3A_424 : i32 to index
      %get3A_426 = tpu.vector_load %arg9[%get3A_425] {strides = array<i32>} : memref<2048xf32, #tpu.memory_space<vmem>>, vector<16xf32>,
      %get3A_427 = arith.index_cast %add3A_424 : i32 to index
      %get3A_428 = tpu.vector_load %arg7[%get3A_427] {strides = array<i32>} : memref<2048xf32, #tpu.memory_space<vmem>>, vector<16xf32>,
      %sub3A_429 = arith.subf %get3A_426, %get3A_428 : vector<16xf32>
      %abs3A_430 = math.absf %sub3A_429 : vector<16xf32>
      %mul3A_431 = arith.mulf %abs3A_430, %get3A_420 : vector<16xf32>
      %add3A_432 = arith.addf %add3A_413, %mul3A_431 : vector<16xf32>
      %mul3A_433 = arith.constant 16 : i32
      %mul3A_434 = arith.muli %scan3A_416, %mul3A_433 : i32
      %add3A_435 = arith.constant 512 : i32
      %add3A_436 = arith.addi %add3A_435, %mul3A_434 : i32
      %get3A_437 = arith.index_cast %add3A_436 : i32 to index
      %get3A_438 = tpu.vector_load %arg9[%get3A_437] {strides = array<i32>} : memref<2048xf32, #tpu.memory_space<vmem>>, vector<16xf32>,
      %get3A_439 = arith.index_cast %add3A_436 : i32 to index
      %get3A_440 = tpu.vector_load %arg7[%get3A_439] {strides = array<i32>} : memref<2048xf32, #tpu.memory_space<vmem>>, vector<16xf32>,
      %sub3A_441 = arith.subf %get3A_438, %get3A_440 : vector<16xf32>
      %abs3A_442 = math.absf %sub3A_441 : vector<16xf32>
      %mul3A_443 = arith.mulf %abs3A_442, %get3A_420 : vector<16xf32>
      %add3A_444 = arith.addf %add3A_432, %mul3A_443 : vector<16xf32>
      %mul3A_445 = arith.constant 16 : i32
      %mul3A_446 = arith.muli %scan3A_416, %mul3A_445 : i32
      %add3A_447 = arith.constant 1024 : i32
      %add3A_448 = arith.addi %add3A_447, %mul3A_446 : i32
      %get3A_449 = arith.index_cast %add3A_448 : i32 to index
      %get3A_450 = tpu.vector_load %arg9[%get3A_449] {strides = array<i32>} : memref<2048xf32, #tpu.memory_space<vmem>>, vector<16xf32>,
      %get3A_451 = arith.index_cast %add3A_448 : i32 to index
      %get3A_452 = tpu.vector_load %arg7[%get3A_451] {strides = array<i32>} : memref<2048xf32, #tpu.memory_space<vmem>>, vector<16xf32>,
      %sub3A_453 = arith.subf %get3A_450, %get3A_452 : vector<16xf32>
      %abs3A_454 = math.absf %sub3A_453 : vector<16xf32>
      %mul3A_455 = arith.mulf %abs3A_454, %get3A_420 : vector<16xf32>
      %add3A_456 = arith.addf %add3A_444, %mul3A_455 : vector<16xf32>
      %mul3A_457 = arith.constant 16 : i32
      %mul3A_458 = arith.muli %scan3A_416, %mul3A_457 : i32
      %add3A_459 = arith.constant 1536 : i32
      %add3A_460 = arith.addi %add3A_459, %mul3A_458 : i32
      %get3A_461 = arith.index_cast %add3A_460 : i32 to index
      %get3A_462 = tpu.vector_load %arg9[%get3A_461] {strides = array<i32>} : memref<2048xf32, #tpu.memory_space<vmem>>, vector<16xf32>,
      %get3A_463 = arith.index_cast %add3A_460 : i32 to index
      %get3A_464 = tpu.vector_load %arg7[%get3A_463] {strides = array<i32>} : memref<2048xf32, #tpu.memory_space<vmem>>, vector<16xf32>,
      %sub3A_465 = arith.subf %get3A_462, %get3A_464 : vector<16xf32>
      %abs3A_466 = math.absf %sub3A_465 : vector<16xf32>
      %mul3A_467 = arith.mulf %abs3A_466, %get3A_420 : vector<16xf32>
      %add3A_468 = arith.addf %add3A_456, %mul3A_467 : vector<16xf32>
      %add3A_469 = arith.addf %add3A_414, %get3A_420 : vector<16xf32>
      scf.yield %add3A_468, %add3A_469 : vector<16xf32>, vector<16xf32>
    }
    %scan3A_188 = arith.constant 8 : i32
    %dma_wait3A_189 = arith.constant 256 : i32
    %dma_wait3A_190 = tpu.memref_slice %arg9[%dma_wait3A_189] : memref<2048xf32, #tpu.memory_space<vmem>> -> memref<128xf32, #tpu.memory_space<vmem>>
    %dma_wait3A_191 = arith.constant 256 : i32
    %dma_wait3A_192 = tpu.memref_slice %arg8[%dma_wait3A_191] : memref<2048xi32, #tpu.memory_space<vmem>> -> memref<128xi32, #tpu.memory_space<vmem>>
    %dma_wait3A_193 = arith.constant 0 : i32
    %dma_wait3A_194 = tpu.memref_slice %arg2[%dma_wait3A_193] : memref<8388608xf32, #tpu.memory_space<hbm>> -> memref<8388608xf32, #tpu.memory_space<hbm>>
    tpu.wait_indirect_dma semaphore(%arg11 : memref<!tpu.dma_semaphore, #tpu.memory_space<semaphore_mem>>) src(%dma_wait3A_194 : memref<8388608xf32, #tpu.memory_space<hbm>>) dst(%dma_wait3A_190 : memref<128xf32, #tpu.memory_space<vmem>>)
    %dma_wait3A_195 = arith.constant 768 : i32
    %dma_wait3A_196 = tpu.memref_slice %arg9[%dma_wait3A_195] : memref<2048xf32, #tpu.memory_space<vmem>> -> memref<128xf32, #tpu.memory_space<vmem>>
    %dma_wait3A_197 = arith.constant 768 : i32
    %dma_wait3A_198 = tpu.memref_slice %arg8[%dma_wait3A_197] : memref<2048xi32, #tpu.memory_space<vmem>> -> memref<128xi32, #tpu.memory_space<vmem>>
    %dma_wait3A_199 = arith.constant 0 : i32
    %dma_wait3A_200 = tpu.memref_slice %arg2[%dma_wait3A_199] : memref<8388608xf32, #tpu.memory_space<hbm>> -> memref<8388608xf32, #tpu.memory_space<hbm>>
    tpu.wait_indirect_dma semaphore(%arg11 : memref<!tpu.dma_semaphore, #tpu.memory_space<semaphore_mem>>) src(%dma_wait3A_200 : memref<8388608xf32, #tpu.memory_space<hbm>>) dst(%dma_wait3A_196 : memref<128xf32, #tpu.memory_space<vmem>>)
    %dma_wait3A_201 = arith.constant 1280 : i32
    %dma_wait3A_202 = tpu.memref_slice %arg9[%dma_wait3A_201] : memref<2048xf32, #tpu.memory_space<vmem>> -> memref<128xf32, #tpu.memory_space<vmem>>
    %dma_wait3A_203 = arith.constant 1280 : i32
    %dma_wait3A_204 = tpu.memref_slice %arg8[%dma_wait3A_203] : memref<2048xi32, #tpu.memory_space<vmem>> -> memref<128xi32, #tpu.memory_space<vmem>>
    %dma_wait3A_205 = arith.constant 0 : i32
    %dma_wait3A_206 = tpu.memref_slice %arg2[%dma_wait3A_205] : memref<8388608xf32, #tpu.memory_space<hbm>> -> memref<8388608xf32, #tpu.memory_space<hbm>>
    tpu.wait_indirect_dma semaphore(%arg11 : memref<!tpu.dma_semaphore, #tpu.memory_space<semaphore_mem>>) src(%dma_wait3A_206 : memref<8388608xf32, #tpu.memory_space<hbm>>) dst(%dma_wait3A_202 : memref<128xf32, #tpu.memory_space<vmem>>)
    %dma_wait3A_207 = arith.constant 1792 : i32
    %dma_wait3A_208 = tpu.memref_slice %arg9[%dma_wait3A_207] : memref<2048xf32, #tpu.memory_space<vmem>> -> memref<128xf32, #tpu.memory_space<vmem>>
    %dma_wait3A_209 = arith.constant 1792 : i32
    %dma_wait3A_210 = tpu.memref_slice %arg8[%dma_wait3A_209] : memref<2048xi32, #tpu.memory_space<vmem>> -> memref<128xi32, #tpu.memory_space<vmem>>
    %dma_wait3A_211 = arith.constant 0 : i32
    %dma_wait3A_212 = tpu.memref_slice %arg2[%dma_wait3A_211] : memref<8388608xf32, #tpu.memory_space<hbm>> -> memref<8388608xf32, #tpu.memory_space<hbm>>
    tpu.wait_indirect_dma semaphore(%arg11 : memref<!tpu.dma_semaphore, #tpu.memory_space<semaphore_mem>>) src(%dma_wait3A_212 : memref<8388608xf32, #tpu.memory_space<hbm>>) dst(%dma_wait3A_208 : memref<128xf32, #tpu.memory_space<vmem>>)
    %scan3A_213 = arith.constant 16 : i32
    %scan3A_214 = arith.constant 8 : i32
    %scan3A_215 = arith.addi %scan3A_213, %scan3A_214 : i32
    %scan3A_216 = arith.constant 4 : i32
    %scan3A_217:2 = scf.for %scan3A_252 = %scan3A_213 to %scan3A_215 step %scan3A_216 iter_args(%scan3A_253 = %scan3A_187#0, %scan3A_254 = %scan3A_187#1) -> (vector<16xf32>, vector<16xf32>)  : i32 {
      %mul3A_255 = arith.constant 16 : i32
      %mul3A_256 = arith.muli %scan3A_252, %mul3A_255 : i32
      %get3A = arith.index_cast %mul3A_256 : i32 to index
      %get3A_257 = tpu.vector_load %arg6[%get3A] {strides = array<i32>} : memref<512xf32, #tpu.memory_space<vmem>>, vector<16xf32>,
      %mul3A_258 = arith.constant 16 : i32
      %mul3A_259 = arith.muli %scan3A_252, %mul3A_258 : i32
      %add3A_260 = arith.constant 0 : i32
      %add3A_261 = arith.addi %add3A_260, %mul3A_259 : i32
      %get3A_262 = arith.index_cast %add3A_261 : i32 to index
      %get3A_263 = tpu.vector_load %arg9[%get3A_262] {strides = array<i32>} : memref<2048xf32, #tpu.memory_space<vmem>>, vector<16xf32>,
      %get3A_264 = arith.index_cast %add3A_261 : i32 to index
      %get3A_265 = tpu.vector_load %arg7[%get3A_264] {strides = array<i32>} : memref<2048xf32, #tpu.memory_space<vmem>>, vector<16xf32>,
      %sub3A = arith.subf %get3A_263, %get3A_265 : vector<16xf32>
      %abs3A = math.absf %sub3A : vector<16xf32>
      %mul3A_266 = arith.mulf %abs3A, %get3A_257 : vector<16xf32>
      %add3A_267 = arith.addf %scan3A_253, %mul3A_266 : vector<16xf32>
      %mul3A_268 = arith.constant 16 : i32
      %mul3A_269 = arith.muli %scan3A_252, %mul3A_268 : i32
      %add3A_270 = arith.constant 512 : i32
      %add3A_271 = arith.addi %add3A_270, %mul3A_269 : i32
      %get3A_272 = arith.index_cast %add3A_271 : i32 to index
      %get3A_273 = tpu.vector_load %arg9[%get3A_272] {strides = array<i32>} : memref<2048xf32, #tpu.memory_space<vmem>>, vector<16xf32>,
      %get3A_274 = arith.index_cast %add3A_271 : i32 to index
      %get3A_275 = tpu.vector_load %arg7[%get3A_274] {strides = array<i32>} : memref<2048xf32, #tpu.memory_space<vmem>>, vector<16xf32>,
      %sub3A_276 = arith.subf %get3A_273, %get3A_275 : vector<16xf32>
      %abs3A_277 = math.absf %sub3A_276 : vector<16xf32>
      %mul3A_278 = arith.mulf %abs3A_277, %get3A_257 : vector<16xf32>
      %add3A_279 = arith.addf %add3A_267, %mul3A_278 : vector<16xf32>
      %mul3A_280 = arith.constant 16 : i32
      %mul3A_281 = arith.muli %scan3A_252, %mul3A_280 : i32
      %add3A_282 = arith.constant 1024 : i32
      %add3A_283 = arith.addi %add3A_282, %mul3A_281 : i32
      %get3A_284 = arith.index_cast %add3A_283 : i32 to index
      %get3A_285 = tpu.vector_load %arg9[%get3A_284] {strides = array<i32>} : memref<2048xf32, #tpu.memory_space<vmem>>, vector<16xf32>,
      %get3A_286 = arith.index_cast %add3A_283 : i32 to index
      %get3A_287 = tpu.vector_load %arg7[%get3A_286] {strides = array<i32>} : memref<2048xf32, #tpu.memory_space<vmem>>, vector<16xf32>,
      %sub3A_288 = arith.subf %get3A_285, %get3A_287 : vector<16xf32>
      %abs3A_289 = math.absf %sub3A_288 : vector<16xf32>
      %mul3A_290 = arith.mulf %abs3A_289, %get3A_257 : vector<16xf32>
      %add3A_291 = arith.addf %add3A_279, %mul3A_290 : vector<16xf32>
      %mul3A_292 = arith.constant 16 : i32
      %mul3A_293 = arith.muli %scan3A_252, %mul3A_292 : i32
      %add3A_294 = arith.constant 1536 : i32
      %add3A_295 = arith.addi %add3A_294, %mul3A_293 : i32
      %get3A_296 = arith.index_cast %add3A_295 : i32 to index
      %get3A_297 = tpu.vector_load %arg9[%get3A_296] {strides = array<i32>} : memref<2048xf32, #tpu.memory_space<vmem>>, vector<16xf32>,
      %get3A_298 = arith.index_cast %add3A_295 : i32 to index
      %get3A_299 = tpu.vector_load %arg7[%get3A_298] {strides = array<i32>} : memref<2048xf32, #tpu.memory_space<vmem>>, vector<16xf32>,
      %sub3A_300 = arith.subf %get3A_297, %get3A_299 : vector<16xf32>
      %abs3A_301 = math.absf %sub3A_300 : vector<16xf32>
      %mul3A_302 = arith.mulf %abs3A_301, %get3A_257 : vector<16xf32>
      %add3A_303 = arith.addf %add3A_291, %mul3A_302 : vector<16xf32>
      %add3A_304 = arith.addf %scan3A_254, %get3A_257 : vector<16xf32>
      %scan3A_305 = arith.constant 1 : i32
      %scan3A_306 = arith.addi %scan3A_252, %scan3A_305 : i32
      %mul3A_307 = arith.constant 16 : i32
      %mul3A_308 = arith.muli %scan3A_306, %mul3A_307 : i32
      %get3A_309 = arith.index_cast %mul3A_308 : i32 to index
      %get3A_310 = tpu.vector_load %arg6[%get3A_309] {strides = array<i32>} : memref<512xf32, #tpu.memory_space<vmem>>, vector<16xf32>,
      %mul3A_311 = arith.constant 16 : i32
      %mul3A_312 = arith.muli %scan3A_306, %mul3A_311 : i32
      %add3A_313 = arith.constant 0 : i32
      %add3A_314 = arith.addi %add3A_313, %mul3A_312 : i32
      %get3A_315 = arith.index_cast %add3A_314 : i32 to index
      %get3A_316 = tpu.vector_load %arg9[%get3A_315] {strides = array<i32>} : memref<2048xf32, #tpu.memory_space<vmem>>, vector<16xf32>,
      %get3A_317 = arith.index_cast %add3A_314 : i32 to index
      %get3A_318 = tpu.vector_load %arg7[%get3A_317] {strides = array<i32>} : memref<2048xf32, #tpu.memory_space<vmem>>, vector<16xf32>,
      %sub3A_319 = arith.subf %get3A_316, %get3A_318 : vector<16xf32>
      %abs3A_320 = math.absf %sub3A_319 : vector<16xf32>
      %mul3A_321 = arith.mulf %abs3A_320, %get3A_310 : vector<16xf32>
      %add3A_322 = arith.addf %add3A_303, %mul3A_321 : vector<16xf32>
      %mul3A_323 = arith.constant 16 : i32
      %mul3A_324 = arith.muli %scan3A_306, %mul3A_323 : i32
      %add3A_325 = arith.constant 512 : i32
      %add3A_326 = arith.addi %add3A_325, %mul3A_324 : i32
      %get3A_327 = arith.index_cast %add3A_326 : i32 to index
      %get3A_328 = tpu.vector_load %arg9[%get3A_327] {strides = array<i32>} : memref<2048xf32, #tpu.memory_space<vmem>>, vector<16xf32>,
      %get3A_329 = arith.index_cast %add3A_326 : i32 to index
      %get3A_330 = tpu.vector_load %arg7[%get3A_329] {strides = array<i32>} : memref<2048xf32, #tpu.memory_space<vmem>>, vector<16xf32>,
      %sub3A_331 = arith.subf %get3A_328, %get3A_330 : vector<16xf32>
      %abs3A_332 = math.absf %sub3A_331 : vector<16xf32>
      %mul3A_333 = arith.mulf %abs3A_332, %get3A_310 : vector<16xf32>
      %add3A_334 = arith.addf %add3A_322, %mul3A_333 : vector<16xf32>
      %mul3A_335 = arith.constant 16 : i32
      %mul3A_336 = arith.muli %scan3A_306, %mul3A_335 : i32
      %add3A_337 = arith.constant 1024 : i32
      %add3A_338 = arith.addi %add3A_337, %mul3A_336 : i32
      %get3A_339 = arith.index_cast %add3A_338 : i32 to index
      %get3A_340 = tpu.vector_load %arg9[%get3A_339] {strides = array<i32>} : memref<2048xf32, #tpu.memory_space<vmem>>, vector<16xf32>,
      %get3A_341 = arith.index_cast %add3A_338 : i32 to index
      %get3A_342 = tpu.vector_load %arg7[%get3A_341] {strides = array<i32>} : memref<2048xf32, #tpu.memory_space<vmem>>, vector<16xf32>,
      %sub3A_343 = arith.subf %get3A_340, %get3A_342 : vector<16xf32>
      %abs3A_344 = math.absf %sub3A_343 : vector<16xf32>
      %mul3A_345 = arith.mulf %abs3A_344, %get3A_310 : vector<16xf32>
      %add3A_346 = arith.addf %add3A_334, %mul3A_345 : vector<16xf32>
      %mul3A_347 = arith.constant 16 : i32
      %mul3A_348 = arith.muli %scan3A_306, %mul3A_347 : i32
      %add3A_349 = arith.constant 1536 : i32
      %add3A_350 = arith.addi %add3A_349, %mul3A_348 : i32
      %get3A_351 = arith.index_cast %add3A_350 : i32 to index
      %get3A_352 = tpu.vector_load %arg9[%get3A_351] {strides = array<i32>} : memref<2048xf32, #tpu.memory_space<vmem>>, vector<16xf32>,
      %get3A_353 = arith.index_cast %add3A_350 : i32 to index
      %get3A_354 = tpu.vector_load %arg7[%get3A_353] {strides = array<i32>} : memref<2048xf32, #tpu.memory_space<vmem>>, vector<16xf32>,
      %sub3A_355 = arith.subf %get3A_352, %get3A_354 : vector<16xf32>
      %abs3A_356 = math.absf %sub3A_355 : vector<16xf32>
      %mul3A_357 = arith.mulf %abs3A_356, %get3A_310 : vector<16xf32>
      %add3A_358 = arith.addf %add3A_346, %mul3A_357 : vector<16xf32>
      %add3A_359 = arith.addf %add3A_304, %get3A_310 : vector<16xf32>
      %scan3A_360 = arith.constant 2 : i32
      %scan3A_361 = arith.addi %scan3A_252, %scan3A_360 : i32
      %mul3A_362 = arith.constant 16 : i32
      %mul3A_363 = arith.muli %scan3A_361, %mul3A_362 : i32
      %get3A_364 = arith.index_cast %mul3A_363 : i32 to index
      %get3A_365 = tpu.vector_load %arg6[%get3A_364] {strides = array<i32>} : memref<512xf32, #tpu.memory_space<vmem>>, vector<16xf32>,
      %mul3A_366 = arith.constant 16 : i32
      %mul3A_367 = arith.muli %scan3A_361, %mul3A_366 : i32
      %add3A_368 = arith.constant 0 : i32
      %add3A_369 = arith.addi %add3A_368, %mul3A_367 : i32
      %get3A_370 = arith.index_cast %add3A_369 : i32 to index
      %get3A_371 = tpu.vector_load %arg9[%get3A_370] {strides = array<i32>} : memref<2048xf32, #tpu.memory_space<vmem>>, vector<16xf32>,
      %get3A_372 = arith.index_cast %add3A_369 : i32 to index
      %get3A_373 = tpu.vector_load %arg7[%get3A_372] {strides = array<i32>} : memref<2048xf32, #tpu.memory_space<vmem>>, vector<16xf32>,
      %sub3A_374 = arith.subf %get3A_371, %get3A_373 : vector<16xf32>
      %abs3A_375 = math.absf %sub3A_374 : vector<16xf32>
      %mul3A_376 = arith.mulf %abs3A_375, %get3A_365 : vector<16xf32>
      %add3A_377 = arith.addf %add3A_358, %mul3A_376 : vector<16xf32>
      %mul3A_378 = arith.constant 16 : i32
      %mul3A_379 = arith.muli %scan3A_361, %mul3A_378 : i32
      %add3A_380 = arith.constant 512 : i32
      %add3A_381 = arith.addi %add3A_380, %mul3A_379 : i32
      %get3A_382 = arith.index_cast %add3A_381 : i32 to index
      %get3A_383 = tpu.vector_load %arg9[%get3A_382] {strides = array<i32>} : memref<2048xf32, #tpu.memory_space<vmem>>, vector<16xf32>,
      %get3A_384 = arith.index_cast %add3A_381 : i32 to index
      %get3A_385 = tpu.vector_load %arg7[%get3A_384] {strides = array<i32>} : memref<2048xf32, #tpu.memory_space<vmem>>, vector<16xf32>,
      %sub3A_386 = arith.subf %get3A_383, %get3A_385 : vector<16xf32>
      %abs3A_387 = math.absf %sub3A_386 : vector<16xf32>
      %mul3A_388 = arith.mulf %abs3A_387, %get3A_365 : vector<16xf32>
      %add3A_389 = arith.addf %add3A_377, %mul3A_388 : vector<16xf32>
      %mul3A_390 = arith.constant 16 : i32
      %mul3A_391 = arith.muli %scan3A_361, %mul3A_390 : i32
      %add3A_392 = arith.constant 1024 : i32
      %add3A_393 = arith.addi %add3A_392, %mul3A_391 : i32
      %get3A_394 = arith.index_cast %add3A_393 : i32 to index
      %get3A_395 = tpu.vector_load %arg9[%get3A_394] {strides = array<i32>} : memref<2048xf32, #tpu.memory_space<vmem>>, vector<16xf32>,
      %get3A_396 = arith.index_cast %add3A_393 : i32 to index
      %get3A_397 = tpu.vector_load %arg7[%get3A_396] {strides = array<i32>} : memref<2048xf32, #tpu.memory_space<vmem>>, vector<16xf32>,
      %sub3A_398 = arith.subf %get3A_395, %get3A_397 : vector<16xf32>
      %abs3A_399 = math.absf %sub3A_398 : vector<16xf32>
      %mul3A_400 = arith.mulf %abs3A_399, %get3A_365 : vector<16xf32>
      %add3A_401 = arith.addf %add3A_389, %mul3A_400 : vector<16xf32>
      %mul3A_402 = arith.constant 16 : i32
      %mul3A_403 = arith.muli %scan3A_361, %mul3A_402 : i32
      %add3A_404 = arith.constant 1536 : i32
      %add3A_405 = arith.addi %add3A_404, %mul3A_403 : i32
      %get3A_406 = arith.index_cast %add3A_405 : i32 to index
      %get3A_407 = tpu.vector_load %arg9[%get3A_406] {strides = array<i32>} : memref<2048xf32, #tpu.memory_space<vmem>>, vector<16xf32>,
      %get3A_408 = arith.index_cast %add3A_405 : i32 to index
      %get3A_409 = tpu.vector_load %arg7[%get3A_408] {strides = array<i32>} : memref<2048xf32, #tpu.memory_space<vmem>>, vector<16xf32>,
      %sub3A_410 = arith.subf %get3A_407, %get3A_409 : vector<16xf32>
      %abs3A_411 = math.absf %sub3A_410 : vector<16xf32>
      %mul3A_412 = arith.mulf %abs3A_411, %get3A_365 : vector<16xf32>
      %add3A_413 = arith.addf %add3A_401, %mul3A_412 : vector<16xf32>
      %add3A_414 = arith.addf %add3A_359, %get3A_365 : vector<16xf32>
      %scan3A_415 = arith.constant 3 : i32
      %scan3A_416 = arith.addi %scan3A_252, %scan3A_415 : i32
      %mul3A_417 = arith.constant 16 : i32
      %mul3A_418 = arith.muli %scan3A_416, %mul3A_417 : i32
      %get3A_419 = arith.index_cast %mul3A_418 : i32 to index
      %get3A_420 = tpu.vector_load %arg6[%get3A_419] {strides = array<i32>} : memref<512xf32, #tpu.memory_space<vmem>>, vector<16xf32>,
      %mul3A_421 = arith.constant 16 : i32
      %mul3A_422 = arith.muli %scan3A_416, %mul3A_421 : i32
      %add3A_423 = arith.constant 0 : i32
      %add3A_424 = arith.addi %add3A_423, %mul3A_422 : i32
      %get3A_425 = arith.index_cast %add3A_424 : i32 to index
      %get3A_426 = tpu.vector_load %arg9[%get3A_425] {strides = array<i32>} : memref<2048xf32, #tpu.memory_space<vmem>>, vector<16xf32>,
      %get3A_427 = arith.index_cast %add3A_424 : i32 to index
      %get3A_428 = tpu.vector_load %arg7[%get3A_427] {strides = array<i32>} : memref<2048xf32, #tpu.memory_space<vmem>>, vector<16xf32>,
      %sub3A_429 = arith.subf %get3A_426, %get3A_428 : vector<16xf32>
      %abs3A_430 = math.absf %sub3A_429 : vector<16xf32>
      %mul3A_431 = arith.mulf %abs3A_430, %get3A_420 : vector<16xf32>
      %add3A_432 = arith.addf %add3A_413, %mul3A_431 : vector<16xf32>
      %mul3A_433 = arith.constant 16 : i32
      %mul3A_434 = arith.muli %scan3A_416, %mul3A_433 : i32
      %add3A_435 = arith.constant 512 : i32
      %add3A_436 = arith.addi %add3A_435, %mul3A_434 : i32
      %get3A_437 = arith.index_cast %add3A_436 : i32 to index
      %get3A_438 = tpu.vector_load %arg9[%get3A_437] {strides = array<i32>} : memref<2048xf32, #tpu.memory_space<vmem>>, vector<16xf32>,
      %get3A_439 = arith.index_cast %add3A_436 : i32 to index
      %get3A_440 = tpu.vector_load %arg7[%get3A_439] {strides = array<i32>} : memref<2048xf32, #tpu.memory_space<vmem>>, vector<16xf32>,
      %sub3A_441 = arith.subf %get3A_438, %get3A_440 : vector<16xf32>
      %abs3A_442 = math.absf %sub3A_441 : vector<16xf32>
      %mul3A_443 = arith.mulf %abs3A_442, %get3A_420 : vector<16xf32>
      %add3A_444 = arith.addf %add3A_432, %mul3A_443 : vector<16xf32>
      %mul3A_445 = arith.constant 16 : i32
      %mul3A_446 = arith.muli %scan3A_416, %mul3A_445 : i32
      %add3A_447 = arith.constant 1024 : i32
      %add3A_448 = arith.addi %add3A_447, %mul3A_446 : i32
      %get3A_449 = arith.index_cast %add3A_448 : i32 to index
      %get3A_450 = tpu.vector_load %arg9[%get3A_449] {strides = array<i32>} : memref<2048xf32, #tpu.memory_space<vmem>>, vector<16xf32>,
      %get3A_451 = arith.index_cast %add3A_448 : i32 to index
      %get3A_452 = tpu.vector_load %arg7[%get3A_451] {strides = array<i32>} : memref<2048xf32, #tpu.memory_space<vmem>>, vector<16xf32>,
      %sub3A_453 = arith.subf %get3A_450, %get3A_452 : vector<16xf32>
      %abs3A_454 = math.absf %sub3A_453 : vector<16xf32>
      %mul3A_455 = arith.mulf %abs3A_454, %get3A_420 : vector<16xf32>
      %add3A_456 = arith.addf %add3A_444, %mul3A_455 : vector<16xf32>
      %mul3A_457 = arith.constant 16 : i32
      %mul3A_458 = arith.muli %scan3A_416, %mul3A_457 : i32
      %add3A_459 = arith.constant 1536 : i32
      %add3A_460 = arith.addi %add3A_459, %mul3A_458 : i32
      %get3A_461 = arith.index_cast %add3A_460 : i32 to index
      %get3A_462 = tpu.vector_load %arg9[%get3A_461] {strides = array<i32>} : memref<2048xf32, #tpu.memory_space<vmem>>, vector<16xf32>,
      %get3A_463 = arith.index_cast %add3A_460 : i32 to index
      %get3A_464 = tpu.vector_load %arg7[%get3A_463] {strides = array<i32>} : memref<2048xf32, #tpu.memory_space<vmem>>, vector<16xf32>,
      %sub3A_465 = arith.subf %get3A_462, %get3A_464 : vector<16xf32>
      %abs3A_466 = math.absf %sub3A_465 : vector<16xf32>
      %mul3A_467 = arith.mulf %abs3A_466, %get3A_420 : vector<16xf32>
      %add3A_468 = arith.addf %add3A_456, %mul3A_467 : vector<16xf32>
      %add3A_469 = arith.addf %add3A_414, %get3A_420 : vector<16xf32>
      scf.yield %add3A_468, %add3A_469 : vector<16xf32>, vector<16xf32>
    }
    %scan3A_218 = arith.constant 8 : i32
    %dma_wait3A_219 = arith.constant 384 : i32
    %dma_wait3A_220 = tpu.memref_slice %arg9[%dma_wait3A_219] : memref<2048xf32, #tpu.memory_space<vmem>> -> memref<128xf32, #tpu.memory_space<vmem>>
    %dma_wait3A_221 = arith.constant 384 : i32
    %dma_wait3A_222 = tpu.memref_slice %arg8[%dma_wait3A_221] : memref<2048xi32, #tpu.memory_space<vmem>> -> memref<128xi32, #tpu.memory_space<vmem>>
    %dma_wait3A_223 = arith.constant 0 : i32
    %dma_wait3A_224 = tpu.memref_slice %arg2[%dma_wait3A_223] : memref<8388608xf32, #tpu.memory_space<hbm>> -> memref<8388608xf32, #tpu.memory_space<hbm>>
    tpu.wait_indirect_dma semaphore(%arg11 : memref<!tpu.dma_semaphore, #tpu.memory_space<semaphore_mem>>) src(%dma_wait3A_224 : memref<8388608xf32, #tpu.memory_space<hbm>>) dst(%dma_wait3A_220 : memref<128xf32, #tpu.memory_space<vmem>>)
    %dma_wait3A_225 = arith.constant 896 : i32
    %dma_wait3A_226 = tpu.memref_slice %arg9[%dma_wait3A_225] : memref<2048xf32, #tpu.memory_space<vmem>> -> memref<128xf32, #tpu.memory_space<vmem>>
    %dma_wait3A_227 = arith.constant 896 : i32
    %dma_wait3A_228 = tpu.memref_slice %arg8[%dma_wait3A_227] : memref<2048xi32, #tpu.memory_space<vmem>> -> memref<128xi32, #tpu.memory_space<vmem>>
    %dma_wait3A_229 = arith.constant 0 : i32
    %dma_wait3A_230 = tpu.memref_slice %arg2[%dma_wait3A_229] : memref<8388608xf32, #tpu.memory_space<hbm>> -> memref<8388608xf32, #tpu.memory_space<hbm>>
    tpu.wait_indirect_dma semaphore(%arg11 : memref<!tpu.dma_semaphore, #tpu.memory_space<semaphore_mem>>) src(%dma_wait3A_230 : memref<8388608xf32, #tpu.memory_space<hbm>>) dst(%dma_wait3A_226 : memref<128xf32, #tpu.memory_space<vmem>>)
    %dma_wait3A_231 = arith.constant 1408 : i32
    %dma_wait3A_232 = tpu.memref_slice %arg9[%dma_wait3A_231] : memref<2048xf32, #tpu.memory_space<vmem>> -> memref<128xf32, #tpu.memory_space<vmem>>
    %dma_wait3A_233 = arith.constant 1408 : i32
    %dma_wait3A_234 = tpu.memref_slice %arg8[%dma_wait3A_233] : memref<2048xi32, #tpu.memory_space<vmem>> -> memref<128xi32, #tpu.memory_space<vmem>>
    %dma_wait3A_235 = arith.constant 0 : i32
    %dma_wait3A_236 = tpu.memref_slice %arg2[%dma_wait3A_235] : memref<8388608xf32, #tpu.memory_space<hbm>> -> memref<8388608xf32, #tpu.memory_space<hbm>>
    tpu.wait_indirect_dma semaphore(%arg11 : memref<!tpu.dma_semaphore, #tpu.memory_space<semaphore_mem>>) src(%dma_wait3A_236 : memref<8388608xf32, #tpu.memory_space<hbm>>) dst(%dma_wait3A_232 : memref<128xf32, #tpu.memory_space<vmem>>)
    %dma_wait3A_237 = arith.constant 1920 : i32
    %dma_wait3A_238 = tpu.memref_slice %arg9[%dma_wait3A_237] : memref<2048xf32, #tpu.memory_space<vmem>> -> memref<128xf32, #tpu.memory_space<vmem>>
    %dma_wait3A_239 = arith.constant 1920 : i32
    %dma_wait3A_240 = tpu.memref_slice %arg8[%dma_wait3A_239] : memref<2048xi32, #tpu.memory_space<vmem>> -> memref<128xi32, #tpu.memory_space<vmem>>
    %dma_wait3A_241 = arith.constant 0 : i32
    %dma_wait3A_242 = tpu.memref_slice %arg2[%dma_wait3A_241] : memref<8388608xf32, #tpu.memory_space<hbm>> -> memref<8388608xf32, #tpu.memory_space<hbm>>
    tpu.wait_indirect_dma semaphore(%arg11 : memref<!tpu.dma_semaphore, #tpu.memory_space<semaphore_mem>>) src(%dma_wait3A_242 : memref<8388608xf32, #tpu.memory_space<hbm>>) dst(%dma_wait3A_238 : memref<128xf32, #tpu.memory_space<vmem>>)
    %scan3A_243 = arith.constant 24 : i32
    %scan3A_244 = arith.constant 8 : i32
    %scan3A_245 = arith.addi %scan3A_243, %scan3A_244 : i32
    %scan3A_246 = arith.constant 4 : i32
    %scan3A_247:2 = scf.for %scan3A_252 = %scan3A_243 to %scan3A_245 step %scan3A_246 iter_args(%scan3A_253 = %scan3A_217#0, %scan3A_254 = %scan3A_217#1) -> (vector<16xf32>, vector<16xf32>)  : i32 {
      %mul3A_255 = arith.constant 16 : i32
      %mul3A_256 = arith.muli %scan3A_252, %mul3A_255 : i32
      %get3A = arith.index_cast %mul3A_256 : i32 to index
      %get3A_257 = tpu.vector_load %arg6[%get3A] {strides = array<i32>} : memref<512xf32, #tpu.memory_space<vmem>>, vector<16xf32>,
      %mul3A_258 = arith.constant 16 : i32
      %mul3A_259 = arith.muli %scan3A_252, %mul3A_258 : i32
      %add3A_260 = arith.constant 0 : i32
      %add3A_261 = arith.addi %add3A_260, %mul3A_259 : i32
      %get3A_262 = arith.index_cast %add3A_261 : i32 to index
      %get3A_263 = tpu.vector_load %arg9[%get3A_262] {strides = array<i32>} : memref<2048xf32, #tpu.memory_space<vmem>>, vector<16xf32>,
      %get3A_264 = arith.index_cast %add3A_261 : i32 to index
      %get3A_265 = tpu.vector_load %arg7[%get3A_264] {strides = array<i32>} : memref<2048xf32, #tpu.memory_space<vmem>>, vector<16xf32>,
      %sub3A = arith.subf %get3A_263, %get3A_265 : vector<16xf32>
      %abs3A = math.absf %sub3A : vector<16xf32>
      %mul3A_266 = arith.mulf %abs3A, %get3A_257 : vector<16xf32>
      %add3A_267 = arith.addf %scan3A_253, %mul3A_266 : vector<16xf32>
      %mul3A_268 = arith.constant 16 : i32
      %mul3A_269 = arith.muli %scan3A_252, %mul3A_268 : i32
      %add3A_270 = arith.constant 512 : i32
      %add3A_271 = arith.addi %add3A_270, %mul3A_269 : i32
      %get3A_272 = arith.index_cast %add3A_271 : i32 to index
      %get3A_273 = tpu.vector_load %arg9[%get3A_272] {strides = array<i32>} : memref<2048xf32, #tpu.memory_space<vmem>>, vector<16xf32>,
      %get3A_274 = arith.index_cast %add3A_271 : i32 to index
      %get3A_275 = tpu.vector_load %arg7[%get3A_274] {strides = array<i32>} : memref<2048xf32, #tpu.memory_space<vmem>>, vector<16xf32>,
      %sub3A_276 = arith.subf %get3A_273, %get3A_275 : vector<16xf32>
      %abs3A_277 = math.absf %sub3A_276 : vector<16xf32>
      %mul3A_278 = arith.mulf %abs3A_277, %get3A_257 : vector<16xf32>
      %add3A_279 = arith.addf %add3A_267, %mul3A_278 : vector<16xf32>
      %mul3A_280 = arith.constant 16 : i32
      %mul3A_281 = arith.muli %scan3A_252, %mul3A_280 : i32
      %add3A_282 = arith.constant 1024 : i32
      %add3A_283 = arith.addi %add3A_282, %mul3A_281 : i32
      %get3A_284 = arith.index_cast %add3A_283 : i32 to index
      %get3A_285 = tpu.vector_load %arg9[%get3A_284] {strides = array<i32>} : memref<2048xf32, #tpu.memory_space<vmem>>, vector<16xf32>,
      %get3A_286 = arith.index_cast %add3A_283 : i32 to index
      %get3A_287 = tpu.vector_load %arg7[%get3A_286] {strides = array<i32>} : memref<2048xf32, #tpu.memory_space<vmem>>, vector<16xf32>,
      %sub3A_288 = arith.subf %get3A_285, %get3A_287 : vector<16xf32>
      %abs3A_289 = math.absf %sub3A_288 : vector<16xf32>
      %mul3A_290 = arith.mulf %abs3A_289, %get3A_257 : vector<16xf32>
      %add3A_291 = arith.addf %add3A_279, %mul3A_290 : vector<16xf32>
      %mul3A_292 = arith.constant 16 : i32
      %mul3A_293 = arith.muli %scan3A_252, %mul3A_292 : i32
      %add3A_294 = arith.constant 1536 : i32
      %add3A_295 = arith.addi %add3A_294, %mul3A_293 : i32
      %get3A_296 = arith.index_cast %add3A_295 : i32 to index
      %get3A_297 = tpu.vector_load %arg9[%get3A_296] {strides = array<i32>} : memref<2048xf32, #tpu.memory_space<vmem>>, vector<16xf32>,
      %get3A_298 = arith.index_cast %add3A_295 : i32 to index
      %get3A_299 = tpu.vector_load %arg7[%get3A_298] {strides = array<i32>} : memref<2048xf32, #tpu.memory_space<vmem>>, vector<16xf32>,
      %sub3A_300 = arith.subf %get3A_297, %get3A_299 : vector<16xf32>
      %abs3A_301 = math.absf %sub3A_300 : vector<16xf32>
      %mul3A_302 = arith.mulf %abs3A_301, %get3A_257 : vector<16xf32>
      %add3A_303 = arith.addf %add3A_291, %mul3A_302 : vector<16xf32>
      %add3A_304 = arith.addf %scan3A_254, %get3A_257 : vector<16xf32>
      %scan3A_305 = arith.constant 1 : i32
      %scan3A_306 = arith.addi %scan3A_252, %scan3A_305 : i32
      %mul3A_307 = arith.constant 16 : i32
      %mul3A_308 = arith.muli %scan3A_306, %mul3A_307 : i32
      %get3A_309 = arith.index_cast %mul3A_308 : i32 to index
      %get3A_310 = tpu.vector_load %arg6[%get3A_309] {strides = array<i32>} : memref<512xf32, #tpu.memory_space<vmem>>, vector<16xf32>,
      %mul3A_311 = arith.constant 16 : i32
      %mul3A_312 = arith.muli %scan3A_306, %mul3A_311 : i32
      %add3A_313 = arith.constant 0 : i32
      %add3A_314 = arith.addi %add3A_313, %mul3A_312 : i32
      %get3A_315 = arith.index_cast %add3A_314 : i32 to index
      %get3A_316 = tpu.vector_load %arg9[%get3A_315] {strides = array<i32>} : memref<2048xf32, #tpu.memory_space<vmem>>, vector<16xf32>,
      %get3A_317 = arith.index_cast %add3A_314 : i32 to index
      %get3A_318 = tpu.vector_load %arg7[%get3A_317] {strides = array<i32>} : memref<2048xf32, #tpu.memory_space<vmem>>, vector<16xf32>,
      %sub3A_319 = arith.subf %get3A_316, %get3A_318 : vector<16xf32>
      %abs3A_320 = math.absf %sub3A_319 : vector<16xf32>
      %mul3A_321 = arith.mulf %abs3A_320, %get3A_310 : vector<16xf32>
      %add3A_322 = arith.addf %add3A_303, %mul3A_321 : vector<16xf32>
      %mul3A_323 = arith.constant 16 : i32
      %mul3A_324 = arith.muli %scan3A_306, %mul3A_323 : i32
      %add3A_325 = arith.constant 512 : i32
      %add3A_326 = arith.addi %add3A_325, %mul3A_324 : i32
      %get3A_327 = arith.index_cast %add3A_326 : i32 to index
      %get3A_328 = tpu.vector_load %arg9[%get3A_327] {strides = array<i32>} : memref<2048xf32, #tpu.memory_space<vmem>>, vector<16xf32>,
      %get3A_329 = arith.index_cast %add3A_326 : i32 to index
      %get3A_330 = tpu.vector_load %arg7[%get3A_329] {strides = array<i32>} : memref<2048xf32, #tpu.memory_space<vmem>>, vector<16xf32>,
      %sub3A_331 = arith.subf %get3A_328, %get3A_330 : vector<16xf32>
      %abs3A_332 = math.absf %sub3A_331 : vector<16xf32>
      %mul3A_333 = arith.mulf %abs3A_332, %get3A_310 : vector<16xf32>
      %add3A_334 = arith.addf %add3A_322, %mul3A_333 : vector<16xf32>
      %mul3A_335 = arith.constant 16 : i32
      %mul3A_336 = arith.muli %scan3A_306, %mul3A_335 : i32
      %add3A_337 = arith.constant 1024 : i32
      %add3A_338 = arith.addi %add3A_337, %mul3A_336 : i32
      %get3A_339 = arith.index_cast %add3A_338 : i32 to index
      %get3A_340 = tpu.vector_load %arg9[%get3A_339] {strides = array<i32>} : memref<2048xf32, #tpu.memory_space<vmem>>, vector<16xf32>,
      %get3A_341 = arith.index_cast %add3A_338 : i32 to index
      %get3A_342 = tpu.vector_load %arg7[%get3A_341] {strides = array<i32>} : memref<2048xf32, #tpu.memory_space<vmem>>, vector<16xf32>,
      %sub3A_343 = arith.subf %get3A_340, %get3A_342 : vector<16xf32>
      %abs3A_344 = math.absf %sub3A_343 : vector<16xf32>
      %mul3A_345 = arith.mulf %abs3A_344, %get3A_310 : vector<16xf32>
      %add3A_346 = arith.addf %add3A_334, %mul3A_345 : vector<16xf32>
      %mul3A_347 = arith.constant 16 : i32
      %mul3A_348 = arith.muli %scan3A_306, %mul3A_347 : i32
      %add3A_349 = arith.constant 1536 : i32
      %add3A_350 = arith.addi %add3A_349, %mul3A_348 : i32
      %get3A_351 = arith.index_cast %add3A_350 : i32 to index
      %get3A_352 = tpu.vector_load %arg9[%get3A_351] {strides = array<i32>} : memref<2048xf32, #tpu.memory_space<vmem>>, vector<16xf32>,
      %get3A_353 = arith.index_cast %add3A_350 : i32 to index
      %get3A_354 = tpu.vector_load %arg7[%get3A_353] {strides = array<i32>} : memref<2048xf32, #tpu.memory_space<vmem>>, vector<16xf32>,
      %sub3A_355 = arith.subf %get3A_352, %get3A_354 : vector<16xf32>
      %abs3A_356 = math.absf %sub3A_355 : vector<16xf32>
      %mul3A_357 = arith.mulf %abs3A_356, %get3A_310 : vector<16xf32>
      %add3A_358 = arith.addf %add3A_346, %mul3A_357 : vector<16xf32>
      %add3A_359 = arith.addf %add3A_304, %get3A_310 : vector<16xf32>
      %scan3A_360 = arith.constant 2 : i32
      %scan3A_361 = arith.addi %scan3A_252, %scan3A_360 : i32
      %mul3A_362 = arith.constant 16 : i32
      %mul3A_363 = arith.muli %scan3A_361, %mul3A_362 : i32
      %get3A_364 = arith.index_cast %mul3A_363 : i32 to index
      %get3A_365 = tpu.vector_load %arg6[%get3A_364] {strides = array<i32>} : memref<512xf32, #tpu.memory_space<vmem>>, vector<16xf32>,
      %mul3A_366 = arith.constant 16 : i32
      %mul3A_367 = arith.muli %scan3A_361, %mul3A_366 : i32
      %add3A_368 = arith.constant 0 : i32
      %add3A_369 = arith.addi %add3A_368, %mul3A_367 : i32
      %get3A_370 = arith.index_cast %add3A_369 : i32 to index
      %get3A_371 = tpu.vector_load %arg9[%get3A_370] {strides = array<i32>} : memref<2048xf32, #tpu.memory_space<vmem>>, vector<16xf32>,
      %get3A_372 = arith.index_cast %add3A_369 : i32 to index
      %get3A_373 = tpu.vector_load %arg7[%get3A_372] {strides = array<i32>} : memref<2048xf32, #tpu.memory_space<vmem>>, vector<16xf32>,
      %sub3A_374 = arith.subf %get3A_371, %get3A_373 : vector<16xf32>
      %abs3A_375 = math.absf %sub3A_374 : vector<16xf32>
      %mul3A_376 = arith.mulf %abs3A_375, %get3A_365 : vector<16xf32>
      %add3A_377 = arith.addf %add3A_358, %mul3A_376 : vector<16xf32>
      %mul3A_378 = arith.constant 16 : i32
      %mul3A_379 = arith.muli %scan3A_361, %mul3A_378 : i32
      %add3A_380 = arith.constant 512 : i32
      %add3A_381 = arith.addi %add3A_380, %mul3A_379 : i32
      %get3A_382 = arith.index_cast %add3A_381 : i32 to index
      %get3A_383 = tpu.vector_load %arg9[%get3A_382] {strides = array<i32>} : memref<2048xf32, #tpu.memory_space<vmem>>, vector<16xf32>,
      %get3A_384 = arith.index_cast %add3A_381 : i32 to index
      %get3A_385 = tpu.vector_load %arg7[%get3A_384] {strides = array<i32>} : memref<2048xf32, #tpu.memory_space<vmem>>, vector<16xf32>,
      %sub3A_386 = arith.subf %get3A_383, %get3A_385 : vector<16xf32>
      %abs3A_387 = math.absf %sub3A_386 : vector<16xf32>
      %mul3A_388 = arith.mulf %abs3A_387, %get3A_365 : vector<16xf32>
      %add3A_389 = arith.addf %add3A_377, %mul3A_388 : vector<16xf32>
      %mul3A_390 = arith.constant 16 : i32
      %mul3A_391 = arith.muli %scan3A_361, %mul3A_390 : i32
      %add3A_392 = arith.constant 1024 : i32
      %add3A_393 = arith.addi %add3A_392, %mul3A_391 : i32
      %get3A_394 = arith.index_cast %add3A_393 : i32 to index
      %get3A_395 = tpu.vector_load %arg9[%get3A_394] {strides = array<i32>} : memref<2048xf32, #tpu.memory_space<vmem>>, vector<16xf32>,
      %get3A_396 = arith.index_cast %add3A_393 : i32 to index
      %get3A_397 = tpu.vector_load %arg7[%get3A_396] {strides = array<i32>} : memref<2048xf32, #tpu.memory_space<vmem>>, vector<16xf32>,
      %sub3A_398 = arith.subf %get3A_395, %get3A_397 : vector<16xf32>
      %abs3A_399 = math.absf %sub3A_398 : vector<16xf32>
      %mul3A_400 = arith.mulf %abs3A_399, %get3A_365 : vector<16xf32>
      %add3A_401 = arith.addf %add3A_389, %mul3A_400 : vector<16xf32>
      %mul3A_402 = arith.constant 16 : i32
      %mul3A_403 = arith.muli %scan3A_361, %mul3A_402 : i32
      %add3A_404 = arith.constant 1536 : i32
      %add3A_405 = arith.addi %add3A_404, %mul3A_403 : i32
      %get3A_406 = arith.index_cast %add3A_405 : i32 to index
      %get3A_407 = tpu.vector_load %arg9[%get3A_406] {strides = array<i32>} : memref<2048xf32, #tpu.memory_space<vmem>>, vector<16xf32>,
      %get3A_408 = arith.index_cast %add3A_405 : i32 to index
      %get3A_409 = tpu.vector_load %arg7[%get3A_408] {strides = array<i32>} : memref<2048xf32, #tpu.memory_space<vmem>>, vector<16xf32>,
      %sub3A_410 = arith.subf %get3A_407, %get3A_409 : vector<16xf32>
      %abs3A_411 = math.absf %sub3A_410 : vector<16xf32>
      %mul3A_412 = arith.mulf %abs3A_411, %get3A_365 : vector<16xf32>
      %add3A_413 = arith.addf %add3A_401, %mul3A_412 : vector<16xf32>
      %add3A_414 = arith.addf %add3A_359, %get3A_365 : vector<16xf32>
      %scan3A_415 = arith.constant 3 : i32
      %scan3A_416 = arith.addi %scan3A_252, %scan3A_415 : i32
      %mul3A_417 = arith.constant 16 : i32
      %mul3A_418 = arith.muli %scan3A_416, %mul3A_417 : i32
      %get3A_419 = arith.index_cast %mul3A_418 : i32 to index
      %get3A_420 = tpu.vector_load %arg6[%get3A_419] {strides = array<i32>} : memref<512xf32, #tpu.memory_space<vmem>>, vector<16xf32>,
      %mul3A_421 = arith.constant 16 : i32
      %mul3A_422 = arith.muli %scan3A_416, %mul3A_421 : i32
      %add3A_423 = arith.constant 0 : i32
      %add3A_424 = arith.addi %add3A_423, %mul3A_422 : i32
      %get3A_425 = arith.index_cast %add3A_424 : i32 to index
      %get3A_426 = tpu.vector_load %arg9[%get3A_425] {strides = array<i32>} : memref<2048xf32, #tpu.memory_space<vmem>>, vector<16xf32>,
      %get3A_427 = arith.index_cast %add3A_424 : i32 to index
      %get3A_428 = tpu.vector_load %arg7[%get3A_427] {strides = array<i32>} : memref<2048xf32, #tpu.memory_space<vmem>>, vector<16xf32>,
      %sub3A_429 = arith.subf %get3A_426, %get3A_428 : vector<16xf32>
      %abs3A_430 = math.absf %sub3A_429 : vector<16xf32>
      %mul3A_431 = arith.mulf %abs3A_430, %get3A_420 : vector<16xf32>
      %add3A_432 = arith.addf %add3A_413, %mul3A_431 : vector<16xf32>
      %mul3A_433 = arith.constant 16 : i32
      %mul3A_434 = arith.muli %scan3A_416, %mul3A_433 : i32
      %add3A_435 = arith.constant 512 : i32
      %add3A_436 = arith.addi %add3A_435, %mul3A_434 : i32
      %get3A_437 = arith.index_cast %add3A_436 : i32 to index
      %get3A_438 = tpu.vector_load %arg9[%get3A_437] {strides = array<i32>} : memref<2048xf32, #tpu.memory_space<vmem>>, vector<16xf32>,
      %get3A_439 = arith.index_cast %add3A_436 : i32 to index
      %get3A_440 = tpu.vector_load %arg7[%get3A_439] {strides = array<i32>} : memref<2048xf32, #tpu.memory_space<vmem>>, vector<16xf32>,
      %sub3A_441 = arith.subf %get3A_438, %get3A_440 : vector<16xf32>
      %abs3A_442 = math.absf %sub3A_441 : vector<16xf32>
      %mul3A_443 = arith.mulf %abs3A_442, %get3A_420 : vector<16xf32>
      %add3A_444 = arith.addf %add3A_432, %mul3A_443 : vector<16xf32>
      %mul3A_445 = arith.constant 16 : i32
      %mul3A_446 = arith.muli %scan3A_416, %mul3A_445 : i32
      %add3A_447 = arith.constant 1024 : i32
      %add3A_448 = arith.addi %add3A_447, %mul3A_446 : i32
      %get3A_449 = arith.index_cast %add3A_448 : i32 to index
      %get3A_450 = tpu.vector_load %arg9[%get3A_449] {strides = array<i32>} : memref<2048xf32, #tpu.memory_space<vmem>>, vector<16xf32>,
      %get3A_451 = arith.index_cast %add3A_448 : i32 to index
      %get3A_452 = tpu.vector_load %arg7[%get3A_451] {strides = array<i32>} : memref<2048xf32, #tpu.memory_space<vmem>>, vector<16xf32>,
      %sub3A_453 = arith.subf %get3A_450, %get3A_452 : vector<16xf32>
      %abs3A_454 = math.absf %sub3A_453 : vector<16xf32>
      %mul3A_455 = arith.mulf %abs3A_454, %get3A_420 : vector<16xf32>
      %add3A_456 = arith.addf %add3A_444, %mul3A_455 : vector<16xf32>
      %mul3A_457 = arith.constant 16 : i32
      %mul3A_458 = arith.muli %scan3A_416, %mul3A_457 : i32
      %add3A_459 = arith.constant 1536 : i32
      %add3A_460 = arith.addi %add3A_459, %mul3A_458 : i32
      %get3A_461 = arith.index_cast %add3A_460 : i32 to index
      %get3A_462 = tpu.vector_load %arg9[%get3A_461] {strides = array<i32>} : memref<2048xf32, #tpu.memory_space<vmem>>, vector<16xf32>,
      %get3A_463 = arith.index_cast %add3A_460 : i32 to index
      %get3A_464 = tpu.vector_load %arg7[%get3A_463] {strides = array<i32>} : memref<2048xf32, #tpu.memory_space<vmem>>, vector<16xf32>,
      %sub3A_465 = arith.subf %get3A_462, %get3A_464 : vector<16xf32>
      %abs3A_466 = math.absf %sub3A_465 : vector<16xf32>
      %mul3A_467 = arith.mulf %abs3A_466, %get3A_420 : vector<16xf32>
      %add3A_468 = arith.addf %add3A_456, %mul3A_467 : vector<16xf32>
      %add3A_469 = arith.addf %add3A_414, %get3A_420 : vector<16xf32>
      scf.yield %add3A_468, %add3A_469 : vector<16xf32>, vector<16xf32>
    }
    %scan3A_248 = arith.constant 8 : i32
    %swap3A = arith.constant 0 : index
    %swap3A_249 = tpu.vector_load %arg10[%swap3A] {strides = array<i32>} : memref<32xf32, #tpu.memory_space<vmem>>, vector<16xf32>,
    tpu.vector_store %arg10[%swap3A], %scan3A_247#0 {strides = array<i32>} : memref<32xf32, #tpu.memory_space<vmem>>, vector<16xf32>,
    %swap3A_250 = arith.constant 16 : index
    %swap3A_251 = tpu.vector_load %arg10[%swap3A_250] {strides = array<i32>} : memref<32xf32, #tpu.memory_space<vmem>>, vector<16xf32>,
    tpu.vector_store %arg10[%swap3A_250], %scan3A_247#1 {strides = array<i32>} : memref<32xf32, #tpu.memory_space<vmem>>, vector<16xf32>,
    "tpu.region"() ({
      %run_scoped3A = tpu.sem_alloc : memref<!tpu.dma_semaphore, #tpu.memory_space<semaphore_mem>>
      %dma_start3A_252 = arith.constant 0 : i32
      %dma_start3A_253 = tpu.memref_slice %arg4[%add3A, %dma_start3A_252] : memref<32x32xf32, #tpu.memory_space<hbm>> -> memref<1x32xf32, #tpu.memory_space<hbm>>
      %dma_start3A_254 = tpu.memref_squeeze %dma_start3A_253 : memref<1x32xf32, #tpu.memory_space<hbm>> -> memref<32xf32, #tpu.memory_space<hbm>>
      %dma_start3A_255 = arith.constant 0 : i32
      %dma_start3A_256 = tpu.memref_slice %arg4[%add3A, %dma_start3A_255] : memref<32x32xf32, #tpu.memory_space<hbm>> -> memref<1x32xf32, #tpu.memory_space<hbm>>
      %dma_start3A_257 = tpu.memref_squeeze %dma_start3A_256 : memref<1x32xf32, #tpu.memory_space<hbm>> -> memref<32xf32, #tpu.memory_space<hbm>>
      tpu.enqueue_dma source(%arg10 : memref<32xf32, #tpu.memory_space<vmem>>) target(%dma_start3A_257 : memref<32xf32, #tpu.memory_space<hbm>>) target_semaphore(%run_scoped3A : memref<!tpu.dma_semaphore, #tpu.memory_space<semaphore_mem>>)
      %dma_wait3A_258 = arith.constant 0 : i32
      %dma_wait3A_259 = tpu.memref_slice %arg4[%add3A, %dma_wait3A_258] : memref<32x32xf32, #tpu.memory_space<hbm>> -> memref<1x32xf32, #tpu.memory_space<hbm>>
      %dma_wait3A_260 = tpu.memref_squeeze %dma_wait3A_259 : memref<1x32xf32, #tpu.memory_space<hbm>> -> memref<32xf32, #tpu.memory_space<hbm>>
      %dma_wait3A_261 = arith.constant 0 : i32
      %dma_wait3A_262 = tpu.memref_slice %arg4[%add3A, %dma_wait3A_261] : memref<32x32xf32, #tpu.memory_space<hbm>> -> memref<1x32xf32, #tpu.memory_space<hbm>>
      %dma_wait3A_263 = tpu.memref_squeeze %dma_wait3A_262 : memref<1x32xf32, #tpu.memory_space<hbm>> -> memref<32xf32, #tpu.memory_space<hbm>>
      tpu.wait_dma2 semaphore(%run_scoped3A : memref<!tpu.dma_semaphore, #tpu.memory_space<semaphore_mem>>) src(%arg10 : memref<32xf32, #tpu.memory_space<vmem>>) dst(%dma_wait3A_263 : memref<32xf32, #tpu.memory_space<hbm>>)
      tpu.yield
    }) : () -> ()
    return
  }
}

module attributes {stable_mosaic.version = 14 : i64} {
  func.func @_reduce_body(%arg0: memref<32x32xf32, #tpu.memory_space<vmem>>, %arg1: memref<1x1xf32, #tpu.memory_space<vmem>>) attributes {dimension_semantics = [], scalar_prefetch = 0 : i64, scratch_operands = 0 : i64, tpu.core_type = #tpu.core_type<tc>} {
    %get3A = arith.constant 0 : index
    %get3A_0 = arith.constant 0 : index
    %get3A_1 = vector.load %arg0[%get3A, %get3A_0] : memref<32x32xf32, #tpu.memory_space<vmem>>, vector<32x32xf32>
    %slice3A = vector.extract_strided_slice %get3A_1 {offsets = [0, 0], sizes = [32, 16], strides = [1, 1]} : vector<32x32xf32> to vector<32x16xf32>
    %reduce_sum3A = vector.shape_cast %slice3A : vector<32x16xf32> to vector<1x32x16xf32>
    %reduce_sum3A_2 = arith.constant dense<0.000000e+00> : vector<1xf32>
    %reduce_sum3A_3 = vector.multi_reduction <add>, %reduce_sum3A, %reduce_sum3A_2 [1, 2] : vector<1x32x16xf32> to vector<1xf32>
    %reduce_sum3A_4 = vector.shape_cast %reduce_sum3A_3 : vector<1xf32> to vector<1x1x1xf32>
    %reduce_sum3A_5 = vector.extract %reduce_sum3A_4[0, 0, 0] : f32 from vector<1x1x1xf32>
    %slice3A_6 = vector.extract_strided_slice %get3A_1 {offsets = [0, 16], sizes = [32, 16], strides = [1, 1]} : vector<32x32xf32> to vector<32x16xf32>
    %reduce_sum3A_7 = vector.shape_cast %slice3A_6 : vector<32x16xf32> to vector<1x32x16xf32>
    %reduce_sum3A_8 = arith.constant dense<0.000000e+00> : vector<1xf32>
    %reduce_sum3A_9 = vector.multi_reduction <add>, %reduce_sum3A_7, %reduce_sum3A_8 [1, 2] : vector<1x32x16xf32> to vector<1xf32>
    %reduce_sum3A_10 = vector.shape_cast %reduce_sum3A_9 : vector<1xf32> to vector<1x1x1xf32>
    %reduce_sum3A_11 = vector.extract %reduce_sum3A_10[0, 0, 0] : f32 from vector<1x1x1xf32>
    %mul3A = arith.constant 4.000000e+00 : f32
    %mul3A_12 = arith.mulf %mul3A, %reduce_sum3A_11 : f32
    %add3A = arith.constant 9.99999974E-5 : f32
    %add3A_13 = arith.addf %mul3A_12, %add3A : f32
    %div3A = arith.divf %reduce_sum3A_5, %add3A_13 : f32
    %broadcast_in_dim3A = vector.broadcast %div3A : f32 to vector<1x1xf32>
    %swap3A = arith.constant 0 : index
    %swap3A_14 = arith.constant 0 : index
    %swap3A_15 = vector.load %arg1[%swap3A, %swap3A_14] : memref<1x1xf32, #tpu.memory_space<vmem>>, vector<1x1xf32>
    tpu.vector_store %arg1[%swap3A, %swap3A_14], %broadcast_in_dim3A {strides = array<i32>} : memref<1x1xf32, #tpu.memory_space<vmem>>, vector<1x1xf32>,
    return
  }
}

</mosaic_0001>

<sc_bundles>
// kernel: kernel.4.cloned.1.call-start
scs
__scs_entry_jumppad:
0x0: {  	(pc) =	sbr.rel $0x88, $3  }
0x1: {  	(tag) =	ssettag $0x0;
	lr =	simm.s32 $0x1  }
0x2: {  	[smem:$0x3F9D] =	sst lr;
	_ =	strace $0xD0000000  }
0x3: {  	_ = 	snop  }
0x4: {  	_ = 	snop  }
0x5: {  	_ = 	snop  }
0x6: {  	_ = 	snop  }
0x7: {  	_ = 	snop  }
__scs_overlays_trampoline_lowered:
0x8: {  	[smem:$0x3FAC] =	sst s0  }
0x9: {  	[smem:$0x3FAD] =	sst s1  }
0xa: {  	[smem:$0x3FAE] =	sst s2  }
0xb: {  	[smem:$0x3FAF] =	sst s3  }
0xc: {  	[smem:$0x3FB0] =	sst s4  }
0xd: {  	[smem:$0x3FB1] =	sst s5  }
0xe: {  	[smem:$0x3FB2] =	sst s6  }
0xf: {  	[smem:$0x3FB3] =	sst s7  }
0x10: {  	[smem:$0x3FB4] =	sst s8  }
0x11: {  	[smem:$0x3FB5] =	sst s9;
	s0 =	simm.s32 @!p0 $0x0  }
0x12: {  	s1 =	sld [smem:$0x3F9B];
	s0 =	simm.s32 @p0 $0x1  }
0x13: {  	[smem:$0x3FB6] =	sst s0;
	s0 =	simm.s32 @!p1 $0x0  }
0x14: {  	s2 =	sld [smem:$0x3F9A];
	s0 =	simm.s32 @p1 $0x1  }
0x15: {  	[smem:$0x3FB7] =	sst s0;
	s0 =	simm.s32 @!p2 $0x0  }
0x16: {  	s3 =	sld [smem:$0x3FDB];
	s0 =	simm.s32 @p2 $0x1  }
0x17: {  	s4 =	simm.s32 $0x1BF5;
	[smem:$0x3FB9] =	sst s0  }
0x18: {  	s0 =	sld [smem:$0x3F9C];
	_ =	swait.ge [sflag:s4], $0x0  }
0x19: {  	s7 =	sld [smem:$0x3F9D]  }
0x1a: {  	s8 =	sadd.s32 $0xFFFFE003, lr  }
0x1b: {  	s9 =	sadd.s32 $0xFFFFFEF7, lr;
	s5 =	simm.s32 $0xFFFFFFFF;
	p2 =	slt.u32 s8, $0xFFFFF086  }
0x1c: {  	p1 =	slt.u32 s9, $0xF7A;
	s5 =	simm.s32 @!p2 $0x0  }
0x1d: {  	s5 =	simm.s32 @p1 $0x1;
	p0 =	seq.s32 s7, s2  }
0x1e: {  	s7 =	smul.u32 @!p0 $0xF7A, s2;
	p2 =	seq.s32 @!p0 s5, $0x0  }
0x1f: {  	s9 =	smul.u32 $0xF7A, s1;
	s8 =	simm.s32 @!p0 $0x1BF5;
	p2 =	por !p2, p0  }
0x20: {  	[sflag:s8] =	ssyncset.s32 @!p0 $0xFFFFF086;
	s6 =	sadd.s32 @!p0 s3, s7;
	s7 =	simm.s32 @!p0 $0x108  }
0x21: {  	s3 =	sadd.s32 s3, s9;
	s6 =	sadd.s32 @!p0 $0x88, s6;
	s7 =	simm.s32 @p2 $0x1082  }
0x22: {  	[simem:s7], [sflag:s8] =	dma.local @!p0 [hbm:s6], $0xF7A  }
0x23: {  	s9 =	sor.u32 $0xD0000000, s2;
	s6 =	simm.s32 $0x108;
	_ =	swait.ge @!p0 [sflag:s8], $0x0  }
0x24: {  	s3 =	sadd.s32 $0x88, s3;
	s6 =	simm.s32 @!p1 $0x1082;
	[sflag:s4] =	ssyncset.s32 $0xFFFFF086  }
0x25: {  	[simem:s6], [sflag:s4] =	dma.local [hbm:s3], $0xF7A  }
0x26: {  	[smem:$0x3F9D] =	sst s1;
	(tag) =	ssettag s2;
	_ =	strace s9  }
0x27: {  	s1 =	sld [smem:$0x3FAD]  }
0x28: {  	s2 =	sld [smem:$0x3FAE]  }
0x29: {  	s4 =	sld [smem:$0x3FB0]  }
0x2a: {  	p0 =	seq.s32 s5, $0x0;
	s5 =	sld [smem:$0x3FB1]  }
0x2b: {  	s6 =	sld [smem:$0x3FB2]  }
0x2c: {  	s7 =	sld [smem:$0x3FB3]  }
0x2d: {  	s3 =	simm.s32 $0x108;
	s8 =	sld [smem:$0x3FB4]  }
0x2e: {  	s3 =	simm.s32 @!p0 $0x1082;
	s9 =	sld [smem:$0x3FB5]  }
0x2f: {  	lr =	sadd.s32 s0, s3;
	s0 =	sld [smem:$0x3FAC]  }
0x30: {  	s3 =	sld [smem:$0x3FAF]  }
0x31: {  	[smem:$0x3FB8] =	sst s10  }
0x32: {  	s10 =	sld [smem:$0x3FB6];
	_ =	sdelay $0x3  }
0x33: {  	p0 =	seq.s32 s10, $0x1;
	s10 =	sld [smem:$0x3FB8];
	_ =	sdelay $0x3  }
0x34: {  	[smem:$0x3FB8] =	sst s10  }
0x35: {  	s10 =	sld [smem:$0x3FB7];
	_ =	sdelay $0x3  }
0x36: {  	p1 =	seq.s32 s10, $0x1;
	s10 =	sld [smem:$0x3FB8];
	_ =	sdelay $0x3  }
0x37: {  	[smem:$0x3FB8] =	sst s10  }
0x38: {  	s10 =	sld [smem:$0x3FB9]  }
0x39: {  	_ = 	snop;
	(pc) =	sbr.ind lr, $3  }
0x3a: {  	_ = 	snop  }
0x3b: {  	_ = 	snop  }
0x3c: {  	p2 =	seq.s32 s10, $0x1;
	s10 =	sld [smem:$0x3FB8]  }
0x3d: {  	_ =	shalt  }
0x3e: {  	_ =	shalt  }
0x3f: {  	_ =	shalt  }
0x40: {  	_ =	shalt  }
0x41: {  	_ =	shalt  }
0x42: {  	_ =	shalt  }
0x43: {  	_ =	shalt  }
0x44: {  	_ =	shalt  }
0x45: {  	_ =	shalt  }
0x46: {  	_ =	shalt  }
0x47: {  	_ =	shalt  }
0x48: {  	_ =	shalt  }
0x49: {  	_ =	shalt  }
0x4a: {  	_ =	shalt  }
0x4b: {  	_ =	shalt  }
0x4c: {  	_ =	shalt  }
0x4d: {  	_ =	shalt  }
0x4e: {  	_ =	shalt  }
0x4f: {  	_ =	shalt  }
0x50: {  	_ =	shalt  }
0x51: {  	_ =	shalt  }
0x52: {  	_ =	shalt  }
0x53: {  	_ =	shalt  }
0x54: {  	_ =	shalt  }
0x55: {  	_ =	shalt  }
0x56: {  	_ =	shalt  }
0x57: {  	_ =	shalt  }
0x58: {  	_ =	shalt  }
0x59: {  	_ =	shalt  }
0x5a: {  	_ =	shalt  }
0x5b: {  	_ =	shalt  }
0x5c: {  	_ =	shalt  }
0x5d: {  	_ =	shalt  }
0x5e: {  	_ =	shalt  }
0x5f: {  	_ =	shalt  }
0x60: {  	_ =	shalt  }
0x61: {  	_ =	shalt  }
0x62: {  	_ =	shalt  }
0x63: {  	_ =	shalt  }
0x64: {  	_ =	shalt  }
0x65: {  	_ =	shalt  }
0x66: {  	_ =	shalt  }
0x67: {  	_ =	shalt  }
0x68: {  	_ =	shalt  }
0x69: {  	_ =	shalt  }
0x6a: {  	_ =	shalt  }
0x6b: {  	_ =	shalt  }
0x6c: {  	_ =	shalt  }
0x6d: {  	_ =	shalt  }
0x6e: {  	_ =	shalt  }
0x6f: {  	_ =	shalt  }
0x70: {  	_ =	shalt  }
0x71: {  	_ =	shalt  }
0x72: {  	_ =	shalt  }
0x73: {  	_ =	shalt  }
0x74: {  	_ =	shalt  }
0x75: {  	_ =	shalt  }
0x76: {  	_ =	shalt  }
0x77: {  	_ =	shalt  }
0x78: {  	_ =	shalt  }
0x79: {  	_ =	shalt  }
0x7a: {  	_ =	shalt  }
0x7b: {  	_ =	shalt  }
0x7c: {  	_ =	shalt  }
0x7d: {  	_ =	shalt  }
0x7e: {  	_ =	shalt  }
0x7f: {  	_ =	shalt  }
0x80: {  	_ =	shalt  }
0x81: {  	_ =	shalt  }
0x82: {  	_ =	shalt  }
0x83: {  	_ =	shalt  }
0x84: {  	_ =	shalt  }
0x85: {  	_ =	shalt  }
0x86: {  	_ =	shalt  }
0x87: {  	_ =	shalt  }
.Lfunc_end0:
.L_simem_size_0:
called_computation_lowered:
.L_overlay_start_0:
0x88: {  	s2 =	sld [smem:$0x3FD9]  }
0x89: {  	s3 =	sld [smem:$0x3FFE];
	_ =	sdelay $0x1  }
0x8a: {  	s1 =	srdreg.scid  }
0x8b: {  	s0 =	sand.u32 $0x1, s1  }
0x8c: {  	s17 =	sshll.u32 s0, $0xA;
	s2 =	sadd.s32 s3, s2  }
0x8d: {  	s2 =	sadd.s32 s2, s17  }
0x8e: {  	[smem:$0x3FC4] =	sst s2  }
0x8f: {  	_ = 	snop  }
0x90: {  	s2 =	sld [smem:$0x3FC9];
	(tm) =	ssettm $0x1  }
0x91: {  	s18 =	sld [smem:$0x3FFB];
	_ =	sdelay $0x3  }
0x92: {  	_ =	strace s18  }
0x93: {  	s3 =	sld [smem:$0x3FFC];
	_ =	sdelay $0x3  }
0x94: {  	_ =	strace s3  }
0x95: {  	s3 =	sld [smem:$0x3FFD];
	_ =	sdelay $0x3  }
0x96: {  	_ =	strace s3  }
0x97: {  	_ =	strace $0x8FFFFFFF  }
0x98: {  	s19 =	sld [smem:$0x3FDB];
	_ =	sdelay $0x1  }
0x99: {  	s4 =	simm.s32 $_scs_section_size  }
0x9a: {  	s5 =	simm.s32 $_size__tile_overlayer_lowered;
	s6 =	simm.s32 $_tile_overlayer_lowered  }
0x9b: {  	s22 =	simm.s32 $0x1BFF;
	s21 =	sshll.u32 s6, $0x1;
	s3 =	sadd.s32 s4, s19  }
0x9c: {  	s7 =	simm.s32 $0x0;
	s20 =	sshll.u32 s5, $0x1;
	s5 =	sadd.s32 s21, s3  }
0x9d: {  	[timem:s7], [sflag:s22] =	dma.local [hbm:s5], s20  }
0x9e: {  	_ =	swait.ge [sflag:s22], s20  }
0x9f: {  	s4 =	ssub.s32 $0x0, s20;
	[sflag:s22] =	ssyncset.done $0x0  }
0xa0: {  	[sflag:s22] =	ssyncadd.s32 s4;
	_ =	sdelay $0x1  }
0xa1: {  	s23 =	simm.s32 $0x1B8B  }
0xa2: {  	_ =	swait.ge [sflag:s23], $0x1  }
0xa3: {  	[sflag:s23] =	ssyncset.done $0x0  }
0xa4: {  	s25 =	simm.s32 $0x1B8E;
	s24 =	sld [smem:$0x3FFE];
	[sflag:s23] =	ssyncadd.s32 $0xFFFFFFFF  }
0xa5: {  	s26 =	simm.s32 $execute0_lowered;
	[smem:$0x3FD2] =	sst s25  }
0xa6: {  	s5 =	sshll.u32 s26, $0x1;
	_ =	strace $0x80000046;
	[dreg:$0x1] =	wrdreg $0xFFFFFFFF  }
0xa7: {  	s28 =	simm.s32 $_size_execute0_lowered;
	s3 =	sadd.s32 s3, s5;
	[dreg:$0x0] =	wrdreg $0x0  }
0xa8: {  	s5 =	sshll.u32 s28, $0x1;
	[dreg:$0x2] =	wrdreg s3  }
0xa9: {  	[dreg:$0x3] =	wrdreg s5  }
0xaa: {  	[dreg:$0x4] =	wrdreg $0xC0  }
0xab: {  	_ =	task [dreg:s7], $0x5FFFF  }
0xac: {  	[dreg:$0x1] =	wrdreg $0xFFFFFFFF  }
0xad: {  	[dreg:$0x0] =	wrdreg $0x60  }
0xae: {  	[dreg:$0x2] =	wrdreg s2  }
0xaf: {  	[dreg:$0x3] =	wrdreg s24  }
0xb0: {  	[dreg:$0x4] =	wrdreg $0x9  }
0xb1: {  	_ =	task.clear_ibuf [dreg:s7], $0x5FFFF;
	_ =	strace $0x90000046  }
0xb2: {  	s29 =	simm.s32 $0x9;
	_ =	strace $0x80000048  }
0xb3: {  	_ =	swait.ge [sflag:s29], $0x1  }
0xb4: {  	[sflag:s29] =	ssyncadd.s32 $0xFFFFFFFF  }
0xb5: {  	_ =	strace $0x90000048  }
0xb6: {  	_ =	sfence  }
0xb7: {  	s30 =	sld [smem:$0x0];
	_ =	sdelay $0x2  }
0xb8: {  	s31 =	sshll.u32 s1, $0xD;
	s1 =	sshrl.u32 s1, $0x2  }
0xb9: {  	s3 =	sand.u32 $0x4000, s31;
	s1 =	sadd.s32 s1, s30  }
0xba: {  	s0 =	sor.u32 s3, s0;
	s1 =	sshll.u32 s1, $0x11  }
0xbb: {  	s0 =	sor.u32 s1, s0  }
0xbc: {  	s0 =	sadd.s32 $0x8F2B, s0  }
0xbd: {  	[sflag:s0] =	ssyncadd.remote.s32 $0x1  }
0xbe: {  	_ =	sfence.sel $0xFFFF  }
0xbf: {  	[dreg:$0x0] =	wrdreg $0xFFFFFFFF;
	(pc) =	sbr.abs _section_cstart, $3  }
0xc0: {  	[dreg:$0x1] =	wrdreg $0xFFFFFFFF  }
0xc1: {  	_ =	task.clear_ibuf [dreg:s7], $0x2FFFF;
	_ =	strace $0x9FFFFFFF  }
0xc2: {  	(tm) =	ssettm $0x7FFFFFFF  }
0xc3: {  	_ =	shalt  }
tec
execute0_lowered:
.L_overlay_start_1:
0x0: {  	(tag) =	ssettag $0x1  }
0x1: {  	s1 =	srdreg.scid  }
0x2: {  	s0 =	stileid.u32;
	s6 =	rddreg [dreg:$0x1];
	s3 =	simm.s32 $0x0  }
0x3: {  	s1 =	sand.u32 $0x1, s1;
	s2 =	sshll.u32 s0, $0x1;
	[smem:$0x7FF] =	sst s3  }
0x4: {  	s16 =	simm.s32 $0x400;
	s4 =	sor.u32 s1, s2;
	s2 =	rddreg [dreg:$0x0]  }
0x5: {  	s17 =	simm.s32 $0xC00;
	_ =	strace $0x80000047;
	[dreg:$0x6] =	wrdreg s16  }
0x6: {  	s18 =	simm.s32 $0x1400;
	s19 =	simm.s32 $0xE00;
	[dreg:$0x7] =	wrdreg s17  }
0x7: {  	s20 =	simm.s32 $0x1600;
	s22 =	simm.s32 $0x1000;
	[dreg:$0x8] =	wrdreg s18  }
0x8: {  	s23 =	simm.s32 $0x1800;
	s24 =	simm.s32 $0x1200;
	[dreg:$0x9] =	wrdreg s19  }
0x9: {  	s25 =	simm.s32 $0x1A00;
	s26 =	simm.s32 $0xC80;
	[dreg:$0xa] =	wrdreg s20  }
0xa: {  	s10 =	simm.s32 $0x1080;
	s11 =	simm.s32 $0x1880;
	[dreg:$0xb] =	wrdreg s22  }
0xb: {  	s12 =	simm.s32 $0x1280;
	s13 =	simm.s32 $0x1A80;
	[dreg:$0xc] =	wrdreg s23  }
0xc: {  	s14 =	simm.s32 $0xD00;
	s28 =	simm.s32 $0x1980;
	[dreg:$0xd] =	wrdreg s24  }
0xd: {  	s29 =	simm.s32 $0x1380;
	s31 =	simm.s32 $0x1;
	[dreg:$0xe] =	wrdreg s25  }
0xe: {  	s1 =	ssub.s32 $0x2, s1;
	[dreg:$0xf] =	wrdreg s26;
	s16 =	simm.s32 $0xF00  }
0xf: {  	s17 =	simm.s32 $0x1700;
	s18 =	simm.s32 $0x1100;
	s19 =	simm.s32 $0x1900  }
0x10: {  	s20 =	simm.s32 $0x1300;
	s22 =	simm.s32 $0xD80;
	s23 =	simm.s32 $0x1580  }
0x11: {  	s24 =	simm.s32 $0xF80;
	s25 =	simm.s32 $0x1780;
	s5 =	smul.u32 $0xA00, s4  }
0x12: {  	s26 =	simm.s32 $0x1180;
	s7 =	sshll.u32 s4, $0x4;
	s21 =	sshrl.u32 s1, $0x1  }
0x13: {  	s30 =	sshll.u32 s4, $0x12;
	s1 =	ssub.s32 s1, s21;
	s5 =	sshrl.u32 s5, $0x3  }
0x14: {  	s21 =	simm.s32 $0x1B00;
	v0 =	vmov s30;
	s30 =	simm.s32 $0x1B80;
	s5 =	sadd.s32 s5, s6  }
0x15: {  	s4 =	smax.u32 s1, $0x1;
	s1 =	simm.s32 $0x1C00;
	s8 =	sadd.s32 $0x600, s5  }
0x16: {  	s6 =	sadd.s32 s7, s6;
	s5 =	sadd.s32 $0x640, s5;
	[dreg:$0x3] =	wrdreg s8  }
0x17: {  	s15 =	sadd.s32 $0x2E00, s6;
	s6 =	simm.s32 $0x80;
	[dreg:$0x4] =	wrdreg s5  }
0x18: {  	[dreg:$0x5] =	wrdreg s15;
	s5 =	simm.s32 $0x2;
	s15 =	simm.s32 $0x1500  }
.LBB2_1:
0x19: {  	s0 =	rddreg [dreg:$0x3]  }
0x1a: {  	[tilespmem:s3], [sflag:$0x2] =	stream.linear.gather [hbm4b:s0+s3], $0x200, $0x38;
	[tilespmem:$0x1C80] =	vst v63  }
0x1b: {  	_ =	swait.ge [sflag:s5], $0x200  }
0x1c: {  	s9 =	rddreg [dreg:$0x4];
	[sflag:s5] =	ssyncset.done $0x0  }
0x1d: {  	s7 =	rddreg [dreg:$0x6];
	[sflag:s5] =	ssyncadd.s32 $0xFFFFFE00  }
0x1e: {  	[tilespmem:s7], [sflag:$0x2] =	stream.linear.gather [hbm4b:s9+s3], $0x800, $0x38;
	[tilespmem:$0x1C80] =	vst v63  }
0x1f: {  	_ =	swait.ge [sflag:s5], $0x800  }
0x20: {  	[sflag:s5] =	ssyncset.done $0x0  }
0x21: {  	[sflag:s5] =	ssyncadd.s32 $0xFFFFF800  }
0x22: {  	v1 =	vld [tilespmem:$0x0];
	_ =	sdelay $0x3  }
0x23: {  	v3 =	vld [tilespmem:$0x10]  }
0x24: {  	v2 =	vshll.u32 v1, $0x3;
	v4 =	vshrl.u32 v1, $0x1  }
0x25: {  	v5 =	vand.u32 $0xF87F, v1;
	v1 =	vshrl.u32 v1, $0x10;
	v2 =	vand.u32 $0x400, v2  }
0x26: {  	v4 =	vand.u32 $0x380, v4;
	v1 =	vcvt.s32.f32 v1;
	v2 =	vor.u32 v2, v5  }
0x27: {  	v2 =	vor.u32 v4, v2  }
0x28: {  	v6 =	vld [tilespmem:$0x20];
	v54 =	vshll.u32 v3, $0x3;
	v7 =	vshrl.u32 v3, $0x1;
	[tilespmem:$0x200] =	vst v1;
	v2 =	vor.u32 v0, v2  }
0x29: {  	v8 =	vand.u32 $0xF87F, v3;
	v5 =	vand.u32 $0x400, v54;
	v1 =	vor.u32 $0x10000, v2;
	[tilespmem:$0xC00] =	vst v2  }
0x2a: {  	v5 =	vor.u32 v5, v8;
	v53 =	vor.u32 $0x20000, v2;
	[tilespmem:$0xE00] =	vst v1;
	v1 =	vshrl.u32 v3, $0x10  }
0x2b: {  	v2 =	vor.u32 $0x30000, v2;
	v3 =	vand.u32 $0x380, v7;
	[tilespmem:$0x1000] =	vst v53;
	v1 =	vcvt.s32.f32 v1  }
0x2c: {  	[tilespmem:$0x1200] =	vst v2;
	v3 =	vor.u32 v3, v5  }
0x2d: {  	v56 =	vld [tilespmem:$0x30];
	v55 =	vshll.u32 v6, $0x3;
	v57 =	vshrl.u32 v6, $0x1;
	v2 =	vor.u32 v0, v3;
	[tilespmem:$0x210] =	vst v1  }
0x2e: {  	v58 =	vand.u32 $0xF87F, v6;
	v4 =	vand.u32 $0x400, v55;
	v1 =	vor.u32 $0x10000, v2;
	[tilespmem:$0xC10] =	vst v2  }
0x2f: {  	v59 =	vand.u32 $0x380, v57;
	v4 =	vor.u32 v4, v58;
	v3 =	vor.u32 $0x20000, v2;
	[tilespmem:$0xE10] =	vst v1  }
0x30: {  	v2 =	vor.u32 $0x30000, v2;
	v1 =	vshrl.u32 v6, $0x10;
	[tilespmem:$0x1010] =	vst v3;
	v3 =	vor.u32 v59, v4  }
0x31: {  	[tilespmem:$0x1210] =	vst v2;
	v1 =	vcvt.s32.f32 v1;
	v2 =	vor.u32 v0, v3  }
0x32: {  	v61 =	vld [tilespmem:$0x40];
	v60 =	vshll.u32 v56, $0x3;
	v62 =	vshrl.u32 v56, $0x1;
	[tilespmem:$0xC20] =	vst v2  }
0x33: {  	v63 =	vand.u32 $0xF87F, v56;
	v4 =	vand.u32 $0x400, v60;
	v3 =	vor.u32 $0x20000, v2;
	[tilespmem:$0x220] =	vst v1  }
0x34: {  	v11 =	vand.u32 $0x380, v62;
	v4 =	vor.u32 v4, v63;
	v1 =	vor.u32 $0x10000, v2;
	[tilespmem:$0x1020] =	vst v3  }
0x35: {  	v2 =	vor.u32 $0x30000, v2;
	v3 =	vor.u32 v11, v4;
	[tilespmem:$0xE20] =	vst v1  }
0x36: {  	v1 =	vshrl.u32 v56, $0x10;
	[tilespmem:$0x1220] =	vst v2;
	v2 =	vor.u32 v0, v3  }
0x37: {  	v13 =	vld [tilespmem:$0x50];
	v12 =	vshll.u32 v61, $0x3;
	v1 =	vcvt.s32.f32 v1;
	v3 =	vor.u32 $0x20000, v2;
	[tilespmem:$0xC30] =	vst v2  }
0x38: {  	v14 =	vshrl.u32 v61, $0x1;
	v15 =	vand.u32 $0xF87F, v61;
	v4 =	vand.u32 $0x400, v12;
	[tilespmem:$0x1030] =	vst v3  }
0x39: {  	v16 =	vand.u32 $0x380, v14;
	v4 =	vor.u32 v4, v15;
	[tilespmem:$0x230] =	vst v1;
	v1 =	vor.u32 $0x10000, v2  }
0x3a: {  	v3 =	vor.u32 v16, v4;
	v2 =	vor.u32 $0x30000, v2;
	[tilespmem:$0xE30] =	vst v1  }
0x3b: {  	v1 =	vshrl.u32 v61, $0x10;
	[tilespmem:$0x1230] =	vst v2;
	v2 =	vor.u32 v0, v3  }
0x3c: {  	v18 =	vld [tilespmem:$0x60];
	v17 =	vshll.u32 v13, $0x3;
	v1 =	vcvt.s32.f32 v1;
	v3 =	vor.u32 $0x20000, v2;
	[tilespmem:$0xC40] =	vst v2  }
0x3d: {  	v19 =	vshrl.u32 v13, $0x1;
	v20 =	vand.u32 $0xF87F, v13;
	v4 =	vand.u32 $0x400, v17;
	[tilespmem:$0x1040] =	vst v3  }
0x3e: {  	v21 =	vand.u32 $0x380, v19;
	v4 =	vor.u32 v4, v20;
	[tilespmem:$0x240] =	vst v1;
	v1 =	vor.u32 $0x10000, v2  }
0x3f: {  	v3 =	vor.u32 v21, v4;
	v2 =	vor.u32 $0x30000, v2;
	[tilespmem:$0xE40] =	vst v1  }
0x40: {  	v1 =	vshrl.u32 v13, $0x10;
	[tilespmem:$0x1240] =	vst v2;
	v2 =	vor.u32 v0, v3  }
0x41: {  	v25 =	vld [tilespmem:$0x70];
	v22 =	vshll.u32 v18, $0x3;
	v1 =	vcvt.s32.f32 v1;
	v3 =	vor.u32 $0x20000, v2;
	[tilespmem:$0xC50] =	vst v2  }
0x42: {  	v23 =	vshrl.u32 v18, $0x1;
	v24 =	vand.u32 $0xF87F, v18;
	v4 =	vand.u32 $0x400, v22;
	[tilespmem:$0x1050] =	vst v3  }
0x43: {  	v5 =	vand.u32 $0x380, v23;
	v4 =	vor.u32 v4, v24;
	[tilespmem:$0x250] =	vst v1;
	v1 =	vor.u32 $0x10000, v2  }
0x44: {  	v3 =	vor.u32 v5, v4;
	v2 =	vor.u32 $0x30000, v2;
	[tilespmem:$0xE50] =	vst v1;
	v1 =	vshrl.u32 v18, $0x10  }
0x45: {  	[tilespmem:$0x1250] =	vst v2;
	v2 =	vor.u32 v0, v3;
	v1 =	vcvt.s32.f32 v1  }
0x46: {  	v26 =	vshrl.u32 v25, $0x10;
	v27 =	vshll.u32 v25, $0x3;
	[tilespmem:$0xC60] =	vst v2  }
0x47: {  	v28 =	vshrl.u32 v25, $0x1;
	v29 =	vand.u32 $0xF87F, v25;
	[tilespmem:$0x260] =	vst v1;
	v1 =	vor.u32 $0x10000, v2  }
0x48: {  	v30 =	vand.u32 $0x380, v28;
	v3 =	vor.u32 $0x20000, v2;
	[tilespmem:$0xE60] =	vst v1;
	v1 =	vand.u32 $0x400, v27  }
0x49: {  	[tilespmem:$0x1060] =	vst v3;
	v3 =	vcvt.s32.f32 v26;
	v2 =	vor.u32 $0x30000, v2;
	v1 =	vor.u32 v1, v29  }
0x4a: {  	[tilespmem:$0x1260] =	vst v2;
	v1 =	vor.u32 v30, v1  }
0x4b: {  	[tilespmem:$0x270] =	vst v3;
	v1 =	vor.u32 v0, v1  }
0x4c: {  	s0 =	rddreg [dreg:$0x7];
	[tilespmem:$0xC70] =	vst v1;
	v2 =	vor.u32 $0x10000, v1  }
0x4d: {  	s7 =	rddreg [dreg:$0x8];
	[tilespmem:$0xE70] =	vst v2;
	v2 =	vor.u32 $0x20000, v1  }
0x4e: {  	s8 =	rddreg [dreg:$0x9];
	v1 =	vor.u32 $0x30000, v1;
	[tilespmem:$0x1070] =	vst v2  }
0x4f: {  	s9 =	rddreg [dreg:$0xa];
	[tilespmem:$0x1270] =	vst v1  }
0x50: {  	[tilespmem:s7], [sflag:$0x1] =	stream.indirect.gather [hbm4b:s2+s6], $0x1, s0, s6, $0xb8;
	[tilespmem:$0x1C80] =	vst v63  }
0x51: {  	s0 =	rddreg [dreg:$0xb]  }
0x52: {  	s7 =	rddreg [dreg:$0xc]  }
0x53: {  	[tilespmem:s9], [sflag:$0x1] =	stream.indirect.gather [hbm4b:s2+s6], $0x1, s8, s6, $0xb8;
	[tilespmem:$0x1C80] =	vst v63  }
0x54: {  	s8 =	rddreg [dreg:$0xd]  }
0x55: {  	[tilespmem:s7], [sflag:$0x1] =	stream.indirect.gather [hbm4b:s2+s6], $0x1, s0, s6, $0xb8;
	[tilespmem:$0x1C80] =	vst v63  }
0x56: {  	s9 =	rddreg [dreg:$0xe]  }
0x57: {  	[tilespmem:s9], [sflag:$0x1] =	stream.indirect.gather [hbm4b:s2+s6], $0x1, s8, s6, $0xb8;
	[tilespmem:$0x1C80] =	vst v63  }
0x58: {  	v1 =	vld [tilespmem:$0x80];
	_ =	sdelay $0x3  }
0x59: {  	v3 =	vld [tilespmem:$0x90]  }
0x5a: {  	v2 =	vshll.u32 v1, $0x3;
	v31 =	vshrl.u32 v1, $0x1  }
0x5b: {  	v32 =	vand.u32 $0xF87F, v1;
	v1 =	vshrl.u32 v1, $0x10;
	v2 =	vand.u32 $0x400, v2  }
0x5c: {  	v4 =	vand.u32 $0x380, v31;
	v1 =	vcvt.s32.f32 v1;
	v2 =	vor.u32 v2, v32  }
0x5d: {  	v2 =	vor.u32 v4, v2  }
0x5e: {  	v35 =	vld [tilespmem:$0xA0];
	v34 =	vshll.u32 v3, $0x3;
	v36 =	vshrl.u32 v3, $0x1;
	[tilespmem:$0x280] =	vst v1;
	v2 =	vor.u32 v0, v2  }
0x5f: {  	v37 =	vand.u32 $0xF87F, v3;
	v5 =	vand.u32 $0x400, v34;
	v1 =	vor.u32 $0x10000, v2;
	[tilespmem:$0xC80] =	vst v2  }
0x60: {  	v5 =	vor.u32 v5, v37;
	v33 =	vor.u32 $0x20000, v2;
	[tilespmem:$0xE80] =	vst v1;
	v1 =	vshrl.u32 v3, $0x10  }
0x61: {  	v2 =	vor.u32 $0x30000, v2;
	v3 =	vand.u32 $0x380, v36;
	[tilespmem:$0x1080] =	vst v33;
	v1 =	vcvt.s32.f32 v1  }
0x62: {  	[tilespmem:$0x1280] =	vst v2;
	v3 =	vor.u32 v3, v5  }
0x63: {  	v39 =	vld [tilespmem:$0xB0];
	v38 =	vshll.u32 v35, $0x3;
	v40 =	vshrl.u32 v35, $0x1;
	v2 =	vor.u32 v0, v3;
	[tilespmem:$0x290] =	vst v1  }
0x64: {  	v41 =	vand.u32 $0xF87F, v35;
	v42 =	vand.u32 $0x380, v40;
	v1 =	vor.u32 $0x10000, v2;
	[tilespmem:$0xC90] =	vst v2  }
0x65: {  	v4 =	vand.u32 $0x400, v38;
	v3 =	vor.u32 $0x20000, v2;
	[tilespmem:$0xE90] =	vst v1;
	v1 =	vshrl.u32 v35, $0x10  }
0x66: {  	v4 =	vor.u32 v4, v41;
	v2 =	vor.u32 $0x30000, v2;
	[tilespmem:$0x1090] =	vst v3;
	v1 =	vcvt.s32.f32 v1  }
0x67: {  	v3 =	vor.u32 v42, v4;
	[tilespmem:$0x1290] =	vst v2  }
0x68: {  	v44 =	vld [tilespmem:$0xC0];
	v43 =	vshll.u32 v39, $0x3;
	v45 =	vshrl.u32 v39, $0x1;
	v2 =	vor.u32 v0, v3;
	[tilespmem:$0x2A0] =	vst v1  }
0x69: {  	v46 =	vand.u32 $0xF87F, v39;
	v4 =	vand.u32 $0x400, v43;
	v3 =	vor.u32 $0x20000, v2;
	[tilespmem:$0xCA0] =	vst v2  }
0x6a: {  	v47 =	vand.u32 $0x380, v45;
	v4 =	vor.u32 v4, v46;
	v1 =	vor.u32 $0x10000, v2;
	[tilespmem:$0x10A0] =	vst v3  }
0x6b: {  	v2 =	vor.u32 $0x30000, v2;
	v3 =	vor.u32 v47, v4;
	[tilespmem:$0xEA0] =	vst v1  }
0x6c: {  	v1 =	vshrl.u32 v39, $0x10;
	[tilespmem:$0x12A0] =	vst v2;
	v2 =	vor.u32 v0, v3  }
0x6d: {  	v48 =	vshll.u32 v44, $0x3;
	v49 =	vld [tilespmem:$0xD0];
	v1 =	vcvt.s32.f32 v1;
	v3 =	vor.u32 $0x20000, v2;
	[tilespmem:$0xCB0] =	vst v2  }
0x6e: {  	v50 =	vshrl.u32 v44, $0x1;
	v51 =	vand.u32 $0xF87F, v44;
	v4 =	vand.u32 $0x400, v48;
	[tilespmem:$0x10B0] =	vst v3  }
0x6f: {  	v52 =	vand.u32 $0x380, v50;
	v4 =	vor.u32 v4, v51;
	[tilespmem:$0x2B0] =	vst v1;
	v1 =	vor.u32 $0x10000, v2  }
0x70: {  	v3 =	vor.u32 v52, v4;
	v2 =	vor.u32 $0x30000, v2;
	[tilespmem:$0xEB0] =	vst v1  }
0x71: {  	v1 =	vshrl.u32 v44, $0x10;
	[tilespmem:$0x12B0] =	vst v2;
	v2 =	vor.u32 v0, v3  }
0x72: {  	v54 =	vld [tilespmem:$0xE0];
	v1 =	vcvt.s32.f32 v1;
	v3 =	vor.u32 $0x20000, v2;
	v53 =	vshll.u32 v49, $0x3;
	[tilespmem:$0xCC0] =	vst v2  }
0x73: {  	v55 =	vshrl.u32 v49, $0x1;
	v56 =	vand.u32 $0xF87F, v49;
	v4 =	vand.u32 $0x400, v53;
	[tilespmem:$0x10C0] =	vst v3  }
0x74: {  	v57 =	vand.u32 $0x380, v55;
	[tilespmem:$0x2C0] =	vst v1;
	v1 =	vor.u32 $0x10000, v2;
	v4 =	vor.u32 v4, v56  }
0x75: {  	v2 =	vor.u32 $0x30000, v2;
	[tilespmem:$0xEC0] =	vst v1;
	v1 =	vshrl.u32 v49, $0x10;
	v3 =	vor.u32 v57, v4  }
0x76: {  	[tilespmem:$0x12C0] =	vst v2;
	v1 =	vcvt.s32.f32 v1;
	v2 =	vor.u32 v0, v3  }
0x77: {  	v61 =	vld [tilespmem:$0xF0];
	v58 =	vshll.u32 v54, $0x3;
	v59 =	vshrl.u32 v54, $0x1;
	[tilespmem:$0xCD0] =	vst v2  }
0x78: {  	v60 =	vand.u32 $0xF87F, v54;
	v4 =	vand.u32 $0x400, v58;
	v3 =	vor.u32 $0x20000, v2;
	[tilespmem:$0x2D0] =	vst v1  }
0x79: {  	v5 =	vand.u32 $0x380, v59;
	v4 =	vor.u32 v4, v60;
	v1 =	vor.u32 $0x10000, v2;
	[tilespmem:$0x10D0] =	vst v3  }
0x7a: {  	v2 =	vor.u32 $0x30000, v2;
	v3 =	vor.u32 v5, v4;
	[tilespmem:$0xED0] =	vst v1;
	v1 =	vshrl.u32 v54, $0x10  }
0x7b: {  	[tilespmem:$0x12D0] =	vst v2;
	v2 =	vor.u32 v0, v3;
	v1 =	vcvt.s32.f32 v1  }
0x7c: {  	v62 =	vshrl.u32 v61, $0x10;
	v63 =	vshll.u32 v61, $0x3;
	[tilespmem:$0xCE0] =	vst v2  }
0x7d: {  	v9 =	vshrl.u32 v61, $0x1;
	v10 =	vand.u32 $0xF87F, v61;
	[tilespmem:$0x2E0] =	vst v1;
	v1 =	vor.u32 $0x10000, v2  }
0x7e: {  	v11 =	vand.u32 $0x380, v9;
	v3 =	vor.u32 $0x20000, v2;
	[tilespmem:$0xEE0] =	vst v1;
	v1 =	vand.u32 $0x400, v63  }
0x7f: {  	[tilespmem:$0x10E0] =	vst v3;
	v3 =	vcvt.s32.f32 v62;
	v2 =	vor.u32 $0x30000, v2;
	v1 =	vor.u32 v1, v10  }
0x80: {  	[tilespmem:$0x12E0] =	vst v2;
	v1 =	vor.u32 v11, v1  }
0x81: {  	[tilespmem:$0x2F0] =	vst v3;
	v1 =	vor.u32 v0, v1  }
0x82: {  	[tilespmem:$0xCF0] =	vst v1;
	v2 =	vor.u32 $0x10000, v1  }
0x83: {  	[tilespmem:$0xEF0] =	vst v2;
	v2 =	vor.u32 $0x20000, v1  }
0x84: {  	v1 =	vor.u32 $0x30000, v1;
	[tilespmem:$0x10F0] =	vst v2  }
0x85: {  	s9 =	simm.s32 $0x1480;
	s8 =	rddreg [dreg:$0xf];
	[tilespmem:$0x12F0] =	vst v1  }
0x86: {  	[tilespmem:s9], [sflag:$0x1] =	stream.indirect.gather [hbm4b:s2+s6], $0x1, s8, s6, $0xb8;
	[tilespmem:$0x1C80] =	vst v63  }
0x87: {  	s7 =	simm.s32 $0xE80;
	s8 =	simm.s32 $0x1680  }
0x88: {  	[tilespmem:s8], [sflag:$0x1] =	stream.indirect.gather [hbm4b:s2+s6], $0x1, s7, s6, $0xb8;
	[tilespmem:$0x1C80] =	vst v63  }
0x89: {  	_ = 	snop  }
0x8a: {  	[tilespmem:s11], [sflag:$0x1] =	stream.indirect.gather [hbm4b:s2+s6], $0x1, s10, s6, $0xb8;
	[tilespmem:$0x1C80] =	vst v63  }
0x8b: {  	_ = 	snop  }
0x8c: {  	[tilespmem:s13], [sflag:$0x1] =	stream.indirect.gather [hbm4b:s2+s6], $0x1, s12, s6, $0xb8;
	[tilespmem:$0x1C80] =	vst v63  }
0x8d: {  	v1 =	vld [tilespmem:$0x100];
	_ =	sdelay $0x3  }
0x8e: {  	v3 =	vld [tilespmem:$0x110]  }
0x8f: {  	v2 =	vshll.u32 v1, $0x3;
	v12 =	vshrl.u32 v1, $0x1  }
0x90: {  	v13 =	vand.u32 $0xF87F, v1;
	v1 =	vshrl.u32 v1, $0x10;
	v2 =	vand.u32 $0x400, v2  }
0x91: {  	v4 =	vand.u32 $0x380, v12;
	v1 =	vcvt.s32.f32 v1;
	v2 =	vor.u32 v2, v13  }
0x92: {  	v2 =	vor.u32 v4, v2  }
0x93: {  	v16 =	vld [tilespmem:$0x120];
	v15 =	vshll.u32 v3, $0x3;
	v17 =	vshrl.u32 v3, $0x1;
	[tilespmem:$0x300] =	vst v1;
	v2 =	vor.u32 v0, v2  }
0x94: {  	v18 =	vand.u32 $0xF87F, v3;
	v5 =	vand.u32 $0x400, v15;
	v1 =	vor.u32 $0x10000, v2;
	[tilespmem:$0xD00] =	vst v2  }
0x95: {  	v5 =	vor.u32 v5, v18;
	v14 =	vor.u32 $0x20000, v2;
	[tilespmem:$0xF00] =	vst v1;
	v1 =	vshrl.u32 v3, $0x10  }
0x96: {  	v2 =	vor.u32 $0x30000, v2;
	v3 =	vand.u32 $0x380, v17;
	[tilespmem:$0x1100] =	vst v14;
	v1 =	vcvt.s32.f32 v1  }
0x97: {  	[tilespmem:$0x1300] =	vst v2;
	v3 =	vor.u32 v3, v5  }
0x98: {  	v20 =	vld [tilespmem:$0x130];
	v19 =	vshll.u32 v16, $0x3;
	v21 =	vshrl.u32 v16, $0x1;
	v2 =	vor.u32 v0, v3;
	[tilespmem:$0x310] =	vst v1  }
0x99: {  	v22 =	vand.u32 $0xF87F, v16;
	v4 =	vand.u32 $0x400, v19;
	v1 =	vor.u32 $0x10000, v2;
	[tilespmem:$0xD10] =	vst v2  }
0x9a: {  	v23 =	vand.u32 $0x380, v21;
	v4 =	vor.u32 v4, v22;
	v3 =	vor.u32 $0x20000, v2;
	[tilespmem:$0xF10] =	vst v1  }
0x9b: {  	v2 =	vor.u32 $0x30000, v2;
	v1 =	vshrl.u32 v16, $0x10;
	[tilespmem:$0x1110] =	vst v3;
	v3 =	vor.u32 v23, v4  }
0x9c: {  	[tilespmem:$0x1310] =	vst v2;
	v1 =	vcvt.s32.f32 v1;
	v2 =	vor.u32 v0, v3  }
0x9d: {  	v25 =	vld [tilespmem:$0x140];
	v24 =	vshll.u32 v20, $0x3;
	v26 =	vshrl.u32 v20, $0x1;
	[tilespmem:$0xD20] =	vst v2  }
0x9e: {  	v27 =	vand.u32 $0xF87F, v20;
	v4 =	vand.u32 $0x400, v24;
	v3 =	vor.u32 $0x20000, v2;
	[tilespmem:$0x320] =	vst v1  }
0x9f: {  	v28 =	vand.u32 $0x380, v26;
	v4 =	vor.u32 v4, v27;
	v1 =	vor.u32 $0x10000, v2;
	[tilespmem:$0x1120] =	vst v3  }
0xa0: {  	v2 =	vor.u32 $0x30000, v2;
	v3 =	vor.u32 v28, v4;
	[tilespmem:$0xF20] =	vst v1  }
0xa1: {  	v1 =	vshrl.u32 v20, $0x10;
	[tilespmem:$0x1320] =	vst v2;
	v2 =	vor.u32 v0, v3  }
0xa2: {  	v30 =	vld [tilespmem:$0x150];
	v29 =	vshll.u32 v25, $0x3;
	v1 =	vcvt.s32.f32 v1;
	v3 =	vor.u32 $0x20000, v2;
	[tilespmem:$0xD30] =	vst v2  }
0xa3: {  	v31 =	vshrl.u32 v25, $0x1;
	v32 =	vand.u32 $0xF87F, v25;
	v4 =	vand.u32 $0x400, v29;
	[tilespmem:$0x1130] =	vst v3  }
0xa4: {  	v33 =	vand.u32 $0x380, v31;
	v4 =	vor.u32 v4, v32;
	[tilespmem:$0x330] =	vst v1;
	v1 =	vor.u32 $0x10000, v2  }
0xa5: {  	v3 =	vor.u32 v33, v4;
	v2 =	vor.u32 $0x30000, v2;
	[tilespmem:$0xF30] =	vst v1  }
0xa6: {  	v1 =	vshrl.u32 v25, $0x10;
	[tilespmem:$0x1330] =	vst v2;
	v2 =	vor.u32 v0, v3  }
0xa7: {  	v35 =	vld [tilespmem:$0x160];
	v34 =	vshll.u32 v30, $0x3;
	v1 =	vcvt.s32.f32 v1;
	v3 =	vor.u32 $0x20000, v2;
	[tilespmem:$0xD40] =	vst v2  }
0xa8: {  	v36 =	vshrl.u32 v30, $0x1;
	v37 =	vand.u32 $0xF87F, v30;
	v4 =	vand.u32 $0x400, v34;
	[tilespmem:$0x1140] =	vst v3  }
0xa9: {  	v38 =	vand.u32 $0x380, v36;
	v4 =	vor.u32 v4, v37;
	[tilespmem:$0x340] =	vst v1;
	v1 =	vor.u32 $0x10000, v2  }
0xaa: {  	v3 =	vor.u32 v38, v4;
	v2 =	vor.u32 $0x30000, v2;
	[tilespmem:$0xF40] =	vst v1  }
0xab: {  	v1 =	vshrl.u32 v30, $0x10;
	[tilespmem:$0x1340] =	vst v2;
	v2 =	vor.u32 v0, v3  }
0xac: {  	v42 =	vld [tilespmem:$0x170];
	v39 =	vshll.u32 v35, $0x3;
	v1 =	vcvt.s32.f32 v1;
	v3 =	vor.u32 $0x20000, v2;
	[tilespmem:$0xD50] =	vst v2  }
0xad: {  	v40 =	vshrl.u32 v35, $0x1;
	v41 =	vand.u32 $0xF87F, v35;
	v4 =	vand.u32 $0x400, v39;
	[tilespmem:$0x1150] =	vst v3  }
0xae: {  	v5 =	vand.u32 $0x380, v40;
	v4 =	vor.u32 v4, v41;
	[tilespmem:$0x350] =	vst v1;
	v1 =	vor.u32 $0x10000, v2  }
0xaf: {  	v3 =	vor.u32 v5, v4;
	v2 =	vor.u32 $0x30000, v2;
	[tilespmem:$0xF50] =	vst v1;
	v1 =	vshrl.u32 v35, $0x10  }
0xb0: {  	[tilespmem:$0x1350] =	vst v2;
	v2 =	vor.u32 v0, v3;
	v1 =	vcvt.s32.f32 v1  }
0xb1: {  	v43 =	vshrl.u32 v42, $0x10;
	v44 =	vshll.u32 v42, $0x3;
	[tilespmem:$0xD60] =	vst v2  }
0xb2: {  	v45 =	vshrl.u32 v42, $0x1;
	v46 =	vand.u32 $0xF87F, v42;
	[tilespmem:$0x360] =	vst v1;
	v1 =	vor.u32 $0x10000, v2  }
0xb3: {  	v47 =	vand.u32 $0x380, v45;
	v3 =	vor.u32 $0x20000, v2;
	[tilespmem:$0xF60] =	vst v1;
	v1 =	vand.u32 $0x400, v44  }
0xb4: {  	[tilespmem:$0x1160] =	vst v3;
	v3 =	vcvt.s32.f32 v43;
	v2 =	vor.u32 $0x30000, v2;
	v1 =	vor.u32 v1, v46  }
0xb5: {  	[tilespmem:$0x1360] =	vst v2;
	v1 =	vor.u32 v47, v1  }
0xb6: {  	[tilespmem:$0x370] =	vst v3;
	v1 =	vor.u32 v0, v1  }
0xb7: {  	[tilespmem:$0xD70] =	vst v1;
	v2 =	vor.u32 $0x10000, v1  }
0xb8: {  	[tilespmem:$0xF70] =	vst v2;
	v2 =	vor.u32 $0x20000, v1  }
0xb9: {  	v1 =	vor.u32 $0x30000, v1;
	[tilespmem:$0x1170] =	vst v2  }
0xba: {  	[tilespmem:$0x1370] =	vst v1  }
0xbb: {  	[tilespmem:s15], [sflag:$0x1] =	stream.indirect.gather [hbm4b:s2+s6], $0x1, s14, s6, $0xb8;
	[tilespmem:$0x1C80] =	vst v63  }
0xbc: {  	_ = 	snop  }
0xbd: {  	[tilespmem:s17], [sflag:$0x1] =	stream.indirect.gather [hbm4b:s2+s6], $0x1, s16, s6, $0xb8;
	[tilespmem:$0x1C80] =	vst v63  }
0xbe: {  	_ = 	snop  }
0xbf: {  	[tilespmem:s19], [sflag:$0x1] =	stream.indirect.gather [hbm4b:s2+s6], $0x1, s18, s6, $0xb8;
	[tilespmem:$0x1C80] =	vst v63  }
0xc0: {  	_ = 	snop  }
0xc1: {  	[tilespmem:s21], [sflag:$0x1] =	stream.indirect.gather [hbm4b:s2+s6], $0x1, s20, s6, $0xb8;
	[tilespmem:$0x1C80] =	vst v63  }
0xc2: {  	v1 =	vld [tilespmem:$0x180];
	_ =	sdelay $0x3  }
0xc3: {  	v3 =	vld [tilespmem:$0x190]  }
0xc4: {  	v2 =	vshll.u32 v1, $0x3;
	v48 =	vshrl.u32 v1, $0x1  }
0xc5: {  	v49 =	vand.u32 $0xF87F, v1;
	v1 =	vshrl.u32 v1, $0x10;
	v2 =	vand.u32 $0x400, v2  }
0xc6: {  	v4 =	vand.u32 $0x380, v48;
	v1 =	vcvt.s32.f32 v1;
	v2 =	vor.u32 v2, v49  }
0xc7: {  	v2 =	vor.u32 v4, v2  }
0xc8: {  	v52 =	vld [tilespmem:$0x1A0];
	v51 =	vshll.u32 v3, $0x3;
	v53 =	vshrl.u32 v3, $0x1;
	[tilespmem:$0x380] =	vst v1;
	v2 =	vor.u32 v0, v2  }
0xc9: {  	v54 =	vand.u32 $0xF87F, v3;
	v5 =	vand.u32 $0x400, v51;
	v1 =	vor.u32 $0x10000, v2;
	[tilespmem:$0xD80] =	vst v2  }
0xca: {  	v5 =	vor.u32 v5, v54;
	v50 =	vor.u32 $0x20000, v2;
	[tilespmem:$0xF80] =	vst v1;
	v1 =	vshrl.u32 v3, $0x10  }
0xcb: {  	v2 =	vor.u32 $0x30000, v2;
	v3 =	vand.u32 $0x380, v53;
	[tilespmem:$0x1180] =	vst v50;
	v1 =	vcvt.s32.f32 v1  }
0xcc: {  	[tilespmem:$0x1380] =	vst v2;
	v3 =	vor.u32 v3, v5  }
0xcd: {  	v56 =	vld [tilespmem:$0x1B0];
	v55 =	vshll.u32 v52, $0x3;
	v57 =	vshrl.u32 v52, $0x1;
	v2 =	vor.u32 v0, v3;
	[tilespmem:$0x390] =	vst v1  }
0xce: {  	v58 =	vand.u32 $0xF87F, v52;
	v4 =	vand.u32 $0x400, v55;
	v1 =	vor.u32 $0x10000, v2;
	[tilespmem:$0xD90] =	vst v2  }
0xcf: {  	v59 =	vand.u32 $0x380, v57;
	v4 =	vor.u32 v4, v58;
	v3 =	vor.u32 $0x20000, v2;
	[tilespmem:$0xF90] =	vst v1  }
0xd0: {  	v2 =	vor.u32 $0x30000, v2;
	v1 =	vshrl.u32 v52, $0x10;
	[tilespmem:$0x1190] =	vst v3;
	v3 =	vor.u32 v59, v4  }
0xd1: {  	[tilespmem:$0x1390] =	vst v2;
	v1 =	vcvt.s32.f32 v1;
	v2 =	vor.u32 v0, v3  }
0xd2: {  	v61 =	vld [tilespmem:$0x1C0];
	v60 =	vshll.u32 v56, $0x3;
	v62 =	vshrl.u32 v56, $0x1;
	[tilespmem:$0xDA0] =	vst v2  }
0xd3: {  	v63 =	vand.u32 $0xF87F, v56;
	v4 =	vand.u32 $0x400, v60;
	v3 =	vor.u32 $0x20000, v2;
	[tilespmem:$0x3A0] =	vst v1  }
0xd4: {  	v10 =	vand.u32 $0x380, v62;
	v4 =	vor.u32 v4, v63;
	v1 =	vor.u32 $0x10000, v2;
	[tilespmem:$0x11A0] =	vst v3  }
0xd5: {  	v2 =	vor.u32 $0x30000, v2;
	v3 =	vor.u32 v10, v4;
	[tilespmem:$0xFA0] =	vst v1  }
0xd6: {  	v1 =	vshrl.u32 v56, $0x10;
	[tilespmem:$0x13A0] =	vst v2;
	v2 =	vor.u32 v0, v3  }
0xd7: {  	v12 =	vld [tilespmem:$0x1D0];
	v11 =	vshll.u32 v61, $0x3;
	v1 =	vcvt.s32.f32 v1;
	v3 =	vor.u32 $0x20000, v2;
	[tilespmem:$0xDB0] =	vst v2  }
0xd8: {  	v13 =	vshrl.u32 v61, $0x1;
	v14 =	vand.u32 $0xF87F, v61;
	v4 =	vand.u32 $0x400, v11;
	[tilespmem:$0x11B0] =	vst v3  }
0xd9: {  	v15 =	vand.u32 $0x380, v13;
	v4 =	vor.u32 v4, v14;
	[tilespmem:$0x3B0] =	vst v1;
	v1 =	vor.u32 $0x10000, v2  }
0xda: {  	v3 =	vor.u32 v15, v4;
	v2 =	vor.u32 $0x30000, v2;
	[tilespmem:$0xFB0] =	vst v1  }
0xdb: {  	v1 =	vshrl.u32 v61, $0x10;
	[tilespmem:$0x13B0] =	vst v2;
	v2 =	vor.u32 v0, v3  }
0xdc: {  	v17 =	vld [tilespmem:$0x1E0];
	v16 =	vshll.u32 v12, $0x3;
	v1 =	vcvt.s32.f32 v1;
	v3 =	vor.u32 $0x20000, v2;
	[tilespmem:$0xDC0] =	vst v2  }
0xdd: {  	v18 =	vshrl.u32 v12, $0x1;
	v19 =	vand.u32 $0xF87F, v12;
	v4 =	vand.u32 $0x400, v16;
	[tilespmem:$0x11C0] =	vst v3  }
0xde: {  	v20 =	vand.u32 $0x380, v18;
	v4 =	vor.u32 v4, v19;
	[tilespmem:$0x3C0] =	vst v1;
	v1 =	vor.u32 $0x10000, v2  }
0xdf: {  	v3 =	vor.u32 v20, v4;
	v2 =	vor.u32 $0x30000, v2;
	[tilespmem:$0xFC0] =	vst v1  }
0xe0: {  	v1 =	vshrl.u32 v12, $0x10;
	[tilespmem:$0x13C0] =	vst v2;
	v2 =	vor.u32 v0, v3  }
0xe1: {  	v24 =	vld [tilespmem:$0x1F0];
	v21 =	vshll.u32 v17, $0x3;
	v1 =	vcvt.s32.f32 v1;
	v3 =	vor.u32 $0x20000, v2;
	[tilespmem:$0xDD0] =	vst v2  }
0xe2: {  	v22 =	vshrl.u32 v17, $0x1;
	v23 =	vand.u32 $0xF87F, v17;
	v4 =	vand.u32 $0x400, v21;
	[tilespmem:$0x11D0] =	vst v3  }
0xe3: {  	v5 =	vand.u32 $0x380, v22;
	v4 =	vor.u32 v4, v23;
	[tilespmem:$0x3D0] =	vst v1;
	v1 =	vor.u32 $0x10000, v2  }
0xe4: {  	v3 =	vor.u32 v5, v4;
	v2 =	vor.u32 $0x30000, v2;
	[tilespmem:$0xFD0] =	vst v1;
	v1 =	vshrl.u32 v17, $0x10  }
0xe5: {  	[tilespmem:$0x13D0] =	vst v2;
	v2 =	vor.u32 v0, v3;
	v1 =	vcvt.s32.f32 v1  }
0xe6: {  	v25 =	vshrl.u32 v24, $0x10;
	v26 =	vshll.u32 v24, $0x3;
	[tilespmem:$0xDE0] =	vst v2  }
0xe7: {  	v27 =	vshrl.u32 v24, $0x1;
	v28 =	vand.u32 $0xF87F, v24;
	[tilespmem:$0x3E0] =	vst v1;
	v1 =	vor.u32 $0x10000, v2  }
0xe8: {  	v29 =	vand.u32 $0x380, v27;
	v3 =	vor.u32 $0x20000, v2;
	[tilespmem:$0xFE0] =	vst v1;
	v1 =	vand.u32 $0x400, v26  }
0xe9: {  	[tilespmem:$0x11E0] =	vst v3;
	v3 =	vcvt.s32.f32 v25;
	v2 =	vor.u32 $0x30000, v2;
	v1 =	vor.u32 v1, v28  }
0xea: {  	[tilespmem:$0x13E0] =	vst v2;
	v1 =	vor.u32 v29, v1  }
0xeb: {  	[tilespmem:$0x3F0] =	vst v3;
	v1 =	vor.u32 v0, v1  }
0xec: {  	[tilespmem:$0xDF0] =	vst v1;
	v2 =	vor.u32 $0x10000, v1  }
0xed: {  	[tilespmem:$0xFF0] =	vst v2;
	v2 =	vor.u32 $0x20000, v1  }
0xee: {  	v1 =	vor.u32 $0x30000, v1;
	[tilespmem:$0x11F0] =	vst v2  }
0xef: {  	[tilespmem:$0x13F0] =	vst v1  }
0xf0: {  	[tilespmem:s23], [sflag:$0x1] =	stream.indirect.gather [hbm4b:s2+s6], $0x1, s22, s6, $0xb8;
	[tilespmem:$0x1C80] =	vst v63  }
0xf1: {  	_ = 	snop  }
0xf2: {  	[tilespmem:s25], [sflag:$0x1] =	stream.indirect.gather [hbm4b:s2+s6], $0x1, s24, s6, $0xb8;
	[tilespmem:$0x1C80] =	vst v63  }
0xf3: {  	_ = 	snop  }
0xf4: {  	[tilespmem:s28], [sflag:$0x1] =	stream.indirect.gather [hbm4b:s2+s6], $0x1, s26, s6, $0xb8;
	[tilespmem:$0x1C80] =	vst v63  }
0xf5: {  	_ = 	snop  }
0xf6: {  	[tilespmem:s30], [sflag:$0x1] =	stream.indirect.gather [hbm4b:s2+s6], $0x1, s29, s6, $0xb8;
	[tilespmem:$0x1C80] =	vst v63  }
0xf7: {  	_ =	swait.ge [sflag:s31], $0x80  }
0xf8: {  	[sflag:s31] =	ssyncset.done $0x0  }
0xf9: {  	[sflag:s31] =	ssyncadd.s32 $0xFFFFFF80  }
0xfa: {  	_ =	swait.ge [sflag:s31], $0x80  }
0xfb: {  	[sflag:s31] =	ssyncset.done $0x0  }
0xfc: {  	[sflag:s31] =	ssyncadd.s32 $0xFFFFFF80  }
0xfd: {  	_ =	swait.ge [sflag:s31], $0x80  }
0xfe: {  	[sflag:s31] =	ssyncset.done $0x0  }
0xff: {  	[sflag:s31] =	ssyncadd.s32 $0xFFFFFF80  }
0x100: {  	_ =	swait.ge [sflag:s31], $0x80  }
0x101: {  	[sflag:s31] =	ssyncset.done $0x0  }
0x102: {  	[sflag:s31] =	ssyncadd.s32 $0xFFFFFF80  }
0x103: {  	v1 =	vld [tilespmem:$0x200]  }
0x104: {  	v9 =	vld [tilespmem:$0x1400]  }
0x105: {  	v10 =	vld [tilespmem:$0x400]  }
0x106: {  	v11 =	vld [tilespmem:$0x1600]  }
0x107: {  	v30 =	vld [tilespmem:$0x600]  }
0x108: {  	v31 =	vld [tilespmem:$0x1800]  }
0x109: {  	v32 =	vld [tilespmem:$0x800]  }
0x10a: {  	v33 =	vld [tilespmem:$0x1A00]  }
0x10b: {  	v35 =	vld [tilespmem:$0xA00]  }
0x10c: {  	v2 =	vld [tilespmem:$0x210]  }
0x10d: {  	v36 =	vld [tilespmem:$0x1410]  }
0x10e: {  	v37 =	vld [tilespmem:$0x410]  }
0x10f: {  	v38 =	vld [tilespmem:$0x1610]  }
0x110: {  	v39 =	vld [tilespmem:$0x610]  }
0x111: {  	v40 =	vld [tilespmem:$0x1810]  }
0x112: {  	v41 =	vld [tilespmem:$0x810]  }
0x113: {  	v42 =	vld [tilespmem:$0x1A10]  }
0x114: {  	v45 =	vld [tilespmem:$0xA10]  }
0x115: {  	v3 =	vld [tilespmem:$0x220]  }
0x116: {  	v46 =	vld [tilespmem:$0x1420]  }
0x117: {  	v47 =	vld [tilespmem:$0x420]  }
0x118: {  	v48 =	vld [tilespmem:$0x1620]  }
0x119: {  	v49 =	vld [tilespmem:$0x620]  }
0x11a: {  	v50 =	vld [tilespmem:$0x1820]  }
0x11b: {  	v52 =	vld [tilespmem:$0x820]  }
0x11c: {  	v22 =	vld [tilespmem:$0x1A60]  }
0x11d: {  	v54 =	vld [tilespmem:$0x1A20]  }
0x11e: {  	v55 =	vld [tilespmem:$0xA20]  }
0x11f: {  	v7 =	vld [tilespmem:$0x230]  }
0x120: {  	v56 =	vld [tilespmem:$0x1430]  }
0x121: {  	[tilespmem:$0x1FF00] =	vst v22;
	v22 =	vld [tilespmem:$0x270]  }
0x122: {  	v57 =	vld [tilespmem:$0x430]  }
0x123: {  	v63 =	vld [tilespmem:$0x1630]  }
0x124: {  	v4 =	vld [tilespmem:$0x630]  }
0x125: {  	v6 =	vld [tilespmem:$0x1830]  }
0x126: {  	[tilespmem:$0x1FFF0] =	vst v22;
	v22 =	vld [tilespmem:$0x1470]  }
0x127: {  	v5 =	vld [tilespmem:$0x830]  }
0x128: {  	v12 =	vld [tilespmem:$0x1A30]  }
0x129: {  	v8 =	vld [tilespmem:$0xA30]  }
0x12a: {  	v18 =	vld [tilespmem:$0x240]  }
0x12b: {  	[tilespmem:$0x1FF10] =	vst v22;
	v22 =	vld [tilespmem:$0x470]  }
0x12c: {  	v51 =	vld [tilespmem:$0x1440]  }
0x12d: {  	v13 =	vld [tilespmem:$0x440]  }
0x12e: {  	v15 =	vld [tilespmem:$0x1640]  }
0x12f: {  	v14 =	vld [tilespmem:$0x640]  }
0x130: {  	[tilespmem:$0x1FF20] =	vst v22;
	v22 =	vld [tilespmem:$0x1670]  }
0x131: {  	v17 =	vld [tilespmem:$0x1840]  }
0x132: {  	v16 =	vld [tilespmem:$0x840]  }
0x133: {  	v58 =	vld [tilespmem:$0x1A40]  }
0x134: {  	v61 =	vld [tilespmem:$0xA40]  }
0x135: {  	[tilespmem:$0x1FF30] =	vst v22;
	v22 =	vld [tilespmem:$0x670]  }
0x136: {  	v19 =	vld [tilespmem:$0x250]  }
0x137: {  	v59 =	vld [tilespmem:$0x1450]  }
0x138: {  	v62 =	vld [tilespmem:$0x450]  }
0x139: {  	v53 =	vld [tilespmem:$0x1650]  }
0x13a: {  	[tilespmem:$0x1FF40] =	vst v22;
	v22 =	vld [tilespmem:$0x1870]  }
0x13b: {  	v60 =	vld [tilespmem:$0x650]  }
0x13c: {  	v43 =	vld [tilespmem:$0x1850]  }
0x13d: {  	v44 =	vld [tilespmem:$0x850]  }
0x13e: {  	v20 =	vld [tilespmem:$0x1A50]  }
0x13f: {  	[tilespmem:$0x1FF50] =	vst v22;
	v22 =	vld [tilespmem:$0x870]  }
0x140: {  	v34 =	vld [tilespmem:$0xA50]  }
0x141: {  	v21 =	vld [tilespmem:$0x260]  }
0x142: {  	v28 =	vld [tilespmem:$0x1460]  }
0x143: {  	v29 =	vld [tilespmem:$0x460]  }
0x144: {  	[tilespmem:$0x1FF60] =	vst v22;
	v22 =	vld [tilespmem:$0x1A70]  }
0x145: {  	v26 =	vld [tilespmem:$0x1660]  }
0x146: {  	v27 =	vld [tilespmem:$0x660]  }
0x147: {  	v24 =	vld [tilespmem:$0x1860]  }
0x148: {  	v25 =	vld [tilespmem:$0x860]  }
0x149: {  	v23 =	vld [tilespmem:$0xA60];
	[tilespmem:$0x1FF70] =	vst v22  }
0x14a: {  	v22 =	vld [tilespmem:$0xA70];
	_ =	swait.ge [sflag:s31], $0x80  }
0x14b: {  	[sflag:s31] =	ssyncset.done $0x0  }
0x14c: {  	v9 =	vsub.f32 v9, v10;
	[sflag:s31] =	ssyncadd.s32 $0xFFFFFF80  }
0x14d: {  	_ =	swait.ge [sflag:s31], $0x80  }
0x14e: {  	v30 =	vsub.f32 v11, v30;
	v9 =	vand.u32 $0x7FFFFFFF, v9;
	[sflag:s31] =	ssyncset.done $0x0  }
0x14f: {  	v9 =	vmul.f32 v9, v1;
	[sflag:s31] =	ssyncadd.s32 $0xFFFFFF80  }
0x150: {  	v11 =	vsub.f32 v31, v32;
	v10 =	vand.u32 $0x7FFFFFFF, v30;
	_ =	swait.ge [sflag:s31], $0x80  }
0x151: {  	v33 =	vsub.f32 v33, v35;
	v10 =	vmul.f32 v10, v1;
	v9 =	vadd.f32 $0.0e+00, v9;
	[sflag:s31] =	ssyncset.done $0x0  }
0x152: {  	v11 =	vand.u32 $0x7FFFFFFF, v11;
	[tilespmem:$0x1FF80] =	vst v1;
	[sflag:s31] =	ssyncadd.s32 $0xFFFFFF80  }
0x153: {  	v30 =	vand.u32 $0x7FFFFFFF, v33;
	v35 =	vmul.f32 v11, v1;
	v9 =	vadd.f32 v10, v9;
	_ =	swait.ge [sflag:s31], $0x80  }
0x154: {  	v37 =	vsub.f32 v36, v37;
	v30 =	vmul.f32 v30, v1;
	v1 =	vsub.f32 v63, v4;
	[sflag:s31] =	ssyncset.done $0x0;
	v63 =	vld [tilespmem:$0x1FF20]  }
0x155: {  	v12 =	vsub.f32 v12, v8;
	v10 =	vadd.f32 v35, v9;
	v8 =	vld [tilespmem:$0x1FF30];
	[sflag:s31] =	ssyncadd.s32 $0xFFFFFF80  }
0x156: {  	v39 =	vsub.f32 v38, v39;
	v11 =	vand.u32 $0x7FFFFFFF, v37;
	v9 =	vld [tilespmem:$0x280]  }
0x157: {  	v11 =	vmul.f32 v11, v2;
	v10 =	vadd.f32 v30, v10;
	v30 =	vld [tilespmem:$0x1480]  }
0x158: {  	v40 =	vsub.f32 v40, v41;
	v31 =	vand.u32 $0x7FFFFFFF, v39;
	v35 =	vld [tilespmem:$0x480]  }
0x159: {  	v41 =	vmul.f32 v31, v2;
	v10 =	vadd.f32 v11, v10;
	v31 =	vld [tilespmem:$0x1680]  }
0x15a: {  	v42 =	vsub.f32 v42, v45;
	v32 =	vand.u32 $0x7FFFFFFF, v40;
	v36 =	vld [tilespmem:$0x680]  }
0x15b: {  	v45 =	vmul.f32 v32, v2;
	v10 =	vadd.f32 v41, v10;
	v32 =	vld [tilespmem:$0x1880]  }
0x15c: {  	v46 =	vsub.f32 v46, v47;
	v33 =	vand.u32 $0x7FFFFFFF, v42;
	v37 =	vld [tilespmem:$0x880]  }
0x15d: {  	v47 =	vmul.f32 v33, v2;
	v10 =	vadd.f32 v45, v10;
	v33 =	vld [tilespmem:$0x1A80]  }
0x15e: {  	v48 =	vsub.f32 v48, v49;
	v49 =	vand.u32 $0x7FFFFFFF, v46;
	v38 =	vld [tilespmem:$0xA80]  }
0x15f: {  	v40 =	vmul.f32 v49, v3;
	v11 =	vadd.f32 v47, v10;
	v10 =	vld [tilespmem:$0x290]  }
0x160: {  	v50 =	vsub.f32 v50, v52;
	v52 =	vand.u32 $0x7FFFFFFF, v48;
	v39 =	vld [tilespmem:$0x1490]  }
0x161: {  	v42 =	vmul.f32 v52, v3;
	v11 =	vadd.f32 v40, v11;
	v45 =	vld [tilespmem:$0x490]  }
0x162: {  	v54 =	vsub.f32 v54, v55;
	v41 =	vand.u32 $0x7FFFFFFF, v50;
	v40 =	vld [tilespmem:$0x1690]  }
0x163: {  	v55 =	vmul.f32 v41, v3;
	v11 =	vadd.f32 v42, v11;
	v46 =	vld [tilespmem:$0x690]  }
0x164: {  	v56 =	vsub.f32 v56, v57;
	v47 =	vand.u32 $0x7FFFFFFF, v54;
	v41 =	vld [tilespmem:$0x1890]  }
0x165: {  	v57 =	vmul.f32 v47, v3;
	v11 =	vadd.f32 v55, v11;
	v47 =	vld [tilespmem:$0x890]  }
0x166: {  	v48 =	vand.u32 $0x7FFFFFFF, v56;
	v42 =	vld [tilespmem:$0x1A90]  }
0x167: {  	v49 =	vadd.f32 v57, v11;
	v4 =	vmul.f32 v48, v7;
	v48 =	vld [tilespmem:$0xA90]  }
0x168: {  	v11 =	vld [tilespmem:$0x2A0]  }
0x169: {  	[tilespmem:$0x1FFA0] =	vst v3;
	v3 =	vadd.f32 v4, v49;
	v49 =	vld [tilespmem:$0x14A0]  }
0x16a: {  	v1 =	vand.u32 $0x7FFFFFFF, v1;
	v54 =	vld [tilespmem:$0x4A0]  }
0x16b: {  	[tilespmem:$0x1FF90] =	vst v2;
	v2 =	vsub.f32 v6, v5;
	v1 =	vmul.f32 v1, v7;
	v50 =	vld [tilespmem:$0x16A0]  }
0x16c: {  	v55 =	vld [tilespmem:$0x6A0]  }
0x16d: {  	v2 =	vand.u32 $0x7FFFFFFF, v2;
	v1 =	vadd.f32 v1, v3;
	v3 =	vsub.f32 v51, v13;
	v51 =	vld [tilespmem:$0x18A0]  }
0x16e: {  	v56 =	vld [tilespmem:$0x8A0];
	v2 =	vmul.f32 v2, v7  }
0x16f: {  	v4 =	vand.u32 $0x7FFFFFFF, v12;
	v52 =	vld [tilespmem:$0x1AA0]  }
0x170: {  	v57 =	vld [tilespmem:$0xAA0];
	v1 =	vadd.f32 v2, v1;
	v2 =	vmul.f32 v4, v7  }
0x171: {  	v14 =	vsub.f32 v15, v14;
	v12 =	vld [tilespmem:$0x2B0];
	v3 =	vand.u32 $0x7FFFFFFF, v3  }
0x172: {  	v15 =	vsub.f32 v58, v61;
	v58 =	vld [tilespmem:$0x14B0];
	v1 =	vadd.f32 v2, v1;
	v2 =	vmul.f32 v3, v18  }
0x173: {  	v61 =	vld [tilespmem:$0x4B0];
	v4 =	vand.u32 $0x7FFFFFFF, v14;
	v3 =	vsub.f32 v17, v16  }
0x174: {  	v13 =	vld [tilespmem:$0x2C0];
	v1 =	vadd.f32 v2, v1;
	v2 =	vmul.f32 v4, v18  }
0x175: {  	v14 =	vld [tilespmem:$0x2D0];
	v3 =	vand.u32 $0x7FFFFFFF, v3  }
0x176: {  	v16 =	vsub.f32 v53, v60;
	v53 =	vld [tilespmem:$0x18B0];
	v1 =	vadd.f32 v2, v1;
	v2 =	vmul.f32 v3, v18  }
0x177: {  	v60 =	vld [tilespmem:$0x8B0];
	v4 =	vand.u32 $0x7FFFFFFF, v15;
	v3 =	vsub.f32 v59, v62  }
0x178: {  	v17 =	vsub.f32 v20, v34;
	v34 =	vld [tilespmem:$0x14C0];
	v1 =	vadd.f32 v2, v1;
	v2 =	vmul.f32 v4, v18  }
0x179: {  	v20 =	vld [tilespmem:$0x1FF00];
	v3 =	vand.u32 $0x7FFFFFFF, v3  }
0x17a: {  	v35 =	vsub.f32 v30, v35;
	v30 =	vld [tilespmem:$0x14E0];
	v1 =	vadd.f32 v2, v1;
	v2 =	vmul.f32 v3, v19  }
0x17b: {  	v15 =	vld [tilespmem:$0x1FF40];
	v4 =	vand.u32 $0x7FFFFFFF, v16;
	v3 =	vsub.f32 v43, v44  }
0x17c: {  	[tilespmem:$0x1FFB0] =	vst v7;
	v7 =	vand.u32 $0x7FFFFFFF, v35;
	v35 =	vld [tilespmem:$0x4E0];
	v1 =	vadd.f32 v2, v1;
	v2 =	vmul.f32 v4, v19  }
0x17d: {  	v59 =	vld [tilespmem:$0x16B0];
	v3 =	vand.u32 $0x7FFFFFFF, v3  }
0x17e: {  	v62 =	vld [tilespmem:$0x6B0];
	v1 =	vadd.f32 v2, v1;
	v2 =	vmul.f32 v3, v19  }
0x17f: {  	[tilespmem:$0x1FFC0] =	vst v18;
	v18 =	vsub.f32 v26, v27;
	v27 =	vld [tilespmem:$0x6C0];
	v4 =	vand.u32 $0x7FFFFFFF, v17;
	v3 =	vsub.f32 v28, v29  }
0x180: {  	v26 =	vld [tilespmem:$0x18C0];
	v1 =	vadd.f32 v2, v1;
	v2 =	vmul.f32 v4, v19  }
0x181: {  	v16 =	vld [tilespmem:$0x1FF50];
	v3 =	vand.u32 $0x7FFFFFFF, v3  }
0x182: {  	v43 =	vld [tilespmem:$0x1AB0];
	v1 =	vadd.f32 v2, v1;
	v2 =	vmul.f32 v3, v21  }
0x183: {  	v44 =	vld [tilespmem:$0xAB0];
	v4 =	vand.u32 $0x7FFFFFFF, v18;
	v3 =	vsub.f32 v24, v25  }
0x184: {  	v17 =	vld [tilespmem:$0x1FF60];
	v1 =	vadd.f32 v2, v1;
	v2 =	vmul.f32 v4, v21  }
0x185: {  	v29 =	vld [tilespmem:$0x4C0];
	v3 =	vand.u32 $0x7FFFFFFF, v3  }
0x186: {  	v4 =	vsub.f32 v20, v23;
	v1 =	vadd.f32 v2, v1;
	v2 =	vmul.f32 v3, v21;
	v3 =	vld [tilespmem:$0x1FF10]  }
0x187: {  	v28 =	vld [tilespmem:$0x16C0]  }
0x188: {  	[tilespmem:$0x1FFD0] =	vst v19;
	v19 =	vmov v21;
	v18 =	vld [tilespmem:$0x1FF70];
	v4 =	vand.u32 $0x7FFFFFFF, v4  }
0x189: {  	v1 =	vadd.f32 v2, v1;
	v2 =	vmul.f32 v4, v19;
	v4 =	vsub.f32 v8, v15;
	v8 =	vld [tilespmem:$0x1FFF0]  }
0x18a: {  	v5 =	vsub.f32 v16, v17;
	v16 =	vsub.f32 v31, v36;
	v31 =	vld [tilespmem:$0x16E0]  }
0x18b: {  	v36 =	vld [tilespmem:$0x6E0];
	v3 =	vsub.f32 v3, v63  }
0x18c: {  	v25 =	vld [tilespmem:$0x8C0]  }
0x18d: {  	v24 =	vld [tilespmem:$0x1AC0];
	v3 =	vand.u32 $0x7FFFFFFF, v3  }
0x18e: {  	v23 =	vld [tilespmem:$0xAC0];
	v2 =	vadd.f32 v2, v1;
	v3 =	vmul.f32 v3, v8  }
0x18f: {  	v20 =	vld [tilespmem:$0x18D0];
	v4 =	vand.u32 $0x7FFFFFFF, v4  }
0x190: {  	v6 =	vsub.f32 v18, v22;
	v22 =	vld [tilespmem:$0x1AD0];
	v4 =	vmul.f32 v4, v8;
	v3 =	vadd.f32 v3, v2  }
0x191: {  	[tilespmem:$0x1FFE0] =	vst v21;
	v5 =	vand.u32 $0x7FFFFFFF, v5;
	v21 =	vld [tilespmem:$0x14D0]  }
0x192: {  	v19 =	vld [tilespmem:$0x16D0];
	v5 =	vmul.f32 v5, v8;
	v4 =	vadd.f32 v4, v3  }
0x193: {  	v6 =	vand.u32 $0x7FFFFFFF, v6;
	v15 =	vld [tilespmem:$0x2E0]  }
0x194: {  	v1 =	vld [tilespmem:$0x6D0];
	v18 =	vmul.f32 v6, v8;
	v4 =	vadd.f32 v5, v4  }
0x195: {  	v63 =	vld [tilespmem:$0x4D0]  }
0x196: {  	v17 =	vmul.f32 v7, v9;
	v2 =	vld [tilespmem:$0x8D0];
	v4 =	vadd.f32 v18, v4  }
0x197: {  	v6 =	vand.u32 $0x7FFFFFFF, v16;
	v3 =	vld [tilespmem:$0xAD0];
	v18 =	vsub.f32 v32, v37  }
0x198: {  	v16 =	vmul.f32 v6, v9;
	v32 =	vld [tilespmem:$0x18E0];
	v4 =	vadd.f32 v17, v4  }
0x199: {  	v37 =	vld [tilespmem:$0x8E0];
	v17 =	vsub.f32 v33, v38;
	v7 =	vand.u32 $0x7FFFFFFF, v18  }
0x19a: {  	v33 =	vld [tilespmem:$0x1AE0];
	v18 =	vmul.f32 v7, v9;
	v4 =	vadd.f32 v16, v4  }
0x19b: {  	v38 =	vld [tilespmem:$0xAE0];
	v7 =	vsub.f32 v39, v45;
	v6 =	vand.u32 $0x7FFFFFFF, v17  }
0x19c: {  	v39 =	vld [tilespmem:$0x14F0];
	v45 =	vmul.f32 v6, v9;
	v4 =	vadd.f32 v18, v4  }
0x19d: {  	v16 =	vld [tilespmem:$0x2F0];
	v17 =	vsub.f32 v40, v46;
	v7 =	vand.u32 $0x7FFFFFFF, v7  }
0x19e: {  	v40 =	vld [tilespmem:$0x16F0];
	v18 =	vmul.f32 v7, v10;
	v4 =	vadd.f32 v45, v4  }
0x19f: {  	v46 =	vld [tilespmem:$0x6F0];
	v7 =	vsub.f32 v41, v47;
	v6 =	vand.u32 $0x7FFFFFFF, v17  }
0x1a0: {  	v41 =	vld [tilespmem:$0x18F0];
	v17 =	vmul.f32 v6, v10;
	v4 =	vadd.f32 v18, v4  }
0x1a1: {  	v47 =	vld [tilespmem:$0x8F0];
	v7 =	vand.u32 $0x7FFFFFFF, v7  }
0x1a2: {  	v45 =	vld [tilespmem:$0x4F0];
	v18 =	vsub.f32 v42, v48;
	v48 =	vmul.f32 v7, v10;
	v4 =	vadd.f32 v17, v4  }
0x1a3: {  	v42 =	vld [tilespmem:$0x1AF0]  }
0x1a4: {  	v4 =	vadd.f32 v48, v4;
	v48 =	vld [tilespmem:$0xAF0];
	_ =	swait.ge [sflag:s31], $0x80  }
0x1a5: {  	[sflag:s31] =	ssyncset.done $0x0  }
0x1a6: {  	[sflag:s31] =	ssyncadd.s32 $0xFFFFFF80  }
0x1a7: {  	v54 =	vsub.f32 v49, v54;
	v6 =	vand.u32 $0x7FFFFFFF, v18;
	_ =	swait.ge [sflag:s31], $0x80  }
0x1a8: {  	v17 =	vmul.f32 v6, v10;
	[sflag:s31] =	ssyncset.done $0x0  }
0x1a9: {  	v7 =	vand.u32 $0x7FFFFFFF, v54;
	v18 =	vsub.f32 v50, v55;
	[sflag:s31] =	ssyncadd.s32 $0xFFFFFF80  }
0x1aa: {  	v49 =	vmul.f32 v7, v11;
	v4 =	vadd.f32 v17, v4;
	_ =	swait.ge [sflag:s31], $0x80  }
0x1ab: {  	v50 =	vsub.f32 v51, v56;
	v6 =	vand.u32 $0x7FFFFFFF, v18;
	[sflag:s31] =	ssyncset.done $0x0  }
0x1ac: {  	v51 =	vmul.f32 v6, v11;
	v4 =	vadd.f32 v49, v4;
	[sflag:s31] =	ssyncadd.s32 $0xFFFFFF80  }
0x1ad: {  	v54 =	vsub.f32 v52, v57;
	v56 =	vsub.f32 v58, v61;
	v7 =	vand.u32 $0x7FFFFFFF, v50;
	_ =	swait.ge [sflag:s31], $0x80  }
0x1ae: {  	v58 =	vsub.f32 v59, v62;
	v55 =	vmul.f32 v7, v11;
	v4 =	vadd.f32 v51, v4;
	[sflag:s31] =	ssyncset.done $0x0  }
0x1af: {  	v50 =	vsub.f32 v43, v44;
	v6 =	vand.u32 $0x7FFFFFFF, v54;
	[sflag:s31] =	ssyncadd.s32 $0xFFFFFF80  }
0x1b0: {  	v57 =	vmul.f32 v6, v11;
	v6 =	vand.u32 $0x7FFFFFFF, v58;
	v4 =	vadd.f32 v55, v4;
	v17 =	vld [tilespmem:$0x300]  }
0x1b1: {  	v52 =	vsub.f32 v34, v29;
	v7 =	vand.u32 $0x7FFFFFFF, v56;
	v62 =	vmul.f32 v6, v12;
	v6 =	vld [tilespmem:$0x1500]  }
0x1b2: {  	v59 =	vmul.f32 v7, v12;
	v7 =	vand.u32 $0x7FFFFFFF, v50;
	v4 =	vadd.f32 v57, v4;
	v29 =	vld [tilespmem:$0x500]  }
0x1b3: {  	v61 =	vsub.f32 v53, v60;
	v53 =	vmul.f32 v7, v12;
	v7 =	vld [tilespmem:$0x1700]  }
0x1b4: {  	v8 =	vand.u32 $0x7FFFFFFF, v52;
	v54 =	vsub.f32 v28, v27;
	v4 =	vadd.f32 v59, v4;
	v27 =	vld [tilespmem:$0x700]  }
0x1b5: {  	v49 =	vand.u32 $0x7FFFFFFF, v61;
	v55 =	vmul.f32 v8, v13;
	v8 =	vld [tilespmem:$0x1900]  }
0x1b6: {  	v25 =	vsub.f32 v26, v25;
	v51 =	vmul.f32 v49, v12;
	v26 =	vld [tilespmem:$0x900];
	v4 =	vadd.f32 v62, v4  }
0x1b7: {  	v28 =	vld [tilespmem:$0x1B00]  }
0x1b8: {  	v23 =	vsub.f32 v24, v23;
	v18 =	vand.u32 $0x7FFFFFFF, v54;
	v24 =	vld [tilespmem:$0xB00];
	v4 =	vadd.f32 v51, v4  }
0x1b9: {  	v56 =	vmul.f32 v18, v13;
	v18 =	vld [tilespmem:$0x310]  }
0x1ba: {  	v23 =	vand.u32 $0x7FFFFFFF, v23;
	v57 =	vand.u32 $0x7FFFFFFF, v25;
	v25 =	vld [tilespmem:$0x1510];
	v4 =	vadd.f32 v53, v4  }
0x1bb: {  	v59 =	vmul.f32 v23, v13;
	v23 =	vld [tilespmem:$0x510]  }
0x1bc: {  	v34 =	vld [tilespmem:$0x1710];
	v4 =	vadd.f32 v55, v4  }
0x1bd: {  	v43 =	vld [tilespmem:$0x710]  }
0x1be: {  	v58 =	vmul.f32 v57, v13;
	v44 =	vld [tilespmem:$0x1910];
	v4 =	vadd.f32 v56, v4  }
0x1bf: {  	v21 =	vsub.f32 v21, v63;
	v5 =	vld [tilespmem:$0x910]  }
0x1c0: {  	v49 =	vld [tilespmem:$0x1B10];
	v4 =	vadd.f32 v58, v4  }
0x1c1: {  	v1 =	vsub.f32 v19, v1;
	v21 =	vand.u32 $0x7FFFFFFF, v21;
	v19 =	vld [tilespmem:$0x320]  }
0x1c2: {  	v60 =	vmul.f32 v21, v14;
	v61 =	vsub.f32 v30, v35;
	v30 =	vld [tilespmem:$0x520];
	v4 =	vadd.f32 v59, v4  }
0x1c3: {  	v1 =	vand.u32 $0x7FFFFFFF, v1;
	v2 =	vsub.f32 v20, v2;
	v35 =	vld [tilespmem:$0x1920]  }
0x1c4: {  	v1 =	vmul.f32 v1, v14;
	v50 =	vsub.f32 v33, v38;
	v33 =	vld [tilespmem:$0x920];
	v4 =	vadd.f32 v60, v4  }
0x1c5: {  	v2 =	vand.u32 $0x7FFFFFFF, v2;
	v3 =	vsub.f32 v22, v3;
	v38 =	vld [tilespmem:$0x1530]  }
0x1c6: {  	v2 =	vmul.f32 v2, v14;
	v54 =	vsub.f32 v40, v46;
	v40 =	vld [tilespmem:$0x1730];
	v1 =	vadd.f32 v1, v4  }
0x1c7: {  	v3 =	vand.u32 $0x7FFFFFFF, v3;
	v20 =	vand.u32 $0x7FFFFFFF, v61;
	v61 =	vld [tilespmem:$0x930]  }
0x1c8: {  	v46 =	vld [tilespmem:$0xB30];
	v1 =	vadd.f32 v2, v1;
	v2 =	vmul.f32 v3, v14  }
0x1c9: {  	v62 =	vsub.f32 v31, v36;
	v31 =	vld [tilespmem:$0x1720];
	v36 =	vsub.f32 v32, v37  }
0x1ca: {  	v32 =	vld [tilespmem:$0x720];
	v1 =	vadd.f32 v2, v1;
	v2 =	vmul.f32 v20, v15  }
0x1cb: {  	v63 =	vand.u32 $0x7FFFFFFF, v62;
	v37 =	vand.u32 $0x7FFFFFFF, v36;
	v36 =	vld [tilespmem:$0x1B20]  }
0x1cc: {  	v6 =	vsub.f32 v6, v29;
	v29 =	vld [tilespmem:$0x1B30];
	v1 =	vadd.f32 v2, v1;
	v2 =	vmul.f32 v63, v15  }
0x1cd: {  	v8 =	vsub.f32 v8, v26;
	v26 =	vld [tilespmem:$0x540]  }
0x1ce: {  	v53 =	vld [tilespmem:$0xB20];
	v1 =	vadd.f32 v2, v1;
	v2 =	vmul.f32 v37, v15  }
0x1cf: {  	v52 =	vsub.f32 v39, v45;
	v51 =	vand.u32 $0x7FFFFFFF, v50;
	v7 =	vsub.f32 v7, v27;
	v27 =	vld [tilespmem:$0x740]  }
0x1d0: {  	v55 =	vld [tilespmem:$0x530];
	v1 =	vadd.f32 v2, v1;
	v2 =	vmul.f32 v51, v15  }
0x1d1: {  	v21 =	vand.u32 $0x7FFFFFFF, v52;
	v23 =	vsub.f32 v25, v23;
	v25 =	vld [tilespmem:$0x940]  }
0x1d2: {  	v5 =	vsub.f32 v44, v5;
	v44 =	vld [tilespmem:$0x550];
	v1 =	vadd.f32 v2, v1;
	v2 =	vmul.f32 v21, v16  }
0x1d3: {  	v57 =	vsub.f32 v41, v47;
	v56 =	vand.u32 $0x7FFFFFFF, v54;
	v53 =	vsub.f32 v36, v53;
	v36 =	vld [tilespmem:$0x1760]  }
0x1d4: {  	v58 =	vld [tilespmem:$0x730];
	v1 =	vadd.f32 v2, v1;
	v2 =	vmul.f32 v56, v16  }
0x1d5: {  	v55 =	vsub.f32 v38, v55;
	v38 =	vld [tilespmem:$0x1960];
	v59 =	vand.u32 $0x7FFFFFFF, v57;
	v60 =	vsub.f32 v42, v48  }
0x1d6: {  	v42 =	vld [tilespmem:$0x1930];
	v1 =	vadd.f32 v2, v1;
	v2 =	vmul.f32 v59, v16  }
0x1d7: {  	v48 =	vsub.f32 v34, v43;
	v34 =	vld [tilespmem:$0xB40];
	v62 =	vand.u32 $0x7FFFFFFF, v60  }
0x1d8: {  	v43 =	vld [tilespmem:$0x1550];
	v1 =	vadd.f32 v2, v1;
	v2 =	vmul.f32 v62, v16  }
0x1d9: {  	v6 =	vand.u32 $0x7FFFFFFF, v6;
	v58 =	vsub.f32 v40, v58;
	v40 =	vld [tilespmem:$0x1B60]  }
0x1da: {  	v4 =	vld [tilespmem:$0xB10];
	v1 =	vadd.f32 v2, v1;
	v2 =	vmul.f32 v6, v17  }
0x1db: {  	v7 =	vand.u32 $0x7FFFFFFF, v7;
	v47 =	vand.u32 $0x7FFFFFFF, v23;
	v23 =	vand.u32 $0x7FFFFFFF, v48;
	v48 =	vld [tilespmem:$0x770]  }
0x1dc: {  	v3 =	vld [tilespmem:$0x1520];
	v1 =	vadd.f32 v2, v1;
	v2 =	vmul.f32 v7, v17  }
0x1dd: {  	v8 =	vand.u32 $0x7FFFFFFF, v8;
	v61 =	vsub.f32 v42, v61;
	v42 =	vld [tilespmem:$0x1570];
	v63 =	vsub.f32 v28, v24  }
0x1de: {  	v20 =	vld [tilespmem:$0x330];
	v1 =	vadd.f32 v2, v1;
	v2 =	vmul.f32 v8, v17  }
0x1df: {  	v4 =	vsub.f32 v49, v4;
	v49 =	vsub.f32 v31, v32;
	v31 =	vld [tilespmem:$0x1B50];
	v22 =	vand.u32 $0x7FFFFFFF, v63  }
0x1e0: {  	v28 =	vld [tilespmem:$0x1B40];
	v1 =	vadd.f32 v2, v1;
	v2 =	vmul.f32 v22, v17  }
0x1e1: {  	v24 =	vld [tilespmem:$0x370]  }
0x1e2: {  	v3 =	vsub.f32 v3, v30;
	v30 =	vld [tilespmem:$0x1950];
	v1 =	vadd.f32 v2, v1;
	v2 =	vmul.f32 v47, v18  }
0x1e3: {  	v50 =	vand.u32 $0x7FFFFFFF, v49;
	v49 =	vld [tilespmem:$0x1970]  }
0x1e4: {  	v63 =	vld [tilespmem:$0x570];
	v1 =	vadd.f32 v2, v1;
	v2 =	vmul.f32 v23, v18  }
0x1e5: {  	v5 =	vand.u32 $0x7FFFFFFF, v5;
	v51 =	vsub.f32 v35, v33;
	v33 =	vld [tilespmem:$0x1560]  }
0x1e6: {  	v35 =	vld [tilespmem:$0x560];
	v1 =	vadd.f32 v2, v1;
	v2 =	vmul.f32 v5, v18  }
0x1e7: {  	v4 =	vand.u32 $0x7FFFFFFF, v4;
	v21 =	vld [tilespmem:$0x340]  }
0x1e8: {  	v52 =	vand.u32 $0x7FFFFFFF, v51;
	v51 =	vld [tilespmem:$0x1B70];
	v1 =	vadd.f32 v2, v1;
	v2 =	vmul.f32 v4, v18  }
0x1e9: {  	v3 =	vand.u32 $0x7FFFFFFF, v3;
	v56 =	vld [tilespmem:$0x760]  }
0x1ea: {  	v6 =	vld [tilespmem:$0x1540];
	v1 =	vadd.f32 v2, v1;
	v2 =	vmul.f32 v3, v19  }
0x1eb: {  	v59 =	vld [tilespmem:$0x960]  }
0x1ec: {  	v62 =	vld [tilespmem:$0xB60];
	v1 =	vadd.f32 v2, v1;
	v2 =	vmul.f32 v50, v19  }
0x1ed: {  	v7 =	vld [tilespmem:$0x1740]  }
0x1ee: {  	v8 =	vld [tilespmem:$0x1940];
	v1 =	vadd.f32 v2, v1;
	v2 =	vmul.f32 v52, v19  }
0x1ef: {  	v54 =	vand.u32 $0x7FFFFFFF, v53;
	v6 =	vsub.f32 v6, v26;
	v26 =	vld [tilespmem:$0x1770]  }
0x1f0: {  	v22 =	vld [tilespmem:$0x350];
	v1 =	vadd.f32 v2, v1;
	v2 =	vmul.f32 v54, v19  }
0x1f1: {  	v57 =	vand.u32 $0x7FFFFFFF, v55;
	v47 =	vld [tilespmem:$0x1750]  }
0x1f2: {  	v23 =	vld [tilespmem:$0x360];
	v1 =	vadd.f32 v2, v1;
	v2 =	vmul.f32 v57, v20  }
0x1f3: {  	v60 =	vand.u32 $0x7FFFFFFF, v58;
	v5 =	vld [tilespmem:$0x750]  }
0x1f4: {  	v4 =	vld [tilespmem:$0x950];
	v1 =	vadd.f32 v2, v1;
	v2 =	vmul.f32 v60, v20  }
0x1f5: {  	v29 =	vsub.f32 v29, v46;
	v32 =	vand.u32 $0x7FFFFFFF, v61;
	v3 =	vld [tilespmem:$0xB50]  }
0x1f6: {  	v50 =	vld [tilespmem:$0x970];
	v1 =	vadd.f32 v2, v1;
	v2 =	vmul.f32 v32, v20  }
0x1f7: {  	v29 =	vand.u32 $0x7FFFFFFF, v29;
	v52 =	vld [tilespmem:$0xB70];
	_ =	swait.ge [sflag:s31], $0x80  }
0x1f8: {  	[sflag:s31] =	ssyncset.done $0x0;
	v1 =	vadd.f32 v2, v1;
	v2 =	vmul.f32 v29, v20  }
0x1f9: {  	v6 =	vand.u32 $0x7FFFFFFF, v6;
	v7 =	vsub.f32 v7, v27;
	[sflag:s31] =	ssyncadd.s32 $0xFFFFFF80  }
0x1fa: {  	_ =	swait.ge [sflag:s31], $0x80;
	v1 =	vadd.f32 v2, v1;
	v2 =	vmul.f32 v6, v21  }
0x1fb: {  	v7 =	vand.u32 $0x7FFFFFFF, v7;
	v8 =	vsub.f32 v8, v25;
	[sflag:s31] =	ssyncset.done $0x0  }
0x1fc: {  	[sflag:s31] =	ssyncadd.s32 $0xFFFFFF80;
	v1 =	vadd.f32 v2, v1;
	v2 =	vmul.f32 v7, v21  }
0x1fd: {  	v53 =	vsub.f32 v28, v34;
	v8 =	vand.u32 $0x7FFFFFFF, v8;
	_ =	swait.ge [sflag:s31], $0x80  }
0x1fe: {  	[sflag:s31] =	ssyncset.done $0x0;
	v1 =	vadd.f32 v2, v1;
	v2 =	vmul.f32 v8, v21  }
0x1ff: {  	v25 =	vand.u32 $0x7FFFFFFF, v53;
	v54 =	vsub.f32 v43, v44;
	[sflag:s31] =	ssyncadd.s32 $0xFFFFFF80  }
0x200: {  	_ =	swait.ge [sflag:s31], $0x80;
	v1 =	vadd.f32 v2, v1;
	v2 =	vmul.f32 v25, v21  }
0x201: {  	v5 =	vsub.f32 v47, v5;
	[sflag:s31] =	ssyncset.done $0x0;
	v47 =	vld [tilespmem:$0x1FF80];
	v8 =	vand.u32 $0x7FFFFFFF, v54  }
0x202: {  	v53 =	vld [tilespmem:$0x1FFA0];
	[sflag:s31] =	ssyncadd.s32 $0xFFFFFF80;
	v1 =	vadd.f32 v2, v1;
	v2 =	vmul.f32 v8, v22  }
0x203: {  	v4 =	vsub.f32 v30, v4;
	v5 =	vand.u32 $0x7FFFFFFF, v5;
	v58 =	vld [tilespmem:$0x580]  }
0x204: {  	v57 =	vsub.f32 v38, v59;
	v59 =	vld [tilespmem:$0x1780];
	v1 =	vadd.f32 v2, v1;
	v2 =	vmul.f32 v5, v22  }
0x205: {  	v3 =	vsub.f32 v31, v3;
	v4 =	vand.u32 $0x7FFFFFFF, v4;
	v61 =	vld [tilespmem:$0x780]  }
0x206: {  	v60 =	vsub.f32 v40, v62;
	v62 =	vld [tilespmem:$0x1980];
	v1 =	vadd.f32 v2, v1;
	v2 =	vmul.f32 v4, v22  }
0x207: {  	v55 =	vsub.f32 v33, v35;
	v56 =	vsub.f32 v36, v56;
	v3 =	vand.u32 $0x7FFFFFFF, v3;
	v36 =	vld [tilespmem:$0x980]  }
0x208: {  	v37 =	vld [tilespmem:$0x1B80];
	v1 =	vadd.f32 v2, v1;
	v2 =	vmul.f32 v3, v22  }
0x209: {  	v38 =	vld [tilespmem:$0xB80];
	v3 =	vand.u32 $0x7FFFFFFF, v55  }
0x20a: {  	v29 =	vsub.f32 v26, v48;
	v26 =	vld [tilespmem:$0x390];
	v1 =	vadd.f32 v2, v1;
	v2 =	vmul.f32 v3, v23  }
0x20b: {  	v39 =	vld [tilespmem:$0x1590];
	v4 =	vand.u32 $0x7FFFFFFF, v56  }
0x20c: {  	v40 =	vld [tilespmem:$0x590];
	v1 =	vadd.f32 v2, v1;
	v2 =	vmul.f32 v4, v23  }
0x20d: {  	v41 =	vld [tilespmem:$0x1790];
	v5 =	vand.u32 $0x7FFFFFFF, v57  }
0x20e: {  	v63 =	vsub.f32 v42, v63;
	v42 =	vld [tilespmem:$0x790];
	v1 =	vadd.f32 v2, v1;
	v2 =	vmul.f32 v5, v23  }
0x20f: {  	v28 =	vand.u32 $0x7FFFFFFF, v60;
	v43 =	vld [tilespmem:$0x1990]  }
0x210: {  	v44 =	vld [tilespmem:$0x990];
	v1 =	vadd.f32 v2, v1;
	v2 =	vmul.f32 v28, v23  }
0x211: {  	v31 =	vand.u32 $0x7FFFFFFF, v63;
	v45 =	vld [tilespmem:$0x1B90]  }
0x212: {  	v3 =	vld [tilespmem:$0x1580];
	v1 =	vadd.f32 v2, v1;
	v2 =	vmul.f32 v31, v24  }
0x213: {  	v29 =	vand.u32 $0x7FFFFFFF, v29;
	v6 =	vsub.f32 v49, v50;
	v27 =	vld [tilespmem:$0x3A0]  }
0x214: {  	v46 =	vld [tilespmem:$0x15A0];
	v1 =	vadd.f32 v2, v1;
	v2 =	vmul.f32 v29, v24  }
0x215: {  	v6 =	vand.u32 $0x7FFFFFFF, v6;
	v7 =	vsub.f32 v51, v52;
	v25 =	vld [tilespmem:$0x380]  }
0x216: {  	v48 =	vld [tilespmem:$0x5A0];
	v1 =	vadd.f32 v2, v1;
	v2 =	vmul.f32 v6, v24  }
0x217: {  	v49 =	vld [tilespmem:$0x17A0];
	v7 =	vand.u32 $0x7FFFFFFF, v7;
	v3 =	vsub.f32 v3, v58  }
0x218: {  	v50 =	vld [tilespmem:$0x1FF90];
	v1 =	vadd.f32 v2, v1;
	v2 =	vmul.f32 v7, v24  }
0x219: {  	v63 =	vld [tilespmem:$0x17B0];
	v4 =	vsub.f32 v59, v61;
	v3 =	vand.u32 $0x7FFFFFFF, v3  }
0x21a: {  	v34 =	vld [tilespmem:$0x15E0];
	v1 =	vadd.f32 v2, v1;
	v2 =	vmul.f32 v3, v25  }
0x21b: {  	v35 =	vld [tilespmem:$0x5E0];
	v32 =	vadd.f32 $0.0e+00, v47;
	v4 =	vand.u32 $0x7FFFFFFF, v4;
	v5 =	vsub.f32 v62, v36  }
0x21c: {  	v56 =	vld [tilespmem:$0x1FFB0];
	v1 =	vadd.f32 v2, v1;
	v2 =	vmul.f32 v4, v25  }
0x21d: {  	v51 =	vld [tilespmem:$0x7A0];
	v32 =	vadd.f32 v50, v32;
	v5 =	vand.u32 $0x7FFFFFFF, v5;
	v28 =	vsub.f32 v37, v38  }
0x21e: {  	v58 =	vld [tilespmem:$0x1FFC0];
	v1 =	vadd.f32 v2, v1;
	v2 =	vmul.f32 v5, v25  }
0x21f: {  	v32 =	vadd.f32 v53, v32;
	v62 =	vld [tilespmem:$0x1FFD0];
	v28 =	vand.u32 $0x7FFFFFFF, v28;
	v29 =	vsub.f32 v39, v40  }
0x220: {  	v3 =	vld [tilespmem:$0xB90];
	v1 =	vadd.f32 v2, v1;
	v2 =	vmul.f32 v28, v25  }
0x221: {  	v52 =	vld [tilespmem:$0x19A0];
	v32 =	vadd.f32 v56, v32;
	v29 =	vand.u32 $0x7FFFFFFF, v29;
	v6 =	vsub.f32 v41, v42  }
0x222: {  	v37 =	vld [tilespmem:$0x1FFE0];
	v1 =	vadd.f32 v2, v1;
	v2 =	vmul.f32 v29, v26  }
0x223: {  	v47 =	vld [tilespmem:$0x17C0];
	v32 =	vadd.f32 v58, v32;
	v6 =	vand.u32 $0x7FFFFFFF, v6;
	v7 =	vsub.f32 v43, v44  }
0x224: {  	v40 =	vld [tilespmem:$0x1FFF0];
	v6 =	vmul.f32 v6, v26;
	v2 =	vadd.f32 v2, v1  }
0x225: {  	v54 =	vld [tilespmem:$0x9A0];
	v32 =	vadd.f32 v62, v32;
	v7 =	vand.u32 $0x7FFFFFFF, v7;
	v3 =	vsub.f32 v45, v3  }
0x226: {  	v50 =	vld [tilespmem:$0x19C0];
	v60 =	vmul.f32 v7, v26;
	v2 =	vadd.f32 v6, v2  }
0x227: {  	v57 =	vld [tilespmem:$0xBA0];
	v32 =	vadd.f32 v37, v32;
	v4 =	vsub.f32 v46, v48;
	v3 =	vand.u32 $0x7FFFFFFF, v3  }
0x228: {  	v55 =	vld [tilespmem:$0x1BA0];
	v3 =	vmul.f32 v3, v26;
	v2 =	vadd.f32 v60, v2  }
0x229: {  	v59 =	vld [tilespmem:$0x15B0];
	v32 =	vadd.f32 v40, v32;
	v4 =	vand.u32 $0x7FFFFFFF, v4;
	v5 =	vsub.f32 v49, v51  }
0x22a: {  	v61 =	vld [tilespmem:$0x5B0];
	v2 =	vadd.f32 v3, v2;
	v3 =	vmul.f32 v4, v27  }
0x22b: {  	v36 =	vld [tilespmem:$0x7B0];
	v9 =	vadd.f32 v9, v32;
	v5 =	vand.u32 $0x7FFFFFFF, v5;
	v28 =	vsub.f32 v52, v54  }
0x22c: {  	v38 =	vld [tilespmem:$0x19B0];
	v5 =	vmul.f32 v5, v27;
	v3 =	vadd.f32 v3, v2  }
0x22d: {  	v8 =	vsub.f32 v55, v57;
	v9 =	vadd.f32 v10, v9;
	v28 =	vand.u32 $0x7FFFFFFF, v28;
	v1 =	vld [tilespmem:$0x3B0]  }
0x22e: {  	v39 =	vld [tilespmem:$0x9B0];
	v43 =	vmul.f32 v28, v27;
	v3 =	vadd.f32 v5, v3  }
0x22f: {  	v8 =	vand.u32 $0x7FFFFFFF, v8;
	v41 =	vld [tilespmem:$0x1BB0];
	v7 =	vsub.f32 v59, v61;
	v9 =	vadd.f32 v11, v9  }
0x230: {  	v42 =	vld [tilespmem:$0xBB0];
	v46 =	vmul.f32 v8, v27;
	v3 =	vadd.f32 v43, v3  }
0x231: {  	v44 =	vld [tilespmem:$0x15C0];
	v7 =	vand.u32 $0x7FFFFFFF, v7;
	v9 =	vadd.f32 v12, v9;
	v6 =	vsub.f32 v63, v36  }
0x232: {  	v45 =	vld [tilespmem:$0x5C0];
	v49 =	vmul.f32 v7, v1;
	v3 =	vadd.f32 v46, v3  }
0x233: {  	v53 =	vld [tilespmem:$0x1BC0];
	v9 =	vadd.f32 v13, v9;
	v6 =	vand.u32 $0x7FFFFFFF, v6;
	v4 =	vsub.f32 v38, v39  }
0x234: {  	v48 =	vld [tilespmem:$0x7C0];
	v52 =	vmul.f32 v6, v1;
	v3 =	vadd.f32 v49, v3  }
0x235: {  	v54 =	vsub.f32 v41, v42;
	v9 =	vadd.f32 v14, v9;
	v2 =	vld [tilespmem:$0x3C0];
	v4 =	vand.u32 $0x7FFFFFFF, v4  }
0x236: {  	v51 =	vld [tilespmem:$0x9C0];
	v4 =	vmul.f32 v4, v1;
	v3 =	vadd.f32 v52, v3  }
0x237: {  	v56 =	vld [tilespmem:$0x15D0];
	v13 =	vand.u32 $0x7FFFFFFF, v54;
	v10 =	vsub.f32 v44, v45;
	v9 =	vadd.f32 v15, v9  }
0x238: {  	v55 =	vld [tilespmem:$0xBC0];
	v57 =	vmul.f32 v13, v1;
	v3 =	vadd.f32 v4, v3  }
0x239: {  	v58 =	vld [tilespmem:$0x5D0];
	v8 =	vsub.f32 v47, v48;
	v10 =	vand.u32 $0x7FFFFFFF, v10;
	v9 =	vadd.f32 v16, v9  }
0x23a: {  	v62 =	vld [tilespmem:$0x19D0];
	v60 =	vmul.f32 v10, v2;
	v3 =	vadd.f32 v57, v3  }
0x23b: {  	v59 =	vld [tilespmem:$0x17D0];
	v8 =	vand.u32 $0x7FFFFFFF, v8;
	v7 =	vsub.f32 v50, v51;
	v9 =	vadd.f32 v17, v9  }
0x23c: {  	v61 =	vld [tilespmem:$0x7D0];
	v63 =	vmul.f32 v8, v2;
	v3 =	vadd.f32 v60, v3  }
0x23d: {  	v6 =	vsub.f32 v53, v55;
	v7 =	vand.u32 $0x7FFFFFFF, v7;
	v5 =	vld [tilespmem:$0x3D0];
	v9 =	vadd.f32 v18, v9  }
0x23e: {  	v28 =	vld [tilespmem:$0x9D0];
	v30 =	vmul.f32 v7, v2;
	v3 =	vadd.f32 v63, v3  }
0x23f: {  	v31 =	vld [tilespmem:$0xBD0];
	v13 =	vsub.f32 v56, v58;
	v6 =	vand.u32 $0x7FFFFFFF, v6;
	v9 =	vadd.f32 v19, v9  }
0x240: {  	v29 =	vld [tilespmem:$0x1BD0];
	v33 =	vmul.f32 v6, v2;
	v3 =	vadd.f32 v30, v3  }
0x241: {  	v37 =	vld [tilespmem:$0x17E0];
	v13 =	vand.u32 $0x7FFFFFFF, v13;
	v10 =	vsub.f32 v59, v61;
	v9 =	vadd.f32 v20, v9  }
0x242: {  	v40 =	vld [tilespmem:$0x19E0];
	v36 =	vmul.f32 v13, v5;
	v3 =	vadd.f32 v33, v3  }
0x243: {  	v32 =	vld [tilespmem:$0x3E0];
	v8 =	vsub.f32 v62, v28;
	v10 =	vand.u32 $0x7FFFFFFF, v10;
	v9 =	vadd.f32 v21, v9  }
0x244: {  	v38 =	vld [tilespmem:$0x7E0];
	v39 =	vmul.f32 v10, v5;
	v3 =	vadd.f32 v36, v3  }
0x245: {  	v41 =	vld [tilespmem:$0x9E0];
	v7 =	vsub.f32 v29, v31;
	v8 =	vand.u32 $0x7FFFFFFF, v8;
	v9 =	vadd.f32 v22, v9  }
0x246: {  	v47 =	vld [tilespmem:$0x15F0];
	v42 =	vmul.f32 v8, v5;
	v3 =	vadd.f32 v39, v3  }
0x247: {  	v44 =	vld [tilespmem:$0xBE0];
	v6 =	vsub.f32 v34, v35;
	v7 =	vand.u32 $0x7FFFFFFF, v7;
	v9 =	vadd.f32 v23, v9  }
0x248: {  	v43 =	vld [tilespmem:$0x1BE0];
	v45 =	vmul.f32 v7, v5;
	v3 =	vadd.f32 v42, v3  }
0x249: {  	v50 =	vld [tilespmem:$0x17F0];
	v12 =	vsub.f32 v37, v38;
	v6 =	vand.u32 $0x7FFFFFFF, v6;
	v9 =	vadd.f32 v24, v9  }
0x24a: {  	v48 =	vmul.f32 v6, v32;
	v49 =	vld [tilespmem:$0x5F0];
	v3 =	vadd.f32 v45, v3  }
0x24b: {  	v53 =	vld [tilespmem:$0x19F0];
	v12 =	vand.u32 $0x7FFFFFFF, v12;
	v10 =	vsub.f32 v40, v41;
	v9 =	vadd.f32 v25, v9  }
0x24c: {  	v51 =	vmul.f32 v12, v32;
	v52 =	vld [tilespmem:$0x7F0];
	v3 =	vadd.f32 v48, v3  }
0x24d: {  	v46 =	vld [tilespmem:$0x3F0];
	v8 =	vsub.f32 v43, v44;
	v10 =	vand.u32 $0x7FFFFFFF, v10;
	v9 =	vadd.f32 v26, v9  }
0x24e: {  	v55 =	vld [tilespmem:$0x9F0];
	v54 =	vmul.f32 v10, v32;
	v3 =	vadd.f32 v51, v3  }
0x24f: {  	v56 =	vld [tilespmem:$0x1BF0];
	v8 =	vand.u32 $0x7FFFFFFF, v8;
	v6 =	vsub.f32 v47, v49;
	v9 =	vadd.f32 v27, v9  }
0x250: {  	v58 =	vld [tilespmem:$0xBF0];
	v57 =	vmul.f32 v8, v32;
	v3 =	vadd.f32 v54, v3  }
0x251: {  	v12 =	vsub.f32 v50, v52;
	v6 =	vand.u32 $0x7FFFFFFF, v6;
	v1 =	vadd.f32 v1, v9  }
0x252: {  	v59 =	vmul.f32 v6, v46;
	v3 =	vadd.f32 v57, v3  }
0x253: {  	v60 =	vsub.f32 v53, v55;
	v61 =	vand.u32 $0x7FFFFFFF, v12;
	v1 =	vadd.f32 v2, v1  }
0x254: {  	v62 =	vmul.f32 v61, v46;
	v3 =	vadd.f32 v59, v3  }
0x255: {  	v6 =	vand.u32 $0x7FFFFFFF, v60;
	v2 =	vsub.f32 v56, v58;
	v1 =	vadd.f32 v5, v1  }
0x256: {  	v63 =	vmul.f32 v6, v46;
	v3 =	vadd.f32 v62, v3  }
0x257: {  	v2 =	vand.u32 $0x7FFFFFFF, v2;
	v1 =	vadd.f32 v32, v1  }
0x258: {  	v2 =	vmul.f32 v2, v46;
	v3 =	vadd.f32 v63, v3  }
0x259: {  	v1 =	vadd.f32 v46, v1  }
0x25a: {  	v2 =	vadd.f32 v2, v3  }
0x25b: {  	p0 =	sne.s32 s4, $0x1;
	[tilespmem:$0x1C10] =	vst v1  }
.Ltmp0:
0x25c: {  	s9 =	rddreg [dreg:$0x5];
	[tilespmem:$0x1C00] =	vst v2;
	(pc) =	sbr.rel @p0 .LBB2_1-.Ltmp0, $4  }
0x25d: {  	[hbm4b:s9+s3] =	stream.linear.scatter [tilespmem:s1], [sflag:$0x2], $0x80, $0x38;
	[tilespmem:$0x1C80] =	vst v63  }
0x25e: {  	_ =	swait.ge [sflag:s5], $0x80  }
0x25f: {  	[sflag:s5] =	ssyncset.done $0x0  }
0x260: {  	s4 =	sadd.s32 $0xFFFFFFFF, s4;
	[sflag:s5] =	ssyncadd.s32 $0xFFFFFF80  }
0x261: {  	_ =	sfence.sel $0x180000  }
0x262: {  	[bflag:$0x0] =	sbarrier.arrive $0xFFFF  }
0x263: {  	_ =	strace $0x90000047  }
0x264: {  	s0 =	stileid.u32;
	[bflag:$0x2] =	sbarrier.arrive $0xFFFF  }
0x265: {  	p0 =	sne.s32 s0, $0x0;
	s0 =	rddreg [dreg:$0x2]  }
0x266: {  	s0 =	sadd.s32 @!p0 $0x100000, s0  }
0x267: {  	[sflag:s0] =	ssyncadd.tile.s32 @!p0 $0x1;
	_ =	shalt  }
.Lfunc_end2:
_tile_overlayer_lowered:
.L_overlay_start_2:
0x268: {  	(tag) =	ssettag $0x2  }
0x269: {  	s0 =	rddreg [dreg:$0x0];
	s2 =	stileid.u32  }
0x26a: {  	s1 =	rddreg [dreg:$0x1];
	p0 =	sne.s32 s2, $0x0  }
0x26b: {  	s3 =	rddreg [dreg:$0x2];
	[bflag:$0x3] =	sbarrier.arrive $0xFFFF;
	s2 =	simm.s32 @!p0 $0x1C02  }
0x26c: {  	[timem:s3], [sflag:s2] =	dma.local @!p0 [hbm:s0], s1  }
0x26d: {  	s0 =	simm.s32 @!p0 $0x2  }
0x26e: {  	_ =	swait.ge @!p0 [sflag:s0], s1  }
0x26f: {  	s1 =	ssub.s32 @!p0 $0x0, s1;
	[sflag:s0] =	ssyncset.done @!p0 $0x0  }
0x270: {  	[sflag:s0] =	ssyncadd.s32 @!p0 s1  }
0x271: {  	[bflag:$0x3] =	sbarrier.arrive $0xFFFF  }
0x272: {  	_ =	shalt  }

</sc_bundles>
